<compile_context>
chip_gen: v7x
topology: tpu7x:2x2x1
jax: 0.10.2.dev20260603
libtpu: 0.0.44.dev20260713+nightly
codegen_flags: <defaults>
</compile_context>

<pallas_src>
import jax
import jax.numpy as jnp
from jax import lax
from jax.experimental import pallas as pl
from jax.experimental.pallas import tpu as pltpu
from jax.experimental.pallas import tpu_sc as plsc

_N = 10000
_E = 320000
_IN_CH = 128
_HID = 32
_LAT = 16

_NC = 2
_NS = 16
_NW = _NC * _NS
_EPW = _E // _NW
_CHUNK = 200
_K = _EPW // _CHUNK
_NBUF = 10
_RPT = _N // _NS

_mesh = plsc.VectorSubcoreMesh(core_axis_name="c", subcore_axis_name="s")
_sc_params = pltpu.CompilerParams(needs_layout_passes=False,
                                  use_tc_tiling_on_sc=False)


def _kernel_decorator(out_type, scratch_types):
    def deco(f):
        return pl.kernel(f, out_type=out_type, mesh=_mesh,
                         scratch_types=scratch_types,
                         compiler_params=_sc_params)
    return deco


@_kernel_decorator(
    jax.ShapeDtypeStruct((_NW, _N), jnp.float32),
    [
        pltpu.VMEM((_EPW,), jnp.int32),
        pltpu.VMEM((_N,), jnp.float32),
    ],
)
def _sc_degree(dst_flat_hbm, out_hbm, dstv, deg):
    wid = lax.axis_index("c") * _NS + lax.axis_index("s")

    def _zero(i, _):
        deg[pl.ds(i * 16, 16)] = jnp.zeros((16,), jnp.float32)
        return 0

    lax.fori_loop(0, _N // 16, _zero, 0)
    pltpu.sync_copy(dst_flat_hbm.at[wid], dstv)
    ones = jnp.ones((16,), jnp.float32)

    def _acc(v, _):
        idx = dstv[pl.ds(v * 16, 16)]
        plsc.addupdate_scatter(deg, [idx], ones)
        return 0

    lax.fori_loop(0, _EPW // 16, _acc, 0)
    pltpu.sync_copy(deg, out_hbm.at[wid])


@_kernel_decorator(
    jax.ShapeDtypeStruct((_NC, _N, _HID), jnp.float32),
    [
        pltpu.VMEM((_K, _CHUNK), jnp.int32),
        pltpu.VMEM((_K, _CHUNK), jnp.int32),
    ] + [pltpu.VMEM((_CHUNK, _HID), jnp.float32)] * _NBUF
      + [pltpu.SemaphoreType.DMA] * (2 * _NBUF)
      + [pltpu.VMEM_SHARED((_N, _HID), jnp.float32)] * 2,
)
def _sc_scatter_rows(table_hbm, src_hbm, dst_hbm, zeros_hbm, out_hbm,
                     srcv, dstv, *rest):
    rows = rest[:_NBUF]
    gsem = rest[_NBUF:2 * _NBUF]
    ssem = rest[2 * _NBUF:3 * _NBUF]
    acc = rest[3 * _NBUF]
    tab = rest[3 * _NBUF + 1]
    c = lax.axis_index("c")
    s = lax.axis_index("s")
    wid = c * _NS + s
    r0 = s * _RPT

    pltpu.sync_copy(zeros_hbm.at[pl.ds(r0, _RPT)], acc.at[pl.ds(r0, _RPT)])
    pltpu.sync_copy(table_hbm.at[pl.ds(r0, _RPT)], tab.at[pl.ds(r0, _RPT)])
    pltpu.sync_copy(src_hbm.at[wid], srcv)
    pltpu.sync_copy(dst_hbm.at[wid], dstv)
    plsc.subcore_barrier()

    def _src(b):
        return table_hbm if b < 2 else tab

    for b in range(_NBUF):
        pltpu.async_copy(_src(b).at[srcv.at[b]], rows[b], gsem[b])

    def _step(it, _):
        for b in range(_NBUF):
            j = it * _NBUF + b
            pltpu.make_async_copy(_src(b).at[srcv.at[j]], rows[b],
                                  gsem[b]).wait()
            pltpu.async_copy(rows[b], acc.at[dstv.at[j]], ssem[b], add=True)
        for b in range(_NBUF):
            j = it * _NBUF + b
            pltpu.make_async_copy(rows[b], acc.at[dstv.at[j]], ssem[b]).wait()
            pltpu.async_copy(_src(b).at[srcv.at[j + _NBUF]], rows[b], gsem[b])
        return 0

    lax.fori_loop(0, _K // _NBUF - 1, _step, 0)
    for b in range(_NBUF):
        j = _K - _NBUF + b
        pltpu.make_async_copy(_src(b).at[srcv.at[j]], rows[b], gsem[b]).wait()
        pltpu.async_copy(rows[b], acc.at[dstv.at[j]], ssem[b], add=True)
    for b in range(_NBUF):
        j = _K - _NBUF + b
        pltpu.make_async_copy(rows[b], acc.at[dstv.at[j]], ssem[b]).wait()

    plsc.subcore_barrier()
    pltpu.sync_copy(acc.at[pl.ds(r0, _RPT)], out_hbm.at[c, pl.ds(r0, _RPT)])


def _tc_prepare1_body(deg_parts, x, w1, table1, dinv):
    deg = 1.0 + jnp.sum(deg_parts[...], axis=0)
    di = lax.rsqrt(deg)
    h = jnp.dot(x[...], w1[...], preferred_element_type=jnp.float32)
    table1[...] = h * di[:, None]
    dinv[...] = di[:, None]


def _tc_prepare2_body(accs, table1, dinv, b1, wcat, table2):
    di = dinv[...]
    pre = (accs[0] + accs[1] + table1[...]) * di + b1[...][None, :]
    h = jnp.maximum(pre, 0.0)
    table2[...] = jnp.dot(h, wcat[...], preferred_element_type=jnp.float32) * di


def _tc_final_body(accs, table2, dinv, bcat, mu, lv):
    res = (accs[0] + accs[1] + table2[...]) * dinv[...] + bcat[...][None, :]
    mu[...] = res[:, :_LAT]
    lv[...] = res[:, _LAT:]


def kernel(x, edge_index, W1, b1, W_mu, b_mu, W_lv, b_lv):
    src_w = edge_index[0].reshape(_NW, _K, _CHUNK)
    dst_w = edge_index[1].reshape(_NW, _K, _CHUNK)
    dst_flat = edge_index[1].reshape(_NW, _EPW)

    wcat = jnp.concatenate([W_mu, W_lv], axis=1)
    bcat = jnp.concatenate([b_mu, b_lv])
    zeros_rows = jnp.zeros((_N, _HID), jnp.float32)

    deg_parts = _sc_degree(dst_flat)

    table1, dinv = pl.pallas_call(
        _tc_prepare1_body,
        out_shape=(
            jax.ShapeDtypeStruct((_N, _HID), jnp.float32),
            jax.ShapeDtypeStruct((_N, 1), jnp.float32),
        ),
    )(deg_parts, x, W1)

    acc1 = _sc_scatter_rows(table1, src_w, dst_w, zeros_rows)

    table2 = pl.pallas_call(
        _tc_prepare2_body,
        out_shape=jax.ShapeDtypeStruct((_N, _HID), jnp.float32),
    )(acc1, table1, dinv, b1, wcat)

    acc2 = _sc_scatter_rows(table2, src_w, dst_w, zeros_rows)

    mu, lv = pl.pallas_call(
        _tc_final_body,
        out_shape=(
            jax.ShapeDtypeStruct((_N, _LAT), jnp.float32),
            jax.ShapeDtypeStruct((_N, _LAT), jnp.float32),
        ),
    )(acc2, table2, dinv, bcat)
    return (mu, lv)

# --- scband reference (transcript-rebuilt; emitter-appended) ---
"""Pipeline reference for scband-gcnencoder-68092411511097 (READ-ONLY COPY).

The authoritative reference and input builder live on the scoring server;
editing this copy changes nothing except your own understanding.
"""

import jax, jax.numpy as jnp
import numpy as np

N = 10000
E = 320000
IN_CH = 128
HID = 32
LAT = 16


def gcn_conv(x, src, dst, W, b, num_nodes):
    # PyG GCNConv: add self-loops, symmetric normalization, linear, scatter-add, bias
    loop = jnp.arange(num_nodes, dtype=src.dtype)
    src2 = jnp.concatenate([src, loop])
    dst2 = jnp.concatenate([dst, loop])
    deg = jnp.zeros((num_nodes,), dtype=x.dtype).at[dst2].add(1.0)
    dinv = jnp.where(deg > 0, 1.0 / jnp.sqrt(deg), 0.0)
    norm = dinv[src2] * dinv[dst2]
    h = x @ W
    msg = h[src2] * norm[:, None]
    out = jnp.zeros((num_nodes, W.shape[1]), dtype=x.dtype).at[dst2].add(msg)
    return out + b


def setup_inputs(seed: int = 0) -> dict:
    key = jax.random.key(seed)
    ks = jax.random.split(key, 8)
    x = jax.random.normal(ks[0], (N, IN_CH), dtype=jnp.float32)
    edge_index = jax.random.randint(ks[1], (2, E), 0, N, dtype=jnp.int32)
    W1 = jax.random.normal(ks[2], (IN_CH, HID), dtype=jnp.float32) * (1.0 / np.sqrt(IN_CH))
    b1 = jnp.zeros((HID,), dtype=jnp.float32)
    W_mu = jax.random.normal(ks[3], (HID, LAT), dtype=jnp.float32) * (1.0 / np.sqrt(HID))
    b_mu = jnp.zeros((LAT,), dtype=jnp.float32)
    W_lv = jax.random.normal(ks[4], (HID, LAT), dtype=jnp.float32) * (1.0 / np.sqrt(HID))
    b_lv = jnp.zeros((LAT,), dtype=jnp.float32)
    return {"x": x, "edge_index": edge_index, "W1": W1, "b1": b1,
            "W_mu": W_mu, "b_mu": b_mu, "W_lv": W_lv, "b_lv": b_lv}


def reference(x, edge_index, W1, b1, W_mu, b_mu, W_lv, b_lv):
    src = edge_index[0]
    dst = edge_index[1]
    h = jax.nn.relu(gcn_conv(x, src, dst, W1, b1, N))
    mu = gcn_conv(h, src, dst, W_mu, b_mu, N)
    logvar = gcn_conv(h, src, dst, W_lv, b_lv, N)
    return (mu, logvar)

if __name__ == "__main__":
    import jax
    _d = setup_inputs()
    print(jax.jit(kernel)(*tuple(_d.values())))

</pallas_src>

<mosaic_0001>
#map = affine_map<(d0, d1) -> (0, 0)>
#map1 = affine_map<(d0, d1) -> (0, 0, 0)>
module attributes {stable_mosaic.version = 14 : i64} {
  func.func @_sc_scatter_rows(%arg0: i32, %arg1: i32, %arg2: memref<10000x32xf32, #tpu.memory_space<hbm>>, %arg3: memref<32x50x200xi32, #tpu.memory_space<hbm>>, %arg4: memref<32x50x200xi32, #tpu.memory_space<hbm>>, %arg5: memref<10000x32xf32, #tpu.memory_space<hbm>>, %arg6: memref<2x10000x32xf32, #tpu.memory_space<hbm>>, %arg7: memref<50x200xi32, #tpu.memory_space<vmem>>, %arg8: memref<50x200xi32, #tpu.memory_space<vmem>>, %arg9: memref<200x32xf32, #tpu.memory_space<vmem>>, %arg10: memref<200x32xf32, #tpu.memory_space<vmem>>, %arg11: memref<200x32xf32, #tpu.memory_space<vmem>>, %arg12: memref<200x32xf32, #tpu.memory_space<vmem>>, %arg13: memref<200x32xf32, #tpu.memory_space<vmem>>, %arg14: memref<200x32xf32, #tpu.memory_space<vmem>>, %arg15: memref<200x32xf32, #tpu.memory_space<vmem>>, %arg16: memref<200x32xf32, #tpu.memory_space<vmem>>, %arg17: memref<200x32xf32, #tpu.memory_space<vmem>>, %arg18: memref<200x32xf32, #tpu.memory_space<vmem>>, %arg19: memref<!tpu.dma_semaphore, #tpu.memory_space<semaphore_mem>>, %arg20: memref<!tpu.dma_semaphore, #tpu.memory_space<semaphore_mem>>, %arg21: memref<!tpu.dma_semaphore, #tpu.memory_space<semaphore_mem>>, %arg22: memref<!tpu.dma_semaphore, #tpu.memory_space<semaphore_mem>>, %arg23: memref<!tpu.dma_semaphore, #tpu.memory_space<semaphore_mem>>, %arg24: memref<!tpu.dma_semaphore, #tpu.memory_space<semaphore_mem>>, %arg25: memref<!tpu.dma_semaphore, #tpu.memory_space<semaphore_mem>>, %arg26: memref<!tpu.dma_semaphore, #tpu.memory_space<semaphore_mem>>, %arg27: memref<!tpu.dma_semaphore, #tpu.memory_space<semaphore_mem>>, %arg28: memref<!tpu.dma_semaphore, #tpu.memory_space<semaphore_mem>>, %arg29: memref<!tpu.dma_semaphore, #tpu.memory_space<semaphore_mem>>, %arg30: memref<!tpu.dma_semaphore, #tpu.memory_space<semaphore_mem>>, %arg31: memref<!tpu.dma_semaphore, #tpu.memory_space<semaphore_mem>>, %arg32: memref<!tpu.dma_semaphore, #tpu.memory_space<semaphore_mem>>, %arg33: memref<!tpu.dma_semaphore, #tpu.memory_space<semaphore_mem>>, %arg34: memref<!tpu.dma_semaphore, #tpu.memory_space<semaphore_mem>>, %arg35: memref<!tpu.dma_semaphore, #tpu.memory_space<semaphore_mem>>, %arg36: memref<!tpu.dma_semaphore, #tpu.memory_space<semaphore_mem>>, %arg37: memref<!tpu.dma_semaphore, #tpu.memory_space<semaphore_mem>>, %arg38: memref<!tpu.dma_semaphore, #tpu.memory_space<semaphore_mem>>, %arg39: memref<10000x32xf32, #tpu.memory_space<vmem_shared>>, %arg40: memref<10000x32xf32, #tpu.memory_space<vmem_shared>>) attributes {dimension_semantics = [#tpu.dimension_semantics<core_parallel>, #tpu.dimension_semantics<subcore_parallel>], iteration_bounds = array<i64: 2, 16>, scalar_prefetch = 0 : i64, scratch_operands = 34 : i64, tpu.core_type = #tpu.core_type<sc_vector_subcore>, window_params = [{transform_indices = #map}, {transform_indices = #map1}, {transform_indices = #map1}, {transform_indices = #map}, {transform_indices = #map1}]} {
    %mul3A = arith.constant 16 : i32
    %mul3A_0 = arith.muli %arg0, %mul3A : i32
    %add3A = arith.addi %mul3A_0, %arg1 : i32
    %mul3A_1 = arith.constant 625 : i32
    %mul3A_2 = arith.muli %arg1, %mul3A_1 : i32
    "tpu.region"() ({
      %run_scoped3A = tpu.sem_alloc : memref<!tpu.dma_semaphore, #tpu.memory_space<semaphore_mem>>
      %dma_start3A_288 = arith.constant 0 : i32
      %dma_start3A_289 = tpu.memref_slice %arg39[%mul3A_2, %dma_start3A_288] : memref<10000x32xf32, #tpu.memory_space<vmem_shared>> -> memref<625x32xf32, #tpu.memory_space<vmem_shared>>
      %dma_start3A_290 = arith.constant 0 : i32
      %dma_start3A_291 = tpu.memref_slice %arg5[%mul3A_2, %dma_start3A_290] : memref<10000x32xf32, #tpu.memory_space<hbm>> -> memref<625x32xf32, #tpu.memory_space<hbm>>
      tpu.enqueue_dma source(%dma_start3A_291 : memref<625x32xf32, #tpu.memory_space<hbm>>) target(%dma_start3A_289 : memref<625x32xf32, #tpu.memory_space<vmem_shared>>) target_semaphore(%run_scoped3A : memref<!tpu.dma_semaphore, #tpu.memory_space<semaphore_mem>>)
      %dma_wait3A_292 = arith.constant 0 : i32
      %dma_wait3A_293 = tpu.memref_slice %arg39[%mul3A_2, %dma_wait3A_292] : memref<10000x32xf32, #tpu.memory_space<vmem_shared>> -> memref<625x32xf32, #tpu.memory_space<vmem_shared>>
      %dma_wait3A_294 = arith.constant 0 : i32
      %dma_wait3A_295 = tpu.memref_slice %arg5[%mul3A_2, %dma_wait3A_294] : memref<10000x32xf32, #tpu.memory_space<hbm>> -> memref<625x32xf32, #tpu.memory_space<hbm>>
      tpu.wait_dma2 semaphore(%run_scoped3A : memref<!tpu.dma_semaphore, #tpu.memory_space<semaphore_mem>>) src(%dma_wait3A_295 : memref<625x32xf32, #tpu.memory_space<hbm>>) dst(%dma_wait3A_293 : memref<625x32xf32, #tpu.memory_space<vmem_shared>>)
      tpu.yield
    }) : () -> ()
    "tpu.region"() ({
      %run_scoped3A = tpu.sem_alloc : memref<!tpu.dma_semaphore, #tpu.memory_space<semaphore_mem>>
      %dma_start3A_288 = arith.constant 0 : i32
      %dma_start3A_289 = tpu.memref_slice %arg40[%mul3A_2, %dma_start3A_288] : memref<10000x32xf32, #tpu.memory_space<vmem_shared>> -> memref<625x32xf32, #tpu.memory_space<vmem_shared>>
      %dma_start3A_290 = arith.constant 0 : i32
      %dma_start3A_291 = tpu.memref_slice %arg2[%mul3A_2, %dma_start3A_290] : memref<10000x32xf32, #tpu.memory_space<hbm>> -> memref<625x32xf32, #tpu.memory_space<hbm>>
      tpu.enqueue_dma source(%dma_start3A_291 : memref<625x32xf32, #tpu.memory_space<hbm>>) target(%dma_start3A_289 : memref<625x32xf32, #tpu.memory_space<vmem_shared>>) target_semaphore(%run_scoped3A : memref<!tpu.dma_semaphore, #tpu.memory_space<semaphore_mem>>)
      %dma_wait3A_292 = arith.constant 0 : i32
      %dma_wait3A_293 = tpu.memref_slice %arg40[%mul3A_2, %dma_wait3A_292] : memref<10000x32xf32, #tpu.memory_space<vmem_shared>> -> memref<625x32xf32, #tpu.memory_space<vmem_shared>>
      %dma_wait3A_294 = arith.constant 0 : i32
      %dma_wait3A_295 = tpu.memref_slice %arg2[%mul3A_2, %dma_wait3A_294] : memref<10000x32xf32, #tpu.memory_space<hbm>> -> memref<625x32xf32, #tpu.memory_space<hbm>>
      tpu.wait_dma2 semaphore(%run_scoped3A : memref<!tpu.dma_semaphore, #tpu.memory_space<semaphore_mem>>) src(%dma_wait3A_295 : memref<625x32xf32, #tpu.memory_space<hbm>>) dst(%dma_wait3A_293 : memref<625x32xf32, #tpu.memory_space<vmem_shared>>)
      tpu.yield
    }) : () -> ()
    "tpu.region"() ({
      %run_scoped3A = tpu.sem_alloc : memref<!tpu.dma_semaphore, #tpu.memory_space<semaphore_mem>>
      %dma_start3A_288 = arith.constant 0 : i32
      %dma_start3A_289 = arith.constant 0 : i32
      %dma_start3A_290 = tpu.memref_slice %arg3[%add3A, %dma_start3A_288, %dma_start3A_289] : memref<32x50x200xi32, #tpu.memory_space<hbm>> -> memref<1x50x200xi32, #tpu.memory_space<hbm>>
      %dma_start3A_291 = tpu.memref_squeeze %dma_start3A_290 : memref<1x50x200xi32, #tpu.memory_space<hbm>> -> memref<50x200xi32, #tpu.memory_space<hbm>>
      %dma_start3A_292 = arith.constant 0 : i32
      %dma_start3A_293 = arith.constant 0 : i32
      %dma_start3A_294 = tpu.memref_slice %arg3[%add3A, %dma_start3A_292, %dma_start3A_293] : memref<32x50x200xi32, #tpu.memory_space<hbm>> -> memref<1x50x200xi32, #tpu.memory_space<hbm>>
      %dma_start3A_295 = tpu.memref_squeeze %dma_start3A_294 : memref<1x50x200xi32, #tpu.memory_space<hbm>> -> memref<50x200xi32, #tpu.memory_space<hbm>>
      tpu.enqueue_dma source(%dma_start3A_295 : memref<50x200xi32, #tpu.memory_space<hbm>>) target(%arg7 : memref<50x200xi32, #tpu.memory_space<vmem>>) target_semaphore(%run_scoped3A : memref<!tpu.dma_semaphore, #tpu.memory_space<semaphore_mem>>)
      %dma_wait3A_296 = arith.constant 0 : i32
      %dma_wait3A_297 = arith.constant 0 : i32
      %dma_wait3A_298 = tpu.memref_slice %arg3[%add3A, %dma_wait3A_296, %dma_wait3A_297] : memref<32x50x200xi32, #tpu.memory_space<hbm>> -> memref<1x50x200xi32, #tpu.memory_space<hbm>>
      %dma_wait3A_299 = tpu.memref_squeeze %dma_wait3A_298 : memref<1x50x200xi32, #tpu.memory_space<hbm>> -> memref<50x200xi32, #tpu.memory_space<hbm>>
      %dma_wait3A_300 = arith.constant 0 : i32
      %dma_wait3A_301 = arith.constant 0 : i32
      %dma_wait3A_302 = tpu.memref_slice %arg3[%add3A, %dma_wait3A_300, %dma_wait3A_301] : memref<32x50x200xi32, #tpu.memory_space<hbm>> -> memref<1x50x200xi32, #tpu.memory_space<hbm>>
      %dma_wait3A_303 = tpu.memref_squeeze %dma_wait3A_302 : memref<1x50x200xi32, #tpu.memory_space<hbm>> -> memref<50x200xi32, #tpu.memory_space<hbm>>
      tpu.wait_dma2 semaphore(%run_scoped3A : memref<!tpu.dma_semaphore, #tpu.memory_space<semaphore_mem>>) src(%dma_wait3A_303 : memref<50x200xi32, #tpu.memory_space<hbm>>) dst(%arg7 : memref<50x200xi32, #tpu.memory_space<vmem>>)
      tpu.yield
    }) : () -> ()
    "tpu.region"() ({
      %run_scoped3A = tpu.sem_alloc : memref<!tpu.dma_semaphore, #tpu.memory_space<semaphore_mem>>
      %dma_start3A_288 = arith.constant 0 : i32
      %dma_start3A_289 = arith.constant 0 : i32
      %dma_start3A_290 = tpu.memref_slice %arg4[%add3A, %dma_start3A_288, %dma_start3A_289] : memref<32x50x200xi32, #tpu.memory_space<hbm>> -> memref<1x50x200xi32, #tpu.memory_space<hbm>>
      %dma_start3A_291 = tpu.memref_squeeze %dma_start3A_290 : memref<1x50x200xi32, #tpu.memory_space<hbm>> -> memref<50x200xi32, #tpu.memory_space<hbm>>
      %dma_start3A_292 = arith.constant 0 : i32
      %dma_start3A_293 = arith.constant 0 : i32
      %dma_start3A_294 = tpu.memref_slice %arg4[%add3A, %dma_start3A_292, %dma_start3A_293] : memref<32x50x200xi32, #tpu.memory_space<hbm>> -> memref<1x50x200xi32, #tpu.memory_space<hbm>>
      %dma_start3A_295 = tpu.memref_squeeze %dma_start3A_294 : memref<1x50x200xi32, #tpu.memory_space<hbm>> -> memref<50x200xi32, #tpu.memory_space<hbm>>
      tpu.enqueue_dma source(%dma_start3A_295 : memref<50x200xi32, #tpu.memory_space<hbm>>) target(%arg8 : memref<50x200xi32, #tpu.memory_space<vmem>>) target_semaphore(%run_scoped3A : memref<!tpu.dma_semaphore, #tpu.memory_space<semaphore_mem>>)
      %dma_wait3A_296 = arith.constant 0 : i32
      %dma_wait3A_297 = arith.constant 0 : i32
      %dma_wait3A_298 = tpu.memref_slice %arg4[%add3A, %dma_wait3A_296, %dma_wait3A_297] : memref<32x50x200xi32, #tpu.memory_space<hbm>> -> memref<1x50x200xi32, #tpu.memory_space<hbm>>
      %dma_wait3A_299 = tpu.memref_squeeze %dma_wait3A_298 : memref<1x50x200xi32, #tpu.memory_space<hbm>> -> memref<50x200xi32, #tpu.memory_space<hbm>>
      %dma_wait3A_300 = arith.constant 0 : i32
      %dma_wait3A_301 = arith.constant 0 : i32
      %dma_wait3A_302 = tpu.memref_slice %arg4[%add3A, %dma_wait3A_300, %dma_wait3A_301] : memref<32x50x200xi32, #tpu.memory_space<hbm>> -> memref<1x50x200xi32, #tpu.memory_space<hbm>>
      %dma_wait3A_303 = tpu.memref_squeeze %dma_wait3A_302 : memref<1x50x200xi32, #tpu.memory_space<hbm>> -> memref<50x200xi32, #tpu.memory_space<hbm>>
      tpu.wait_dma2 semaphore(%run_scoped3A : memref<!tpu.dma_semaphore, #tpu.memory_space<semaphore_mem>>) src(%dma_wait3A_303 : memref<50x200xi32, #tpu.memory_space<hbm>>) dst(%arg8 : memref<50x200xi32, #tpu.memory_space<vmem>>)
      tpu.yield
    }) : () -> ()
    %barrier3A = arith.constant 0 : index
    tpu.barrier barrier_id(%barrier3A)
    %dma_start3A = arith.constant 0 : i32
    %dma_start3A_3 = arith.constant 0 : i32
    %dma_start3A_4 = tpu.memref_slice %arg7[%dma_start3A, %dma_start3A_3] : memref<50x200xi32, #tpu.memory_space<vmem>> -> memref<1x200xi32, #tpu.memory_space<vmem>>
    %dma_start3A_5 = tpu.memref_squeeze %dma_start3A_4 : memref<1x200xi32, #tpu.memory_space<vmem>> -> memref<200xi32, #tpu.memory_space<vmem>>
    %dma_start3A_6 = arith.constant 0 : i32
    %dma_start3A_7 = arith.constant 0 : i32
    %dma_start3A_8 = tpu.memref_slice %arg2[%dma_start3A_6, %dma_start3A_7] : memref<10000x32xf32, #tpu.memory_space<hbm>> -> memref<10000x32xf32, #tpu.memory_space<hbm>>
    tpu.enqueue_indirect_dma source(%dma_start3A_8 : memref<10000x32xf32, #tpu.memory_space<hbm>>) target(%arg9 : memref<200x32xf32, #tpu.memory_space<vmem>>) offsets(%dma_start3A_5 : memref<200xi32, #tpu.memory_space<vmem>>) semaphore(%arg19 : memref<!tpu.dma_semaphore, #tpu.memory_space<semaphore_mem>>)
    %dma_start3A_9 = arith.constant 1 : i32
    %dma_start3A_10 = arith.constant 0 : i32
    %dma_start3A_11 = tpu.memref_slice %arg7[%dma_start3A_9, %dma_start3A_10] : memref<50x200xi32, #tpu.memory_space<vmem>> -> memref<1x200xi32, #tpu.memory_space<vmem>>
    %dma_start3A_12 = tpu.memref_squeeze %dma_start3A_11 : memref<1x200xi32, #tpu.memory_space<vmem>> -> memref<200xi32, #tpu.memory_space<vmem>>
    %dma_start3A_13 = arith.constant 0 : i32
    %dma_start3A_14 = arith.constant 0 : i32
    %dma_start3A_15 = tpu.memref_slice %arg2[%dma_start3A_13, %dma_start3A_14] : memref<10000x32xf32, #tpu.memory_space<hbm>> -> memref<10000x32xf32, #tpu.memory_space<hbm>>
    tpu.enqueue_indirect_dma source(%dma_start3A_15 : memref<10000x32xf32, #tpu.memory_space<hbm>>) target(%arg10 : memref<200x32xf32, #tpu.memory_space<vmem>>) offsets(%dma_start3A_12 : memref<200xi32, #tpu.memory_space<vmem>>) semaphore(%arg20 : memref<!tpu.dma_semaphore, #tpu.memory_space<semaphore_mem>>)
    %dma_start3A_16 = arith.constant 2 : i32
    %dma_start3A_17 = arith.constant 0 : i32
    %dma_start3A_18 = tpu.memref_slice %arg7[%dma_start3A_16, %dma_start3A_17] : memref<50x200xi32, #tpu.memory_space<vmem>> -> memref<1x200xi32, #tpu.memory_space<vmem>>
    %dma_start3A_19 = tpu.memref_squeeze %dma_start3A_18 : memref<1x200xi32, #tpu.memory_space<vmem>> -> memref<200xi32, #tpu.memory_space<vmem>>
    %dma_start3A_20 = arith.constant 0 : i32
    %dma_start3A_21 = arith.constant 0 : i32
    %dma_start3A_22 = tpu.memref_slice %arg40[%dma_start3A_20, %dma_start3A_21] : memref<10000x32xf32, #tpu.memory_space<vmem_shared>> -> memref<10000x32xf32, #tpu.memory_space<vmem_shared>>
    tpu.enqueue_indirect_dma source(%dma_start3A_22 : memref<10000x32xf32, #tpu.memory_space<vmem_shared>>) target(%arg11 : memref<200x32xf32, #tpu.memory_space<vmem>>) offsets(%dma_start3A_19 : memref<200xi32, #tpu.memory_space<vmem>>) semaphore(%arg21 : memref<!tpu.dma_semaphore, #tpu.memory_space<semaphore_mem>>)
    %dma_start3A_23 = arith.constant 3 : i32
    %dma_start3A_24 = arith.constant 0 : i32
    %dma_start3A_25 = tpu.memref_slice %arg7[%dma_start3A_23, %dma_start3A_24] : memref<50x200xi32, #tpu.memory_space<vmem>> -> memref<1x200xi32, #tpu.memory_space<vmem>>
    %dma_start3A_26 = tpu.memref_squeeze %dma_start3A_25 : memref<1x200xi32, #tpu.memory_space<vmem>> -> memref<200xi32, #tpu.memory_space<vmem>>
    %dma_start3A_27 = arith.constant 0 : i32
    %dma_start3A_28 = arith.constant 0 : i32
    %dma_start3A_29 = tpu.memref_slice %arg40[%dma_start3A_27, %dma_start3A_28] : memref<10000x32xf32, #tpu.memory_space<vmem_shared>> -> memref<10000x32xf32, #tpu.memory_space<vmem_shared>>
    tpu.enqueue_indirect_dma source(%dma_start3A_29 : memref<10000x32xf32, #tpu.memory_space<vmem_shared>>) target(%arg12 : memref<200x32xf32, #tpu.memory_space<vmem>>) offsets(%dma_start3A_26 : memref<200xi32, #tpu.memory_space<vmem>>) semaphore(%arg22 : memref<!tpu.dma_semaphore, #tpu.memory_space<semaphore_mem>>)
    %dma_start3A_30 = arith.constant 4 : i32
    %dma_start3A_31 = arith.constant 0 : i32
    %dma_start3A_32 = tpu.memref_slice %arg7[%dma_start3A_30, %dma_start3A_31] : memref<50x200xi32, #tpu.memory_space<vmem>> -> memref<1x200xi32, #tpu.memory_space<vmem>>
    %dma_start3A_33 = tpu.memref_squeeze %dma_start3A_32 : memref<1x200xi32, #tpu.memory_space<vmem>> -> memref<200xi32, #tpu.memory_space<vmem>>
    %dma_start3A_34 = arith.constant 0 : i32
    %dma_start3A_35 = arith.constant 0 : i32
    %dma_start3A_36 = tpu.memref_slice %arg40[%dma_start3A_34, %dma_start3A_35] : memref<10000x32xf32, #tpu.memory_space<vmem_shared>> -> memref<10000x32xf32, #tpu.memory_space<vmem_shared>>
    tpu.enqueue_indirect_dma source(%dma_start3A_36 : memref<10000x32xf32, #tpu.memory_space<vmem_shared>>) target(%arg13 : memref<200x32xf32, #tpu.memory_space<vmem>>) offsets(%dma_start3A_33 : memref<200xi32, #tpu.memory_space<vmem>>) semaphore(%arg23 : memref<!tpu.dma_semaphore, #tpu.memory_space<semaphore_mem>>)
    %dma_start3A_37 = arith.constant 5 : i32
    %dma_start3A_38 = arith.constant 0 : i32
    %dma_start3A_39 = tpu.memref_slice %arg7[%dma_start3A_37, %dma_start3A_38] : memref<50x200xi32, #tpu.memory_space<vmem>> -> memref<1x200xi32, #tpu.memory_space<vmem>>
    %dma_start3A_40 = tpu.memref_squeeze %dma_start3A_39 : memref<1x200xi32, #tpu.memory_space<vmem>> -> memref<200xi32, #tpu.memory_space<vmem>>
    %dma_start3A_41 = arith.constant 0 : i32
    %dma_start3A_42 = arith.constant 0 : i32
    %dma_start3A_43 = tpu.memref_slice %arg40[%dma_start3A_41, %dma_start3A_42] : memref<10000x32xf32, #tpu.memory_space<vmem_shared>> -> memref<10000x32xf32, #tpu.memory_space<vmem_shared>>
    tpu.enqueue_indirect_dma source(%dma_start3A_43 : memref<10000x32xf32, #tpu.memory_space<vmem_shared>>) target(%arg14 : memref<200x32xf32, #tpu.memory_space<vmem>>) offsets(%dma_start3A_40 : memref<200xi32, #tpu.memory_space<vmem>>) semaphore(%arg24 : memref<!tpu.dma_semaphore, #tpu.memory_space<semaphore_mem>>)
    %dma_start3A_44 = arith.constant 6 : i32
    %dma_start3A_45 = arith.constant 0 : i32
    %dma_start3A_46 = tpu.memref_slice %arg7[%dma_start3A_44, %dma_start3A_45] : memref<50x200xi32, #tpu.memory_space<vmem>> -> memref<1x200xi32, #tpu.memory_space<vmem>>
    %dma_start3A_47 = tpu.memref_squeeze %dma_start3A_46 : memref<1x200xi32, #tpu.memory_space<vmem>> -> memref<200xi32, #tpu.memory_space<vmem>>
    %dma_start3A_48 = arith.constant 0 : i32
    %dma_start3A_49 = arith.constant 0 : i32
    %dma_start3A_50 = tpu.memref_slice %arg40[%dma_start3A_48, %dma_start3A_49] : memref<10000x32xf32, #tpu.memory_space<vmem_shared>> -> memref<10000x32xf32, #tpu.memory_space<vmem_shared>>
    tpu.enqueue_indirect_dma source(%dma_start3A_50 : memref<10000x32xf32, #tpu.memory_space<vmem_shared>>) target(%arg15 : memref<200x32xf32, #tpu.memory_space<vmem>>) offsets(%dma_start3A_47 : memref<200xi32, #tpu.memory_space<vmem>>) semaphore(%arg25 : memref<!tpu.dma_semaphore, #tpu.memory_space<semaphore_mem>>)
    %dma_start3A_51 = arith.constant 7 : i32
    %dma_start3A_52 = arith.constant 0 : i32
    %dma_start3A_53 = tpu.memref_slice %arg7[%dma_start3A_51, %dma_start3A_52] : memref<50x200xi32, #tpu.memory_space<vmem>> -> memref<1x200xi32, #tpu.memory_space<vmem>>
    %dma_start3A_54 = tpu.memref_squeeze %dma_start3A_53 : memref<1x200xi32, #tpu.memory_space<vmem>> -> memref<200xi32, #tpu.memory_space<vmem>>
    %dma_start3A_55 = arith.constant 0 : i32
    %dma_start3A_56 = arith.constant 0 : i32
    %dma_start3A_57 = tpu.memref_slice %arg40[%dma_start3A_55, %dma_start3A_56] : memref<10000x32xf32, #tpu.memory_space<vmem_shared>> -> memref<10000x32xf32, #tpu.memory_space<vmem_shared>>
    tpu.enqueue_indirect_dma source(%dma_start3A_57 : memref<10000x32xf32, #tpu.memory_space<vmem_shared>>) target(%arg16 : memref<200x32xf32, #tpu.memory_space<vmem>>) offsets(%dma_start3A_54 : memref<200xi32, #tpu.memory_space<vmem>>) semaphore(%arg26 : memref<!tpu.dma_semaphore, #tpu.memory_space<semaphore_mem>>)
    %dma_start3A_58 = arith.constant 8 : i32
    %dma_start3A_59 = arith.constant 0 : i32
    %dma_start3A_60 = tpu.memref_slice %arg7[%dma_start3A_58, %dma_start3A_59] : memref<50x200xi32, #tpu.memory_space<vmem>> -> memref<1x200xi32, #tpu.memory_space<vmem>>
    %dma_start3A_61 = tpu.memref_squeeze %dma_start3A_60 : memref<1x200xi32, #tpu.memory_space<vmem>> -> memref<200xi32, #tpu.memory_space<vmem>>
    %dma_start3A_62 = arith.constant 0 : i32
    %dma_start3A_63 = arith.constant 0 : i32
    %dma_start3A_64 = tpu.memref_slice %arg40[%dma_start3A_62, %dma_start3A_63] : memref<10000x32xf32, #tpu.memory_space<vmem_shared>> -> memref<10000x32xf32, #tpu.memory_space<vmem_shared>>
    tpu.enqueue_indirect_dma source(%dma_start3A_64 : memref<10000x32xf32, #tpu.memory_space<vmem_shared>>) target(%arg17 : memref<200x32xf32, #tpu.memory_space<vmem>>) offsets(%dma_start3A_61 : memref<200xi32, #tpu.memory_space<vmem>>) semaphore(%arg27 : memref<!tpu.dma_semaphore, #tpu.memory_space<semaphore_mem>>)
    %dma_start3A_65 = arith.constant 9 : i32
    %dma_start3A_66 = arith.constant 0 : i32
    %dma_start3A_67 = tpu.memref_slice %arg7[%dma_start3A_65, %dma_start3A_66] : memref<50x200xi32, #tpu.memory_space<vmem>> -> memref<1x200xi32, #tpu.memory_space<vmem>>
    %dma_start3A_68 = tpu.memref_squeeze %dma_start3A_67 : memref<1x200xi32, #tpu.memory_space<vmem>> -> memref<200xi32, #tpu.memory_space<vmem>>
    %dma_start3A_69 = arith.constant 0 : i32
    %dma_start3A_70 = arith.constant 0 : i32
    %dma_start3A_71 = tpu.memref_slice %arg40[%dma_start3A_69, %dma_start3A_70] : memref<10000x32xf32, #tpu.memory_space<vmem_shared>> -> memref<10000x32xf32, #tpu.memory_space<vmem_shared>>
    tpu.enqueue_indirect_dma source(%dma_start3A_71 : memref<10000x32xf32, #tpu.memory_space<vmem_shared>>) target(%arg18 : memref<200x32xf32, #tpu.memory_space<vmem>>) offsets(%dma_start3A_68 : memref<200xi32, #tpu.memory_space<vmem>>) semaphore(%arg28 : memref<!tpu.dma_semaphore, #tpu.memory_space<semaphore_mem>>)
    %scan3A = arith.constant 0 : i32
    %scan3A_72 = arith.constant 0 : i32
    %scan3A_73 = arith.constant 4 : i32
    %scan3A_74 = arith.addi %scan3A_72, %scan3A_73 : i32
    %scan3A_75 = arith.constant 1 : i32
    %scan3A_76 = scf.for %scan3A_288 = %scan3A_72 to %scan3A_74 step %scan3A_75 iter_args(%scan3A_289 = %scan3A) -> (i32)  : i32 {
      %mul3A_290 = arith.constant 10 : i32
      %mul3A_291 = arith.muli %scan3A_288, %mul3A_290 : i32
      %add3A_292 = arith.constant 0 : i32
      %add3A_293 = arith.addi %mul3A_291, %add3A_292 : i32
      %dma_wait3A_294 = arith.constant 0 : i32
      %dma_wait3A_295 = tpu.memref_slice %arg7[%add3A_293, %dma_wait3A_294] : memref<50x200xi32, #tpu.memory_space<vmem>> -> memref<1x200xi32, #tpu.memory_space<vmem>>
      %dma_wait3A_296 = tpu.memref_squeeze %dma_wait3A_295 : memref<1x200xi32, #tpu.memory_space<vmem>> -> memref<200xi32, #tpu.memory_space<vmem>>
      %dma_wait3A_297 = arith.constant 0 : i32
      %dma_wait3A_298 = arith.constant 0 : i32
      %dma_wait3A_299 = tpu.memref_slice %arg2[%dma_wait3A_297, %dma_wait3A_298] : memref<10000x32xf32, #tpu.memory_space<hbm>> -> memref<10000x32xf32, #tpu.memory_space<hbm>>
      tpu.wait_indirect_dma semaphore(%arg19 : memref<!tpu.dma_semaphore, #tpu.memory_space<semaphore_mem>>) src(%dma_wait3A_299 : memref<10000x32xf32, #tpu.memory_space<hbm>>) dst(%arg9 : memref<200x32xf32, #tpu.memory_space<vmem>>)
      %dma_start3A_300 = arith.constant 0 : i32
      %dma_start3A_301 = tpu.memref_slice %arg8[%add3A_293, %dma_start3A_300] : memref<50x200xi32, #tpu.memory_space<vmem>> -> memref<1x200xi32, #tpu.memory_space<vmem>>
      %dma_start3A_302 = tpu.memref_squeeze %dma_start3A_301 : memref<1x200xi32, #tpu.memory_space<vmem>> -> memref<200xi32, #tpu.memory_space<vmem>>
      %dma_start3A_303 = arith.constant 0 : i32
      %dma_start3A_304 = arith.constant 0 : i32
      %dma_start3A_305 = tpu.memref_slice %arg39[%dma_start3A_303, %dma_start3A_304] : memref<10000x32xf32, #tpu.memory_space<vmem_shared>> -> memref<10000x32xf32, #tpu.memory_space<vmem_shared>>
      tpu.enqueue_indirect_dma source(%arg9 : memref<200x32xf32, #tpu.memory_space<vmem>>) target(%dma_start3A_305 : memref<10000x32xf32, #tpu.memory_space<vmem_shared>>) offsets(%dma_start3A_302 : memref<200xi32, #tpu.memory_space<vmem>>) semaphore(%arg29 : memref<!tpu.dma_semaphore, #tpu.memory_space<semaphore_mem>>) {add = true}
      %mul3A_306 = arith.constant 10 : i32
      %mul3A_307 = arith.muli %scan3A_288, %mul3A_306 : i32
      %add3A_308 = arith.constant 1 : i32
      %add3A_309 = arith.addi %mul3A_307, %add3A_308 : i32
      %dma_wait3A_310 = arith.constant 0 : i32
      %dma_wait3A_311 = tpu.memref_slice %arg7[%add3A_309, %dma_wait3A_310] : memref<50x200xi32, #tpu.memory_space<vmem>> -> memref<1x200xi32, #tpu.memory_space<vmem>>
      %dma_wait3A_312 = tpu.memref_squeeze %dma_wait3A_311 : memref<1x200xi32, #tpu.memory_space<vmem>> -> memref<200xi32, #tpu.memory_space<vmem>>
      %dma_wait3A_313 = arith.constant 0 : i32
      %dma_wait3A_314 = arith.constant 0 : i32
      %dma_wait3A_315 = tpu.memref_slice %arg2[%dma_wait3A_313, %dma_wait3A_314] : memref<10000x32xf32, #tpu.memory_space<hbm>> -> memref<10000x32xf32, #tpu.memory_space<hbm>>
      tpu.wait_indirect_dma semaphore(%arg20 : memref<!tpu.dma_semaphore, #tpu.memory_space<semaphore_mem>>) src(%dma_wait3A_315 : memref<10000x32xf32, #tpu.memory_space<hbm>>) dst(%arg10 : memref<200x32xf32, #tpu.memory_space<vmem>>)
      %dma_start3A_316 = arith.constant 0 : i32
      %dma_start3A_317 = tpu.memref_slice %arg8[%add3A_309, %dma_start3A_316] : memref<50x200xi32, #tpu.memory_space<vmem>> -> memref<1x200xi32, #tpu.memory_space<vmem>>
      %dma_start3A_318 = tpu.memref_squeeze %dma_start3A_317 : memref<1x200xi32, #tpu.memory_space<vmem>> -> memref<200xi32, #tpu.memory_space<vmem>>
      %dma_start3A_319 = arith.constant 0 : i32
      %dma_start3A_320 = arith.constant 0 : i32
      %dma_start3A_321 = tpu.memref_slice %arg39[%dma_start3A_319, %dma_start3A_320] : memref<10000x32xf32, #tpu.memory_space<vmem_shared>> -> memref<10000x32xf32, #tpu.memory_space<vmem_shared>>
      tpu.enqueue_indirect_dma source(%arg10 : memref<200x32xf32, #tpu.memory_space<vmem>>) target(%dma_start3A_321 : memref<10000x32xf32, #tpu.memory_space<vmem_shared>>) offsets(%dma_start3A_318 : memref<200xi32, #tpu.memory_space<vmem>>) semaphore(%arg30 : memref<!tpu.dma_semaphore, #tpu.memory_space<semaphore_mem>>) {add = true}
      %mul3A_322 = arith.constant 10 : i32
      %mul3A_323 = arith.muli %scan3A_288, %mul3A_322 : i32
      %add3A_324 = arith.constant 2 : i32
      %add3A_325 = arith.addi %mul3A_323, %add3A_324 : i32
      %dma_wait3A_326 = arith.constant 0 : i32
      %dma_wait3A_327 = tpu.memref_slice %arg7[%add3A_325, %dma_wait3A_326] : memref<50x200xi32, #tpu.memory_space<vmem>> -> memref<1x200xi32, #tpu.memory_space<vmem>>
      %dma_wait3A_328 = tpu.memref_squeeze %dma_wait3A_327 : memref<1x200xi32, #tpu.memory_space<vmem>> -> memref<200xi32, #tpu.memory_space<vmem>>
      %dma_wait3A_329 = arith.constant 0 : i32
      %dma_wait3A_330 = arith.constant 0 : i32
      %dma_wait3A_331 = tpu.memref_slice %arg40[%dma_wait3A_329, %dma_wait3A_330] : memref<10000x32xf32, #tpu.memory_space<vmem_shared>> -> memref<10000x32xf32, #tpu.memory_space<vmem_shared>>
      tpu.wait_indirect_dma semaphore(%arg21 : memref<!tpu.dma_semaphore, #tpu.memory_space<semaphore_mem>>) src(%dma_wait3A_331 : memref<10000x32xf32, #tpu.memory_space<vmem_shared>>) dst(%arg11 : memref<200x32xf32, #tpu.memory_space<vmem>>)
      %dma_start3A_332 = arith.constant 0 : i32
      %dma_start3A_333 = tpu.memref_slice %arg8[%add3A_325, %dma_start3A_332] : memref<50x200xi32, #tpu.memory_space<vmem>> -> memref<1x200xi32, #tpu.memory_space<vmem>>
      %dma_start3A_334 = tpu.memref_squeeze %dma_start3A_333 : memref<1x200xi32, #tpu.memory_space<vmem>> -> memref<200xi32, #tpu.memory_space<vmem>>
      %dma_start3A_335 = arith.constant 0 : i32
      %dma_start3A_336 = arith.constant 0 : i32
      %dma_start3A_337 = tpu.memref_slice %arg39[%dma_start3A_335, %dma_start3A_336] : memref<10000x32xf32, #tpu.memory_space<vmem_shared>> -> memref<10000x32xf32, #tpu.memory_space<vmem_shared>>
      tpu.enqueue_indirect_dma source(%arg11 : memref<200x32xf32, #tpu.memory_space<vmem>>) target(%dma_start3A_337 : memref<10000x32xf32, #tpu.memory_space<vmem_shared>>) offsets(%dma_start3A_334 : memref<200xi32, #tpu.memory_space<vmem>>) semaphore(%arg31 : memref<!tpu.dma_semaphore, #tpu.memory_space<semaphore_mem>>) {add = true}
      %mul3A_338 = arith.constant 10 : i32
      %mul3A_339 = arith.muli %scan3A_288, %mul3A_338 : i32
      %add3A_340 = arith.constant 3 : i32
      %add3A_341 = arith.addi %mul3A_339, %add3A_340 : i32
      %dma_wait3A_342 = arith.constant 0 : i32
      %dma_wait3A_343 = tpu.memref_slice %arg7[%add3A_341, %dma_wait3A_342] : memref<50x200xi32, #tpu.memory_space<vmem>> -> memref<1x200xi32, #tpu.memory_space<vmem>>
      %dma_wait3A_344 = tpu.memref_squeeze %dma_wait3A_343 : memref<1x200xi32, #tpu.memory_space<vmem>> -> memref<200xi32, #tpu.memory_space<vmem>>
      %dma_wait3A_345 = arith.constant 0 : i32
      %dma_wait3A_346 = arith.constant 0 : i32
      %dma_wait3A_347 = tpu.memref_slice %arg40[%dma_wait3A_345, %dma_wait3A_346] : memref<10000x32xf32, #tpu.memory_space<vmem_shared>> -> memref<10000x32xf32, #tpu.memory_space<vmem_shared>>
      tpu.wait_indirect_dma semaphore(%arg22 : memref<!tpu.dma_semaphore, #tpu.memory_space<semaphore_mem>>) src(%dma_wait3A_347 : memref<10000x32xf32, #tpu.memory_space<vmem_shared>>) dst(%arg12 : memref<200x32xf32, #tpu.memory_space<vmem>>)
      %dma_start3A_348 = arith.constant 0 : i32
      %dma_start3A_349 = tpu.memref_slice %arg8[%add3A_341, %dma_start3A_348] : memref<50x200xi32, #tpu.memory_space<vmem>> -> memref<1x200xi32, #tpu.memory_space<vmem>>
      %dma_start3A_350 = tpu.memref_squeeze %dma_start3A_349 : memref<1x200xi32, #tpu.memory_space<vmem>> -> memref<200xi32, #tpu.memory_space<vmem>>
      %dma_start3A_351 = arith.constant 0 : i32
      %dma_start3A_352 = arith.constant 0 : i32
      %dma_start3A_353 = tpu.memref_slice %arg39[%dma_start3A_351, %dma_start3A_352] : memref<10000x32xf32, #tpu.memory_space<vmem_shared>> -> memref<10000x32xf32, #tpu.memory_space<vmem_shared>>
      tpu.enqueue_indirect_dma source(%arg12 : memref<200x32xf32, #tpu.memory_space<vmem>>) target(%dma_start3A_353 : memref<10000x32xf32, #tpu.memory_space<vmem_shared>>) offsets(%dma_start3A_350 : memref<200xi32, #tpu.memory_space<vmem>>) semaphore(%arg32 : memref<!tpu.dma_semaphore, #tpu.memory_space<semaphore_mem>>) {add = true}
      %mul3A_354 = arith.constant 10 : i32
      %mul3A_355 = arith.muli %scan3A_288, %mul3A_354 : i32
      %add3A_356 = arith.constant 4 : i32
      %add3A_357 = arith.addi %mul3A_355, %add3A_356 : i32
      %dma_wait3A_358 = arith.constant 0 : i32
      %dma_wait3A_359 = tpu.memref_slice %arg7[%add3A_357, %dma_wait3A_358] : memref<50x200xi32, #tpu.memory_space<vmem>> -> memref<1x200xi32, #tpu.memory_space<vmem>>
      %dma_wait3A_360 = tpu.memref_squeeze %dma_wait3A_359 : memref<1x200xi32, #tpu.memory_space<vmem>> -> memref<200xi32, #tpu.memory_space<vmem>>
      %dma_wait3A_361 = arith.constant 0 : i32
      %dma_wait3A_362 = arith.constant 0 : i32
      %dma_wait3A_363 = tpu.memref_slice %arg40[%dma_wait3A_361, %dma_wait3A_362] : memref<10000x32xf32, #tpu.memory_space<vmem_shared>> -> memref<10000x32xf32, #tpu.memory_space<vmem_shared>>
      tpu.wait_indirect_dma semaphore(%arg23 : memref<!tpu.dma_semaphore, #tpu.memory_space<semaphore_mem>>) src(%dma_wait3A_363 : memref<10000x32xf32, #tpu.memory_space<vmem_shared>>) dst(%arg13 : memref<200x32xf32, #tpu.memory_space<vmem>>)
      %dma_start3A_364 = arith.constant 0 : i32
      %dma_start3A_365 = tpu.memref_slice %arg8[%add3A_357, %dma_start3A_364] : memref<50x200xi32, #tpu.memory_space<vmem>> -> memref<1x200xi32, #tpu.memory_space<vmem>>
      %dma_start3A_366 = tpu.memref_squeeze %dma_start3A_365 : memref<1x200xi32, #tpu.memory_space<vmem>> -> memref<200xi32, #tpu.memory_space<vmem>>
      %dma_start3A_367 = arith.constant 0 : i32
      %dma_start3A_368 = arith.constant 0 : i32
      %dma_start3A_369 = tpu.memref_slice %arg39[%dma_start3A_367, %dma_start3A_368] : memref<10000x32xf32, #tpu.memory_space<vmem_shared>> -> memref<10000x32xf32, #tpu.memory_space<vmem_shared>>
      tpu.enqueue_indirect_dma source(%arg13 : memref<200x32xf32, #tpu.memory_space<vmem>>) target(%dma_start3A_369 : memref<10000x32xf32, #tpu.memory_space<vmem_shared>>) offsets(%dma_start3A_366 : memref<200xi32, #tpu.memory_space<vmem>>) semaphore(%arg33 : memref<!tpu.dma_semaphore, #tpu.memory_space<semaphore_mem>>) {add = true}
      %mul3A_370 = arith.constant 10 : i32
      %mul3A_371 = arith.muli %scan3A_288, %mul3A_370 : i32
      %add3A_372 = arith.constant 5 : i32
      %add3A_373 = arith.addi %mul3A_371, %add3A_372 : i32
      %dma_wait3A_374 = arith.constant 0 : i32
      %dma_wait3A_375 = tpu.memref_slice %arg7[%add3A_373, %dma_wait3A_374] : memref<50x200xi32, #tpu.memory_space<vmem>> -> memref<1x200xi32, #tpu.memory_space<vmem>>
      %dma_wait3A_376 = tpu.memref_squeeze %dma_wait3A_375 : memref<1x200xi32, #tpu.memory_space<vmem>> -> memref<200xi32, #tpu.memory_space<vmem>>
      %dma_wait3A_377 = arith.constant 0 : i32
      %dma_wait3A_378 = arith.constant 0 : i32
      %dma_wait3A_379 = tpu.memref_slice %arg40[%dma_wait3A_377, %dma_wait3A_378] : memref<10000x32xf32, #tpu.memory_space<vmem_shared>> -> memref<10000x32xf32, #tpu.memory_space<vmem_shared>>
      tpu.wait_indirect_dma semaphore(%arg24 : memref<!tpu.dma_semaphore, #tpu.memory_space<semaphore_mem>>) src(%dma_wait3A_379 : memref<10000x32xf32, #tpu.memory_space<vmem_shared>>) dst(%arg14 : memref<200x32xf32, #tpu.memory_space<vmem>>)
      %dma_start3A_380 = arith.constant 0 : i32
      %dma_start3A_381 = tpu.memref_slice %arg8[%add3A_373, %dma_start3A_380] : memref<50x200xi32, #tpu.memory_space<vmem>> -> memref<1x200xi32, #tpu.memory_space<vmem>>
      %dma_start3A_382 = tpu.memref_squeeze %dma_start3A_381 : memref<1x200xi32, #tpu.memory_space<vmem>> -> memref<200xi32, #tpu.memory_space<vmem>>
      %dma_start3A_383 = arith.constant 0 : i32
      %dma_start3A_384 = arith.constant 0 : i32
      %dma_start3A_385 = tpu.memref_slice %arg39[%dma_start3A_383, %dma_start3A_384] : memref<10000x32xf32, #tpu.memory_space<vmem_shared>> -> memref<10000x32xf32, #tpu.memory_space<vmem_shared>>
      tpu.enqueue_indirect_dma source(%arg14 : memref<200x32xf32, #tpu.memory_space<vmem>>) target(%dma_start3A_385 : memref<10000x32xf32, #tpu.memory_space<vmem_shared>>) offsets(%dma_start3A_382 : memref<200xi32, #tpu.memory_space<vmem>>) semaphore(%arg34 : memref<!tpu.dma_semaphore, #tpu.memory_space<semaphore_mem>>) {add = true}
      %mul3A_386 = arith.constant 10 : i32
      %mul3A_387 = arith.muli %scan3A_288, %mul3A_386 : i32
      %add3A_388 = arith.constant 6 : i32
      %add3A_389 = arith.addi %mul3A_387, %add3A_388 : i32
      %dma_wait3A_390 = arith.constant 0 : i32
      %dma_wait3A_391 = tpu.memref_slice %arg7[%add3A_389, %dma_wait3A_390] : memref<50x200xi32, #tpu.memory_space<vmem>> -> memref<1x200xi32, #tpu.memory_space<vmem>>
      %dma_wait3A_392 = tpu.memref_squeeze %dma_wait3A_391 : memref<1x200xi32, #tpu.memory_space<vmem>> -> memref<200xi32, #tpu.memory_space<vmem>>
      %dma_wait3A_393 = arith.constant 0 : i32
      %dma_wait3A_394 = arith.constant 0 : i32
      %dma_wait3A_395 = tpu.memref_slice %arg40[%dma_wait3A_393, %dma_wait3A_394] : memref<10000x32xf32, #tpu.memory_space<vmem_shared>> -> memref<10000x32xf32, #tpu.memory_space<vmem_shared>>
      tpu.wait_indirect_dma semaphore(%arg25 : memref<!tpu.dma_semaphore, #tpu.memory_space<semaphore_mem>>) src(%dma_wait3A_395 : memref<10000x32xf32, #tpu.memory_space<vmem_shared>>) dst(%arg15 : memref<200x32xf32, #tpu.memory_space<vmem>>)
      %dma_start3A_396 = arith.constant 0 : i32
      %dma_start3A_397 = tpu.memref_slice %arg8[%add3A_389, %dma_start3A_396] : memref<50x200xi32, #tpu.memory_space<vmem>> -> memref<1x200xi32, #tpu.memory_space<vmem>>
      %dma_start3A_398 = tpu.memref_squeeze %dma_start3A_397 : memref<1x200xi32, #tpu.memory_space<vmem>> -> memref<200xi32, #tpu.memory_space<vmem>>
      %dma_start3A_399 = arith.constant 0 : i32
      %dma_start3A_400 = arith.constant 0 : i32
      %dma_start3A_401 = tpu.memref_slice %arg39[%dma_start3A_399, %dma_start3A_400] : memref<10000x32xf32, #tpu.memory_space<vmem_shared>> -> memref<10000x32xf32, #tpu.memory_space<vmem_shared>>
      tpu.enqueue_indirect_dma source(%arg15 : memref<200x32xf32, #tpu.memory_space<vmem>>) target(%dma_start3A_401 : memref<10000x32xf32, #tpu.memory_space<vmem_shared>>) offsets(%dma_start3A_398 : memref<200xi32, #tpu.memory_space<vmem>>) semaphore(%arg35 : memref<!tpu.dma_semaphore, #tpu.memory_space<semaphore_mem>>) {add = true}
      %mul3A_402 = arith.constant 10 : i32
      %mul3A_403 = arith.muli %scan3A_288, %mul3A_402 : i32
      %add3A_404 = arith.constant 7 : i32
      %add3A_405 = arith.addi %mul3A_403, %add3A_404 : i32
      %dma_wait3A_406 = arith.constant 0 : i32
      %dma_wait3A_407 = tpu.memref_slice %arg7[%add3A_405, %dma_wait3A_406] : memref<50x200xi32, #tpu.memory_space<vmem>> -> memref<1x200xi32, #tpu.memory_space<vmem>>
      %dma_wait3A_408 = tpu.memref_squeeze %dma_wait3A_407 : memref<1x200xi32, #tpu.memory_space<vmem>> -> memref<200xi32, #tpu.memory_space<vmem>>
      %dma_wait3A_409 = arith.constant 0 : i32
      %dma_wait3A_410 = arith.constant 0 : i32
      %dma_wait3A_411 = tpu.memref_slice %arg40[%dma_wait3A_409, %dma_wait3A_410] : memref<10000x32xf32, #tpu.memory_space<vmem_shared>> -> memref<10000x32xf32, #tpu.memory_space<vmem_shared>>
      tpu.wait_indirect_dma semaphore(%arg26 : memref<!tpu.dma_semaphore, #tpu.memory_space<semaphore_mem>>) src(%dma_wait3A_411 : memref<10000x32xf32, #tpu.memory_space<vmem_shared>>) dst(%arg16 : memref<200x32xf32, #tpu.memory_space<vmem>>)
      %dma_start3A_412 = arith.constant 0 : i32
      %dma_start3A_413 = tpu.memref_slice %arg8[%add3A_405, %dma_start3A_412] : memref<50x200xi32, #tpu.memory_space<vmem>> -> memref<1x200xi32, #tpu.memory_space<vmem>>
      %dma_start3A_414 = tpu.memref_squeeze %dma_start3A_413 : memref<1x200xi32, #tpu.memory_space<vmem>> -> memref<200xi32, #tpu.memory_space<vmem>>
      %dma_start3A_415 = arith.constant 0 : i32
      %dma_start3A_416 = arith.constant 0 : i32
      %dma_start3A_417 = tpu.memref_slice %arg39[%dma_start3A_415, %dma_start3A_416] : memref<10000x32xf32, #tpu.memory_space<vmem_shared>> -> memref<10000x32xf32, #tpu.memory_space<vmem_shared>>
      tpu.enqueue_indirect_dma source(%arg16 : memref<200x32xf32, #tpu.memory_space<vmem>>) target(%dma_start3A_417 : memref<10000x32xf32, #tpu.memory_space<vmem_shared>>) offsets(%dma_start3A_414 : memref<200xi32, #tpu.memory_space<vmem>>) semaphore(%arg36 : memref<!tpu.dma_semaphore, #tpu.memory_space<semaphore_mem>>) {add = true}
      %mul3A_418 = arith.constant 10 : i32
      %mul3A_419 = arith.muli %scan3A_288, %mul3A_418 : i32
      %add3A_420 = arith.constant 8 : i32
      %add3A_421 = arith.addi %mul3A_419, %add3A_420 : i32
      %dma_wait3A_422 = arith.constant 0 : i32
      %dma_wait3A_423 = tpu.memref_slice %arg7[%add3A_421, %dma_wait3A_422] : memref<50x200xi32, #tpu.memory_space<vmem>> -> memref<1x200xi32, #tpu.memory_space<vmem>>
      %dma_wait3A_424 = tpu.memref_squeeze %dma_wait3A_423 : memref<1x200xi32, #tpu.memory_space<vmem>> -> memref<200xi32, #tpu.memory_space<vmem>>
      %dma_wait3A_425 = arith.constant 0 : i32
      %dma_wait3A_426 = arith.constant 0 : i32
      %dma_wait3A_427 = tpu.memref_slice %arg40[%dma_wait3A_425, %dma_wait3A_426] : memref<10000x32xf32, #tpu.memory_space<vmem_shared>> -> memref<10000x32xf32, #tpu.memory_space<vmem_shared>>
      tpu.wait_indirect_dma semaphore(%arg27 : memref<!tpu.dma_semaphore, #tpu.memory_space<semaphore_mem>>) src(%dma_wait3A_427 : memref<10000x32xf32, #tpu.memory_space<vmem_shared>>) dst(%arg17 : memref<200x32xf32, #tpu.memory_space<vmem>>)
      %dma_start3A_428 = arith.constant 0 : i32
      %dma_start3A_429 = tpu.memref_slice %arg8[%add3A_421, %dma_start3A_428] : memref<50x200xi32, #tpu.memory_space<vmem>> -> memref<1x200xi32, #tpu.memory_space<vmem>>
      %dma_start3A_430 = tpu.memref_squeeze %dma_start3A_429 : memref<1x200xi32, #tpu.memory_space<vmem>> -> memref<200xi32, #tpu.memory_space<vmem>>
      %dma_start3A_431 = arith.constant 0 : i32
      %dma_start3A_432 = arith.constant 0 : i32
      %dma_start3A_433 = tpu.memref_slice %arg39[%dma_start3A_431, %dma_start3A_432] : memref<10000x32xf32, #tpu.memory_space<vmem_shared>> -> memref<10000x32xf32, #tpu.memory_space<vmem_shared>>
      tpu.enqueue_indirect_dma source(%arg17 : memref<200x32xf32, #tpu.memory_space<vmem>>) target(%dma_start3A_433 : memref<10000x32xf32, #tpu.memory_space<vmem_shared>>) offsets(%dma_start3A_430 : memref<200xi32, #tpu.memory_space<vmem>>) semaphore(%arg37 : memref<!tpu.dma_semaphore, #tpu.memory_space<semaphore_mem>>) {add = true}
      %mul3A_434 = arith.constant 10 : i32
      %mul3A_435 = arith.muli %scan3A_288, %mul3A_434 : i32
      %add3A_436 = arith.constant 9 : i32
      %add3A_437 = arith.addi %mul3A_435, %add3A_436 : i32
      %dma_wait3A_438 = arith.constant 0 : i32
      %dma_wait3A_439 = tpu.memref_slice %arg7[%add3A_437, %dma_wait3A_438] : memref<50x200xi32, #tpu.memory_space<vmem>> -> memref<1x200xi32, #tpu.memory_space<vmem>>
      %dma_wait3A_440 = tpu.memref_squeeze %dma_wait3A_439 : memref<1x200xi32, #tpu.memory_space<vmem>> -> memref<200xi32, #tpu.memory_space<vmem>>
      %dma_wait3A_441 = arith.constant 0 : i32
      %dma_wait3A_442 = arith.constant 0 : i32
      %dma_wait3A_443 = tpu.memref_slice %arg40[%dma_wait3A_441, %dma_wait3A_442] : memref<10000x32xf32, #tpu.memory_space<vmem_shared>> -> memref<10000x32xf32, #tpu.memory_space<vmem_shared>>
      tpu.wait_indirect_dma semaphore(%arg28 : memref<!tpu.dma_semaphore, #tpu.memory_space<semaphore_mem>>) src(%dma_wait3A_443 : memref<10000x32xf32, #tpu.memory_space<vmem_shared>>) dst(%arg18 : memref<200x32xf32, #tpu.memory_space<vmem>>)
      %dma_start3A_444 = arith.constant 0 : i32
      %dma_start3A_445 = tpu.memref_slice %arg8[%add3A_437, %dma_start3A_444] : memref<50x200xi32, #tpu.memory_space<vmem>> -> memref<1x200xi32, #tpu.memory_space<vmem>>
      %dma_start3A_446 = tpu.memref_squeeze %dma_start3A_445 : memref<1x200xi32, #tpu.memory_space<vmem>> -> memref<200xi32, #tpu.memory_space<vmem>>
      %dma_start3A_447 = arith.constant 0 : i32
      %dma_start3A_448 = arith.constant 0 : i32
      %dma_start3A_449 = tpu.memref_slice %arg39[%dma_start3A_447, %dma_start3A_448] : memref<10000x32xf32, #tpu.memory_space<vmem_shared>> -> memref<10000x32xf32, #tpu.memory_space<vmem_shared>>
      tpu.enqueue_indirect_dma source(%arg18 : memref<200x32xf32, #tpu.memory_space<vmem>>) target(%dma_start3A_449 : memref<10000x32xf32, #tpu.memory_space<vmem_shared>>) offsets(%dma_start3A_446 : memref<200xi32, #tpu.memory_space<vmem>>) semaphore(%arg38 : memref<!tpu.dma_semaphore, #tpu.memory_space<semaphore_mem>>) {add = true}
      %mul3A_450 = arith.constant 10 : i32
      %mul3A_451 = arith.muli %scan3A_288, %mul3A_450 : i32
      %add3A_452 = arith.constant 0 : i32
      %add3A_453 = arith.addi %mul3A_451, %add3A_452 : i32
      %dma_wait3A_454 = arith.constant 0 : i32
      %dma_wait3A_455 = tpu.memref_slice %arg8[%add3A_453, %dma_wait3A_454] : memref<50x200xi32, #tpu.memory_space<vmem>> -> memref<1x200xi32, #tpu.memory_space<vmem>>
      %dma_wait3A_456 = tpu.memref_squeeze %dma_wait3A_455 : memref<1x200xi32, #tpu.memory_space<vmem>> -> memref<200xi32, #tpu.memory_space<vmem>>
      %dma_wait3A_457 = arith.constant 0 : i32
      %dma_wait3A_458 = arith.constant 0 : i32
      %dma_wait3A_459 = tpu.memref_slice %arg39[%dma_wait3A_457, %dma_wait3A_458] : memref<10000x32xf32, #tpu.memory_space<vmem_shared>> -> memref<10000x32xf32, #tpu.memory_space<vmem_shared>>
      tpu.wait_indirect_dma semaphore(%arg29 : memref<!tpu.dma_semaphore, #tpu.memory_space<semaphore_mem>>) src(%arg9 : memref<200x32xf32, #tpu.memory_space<vmem>>) dst(%dma_wait3A_459 : memref<10000x32xf32, #tpu.memory_space<vmem_shared>>)
      %add3A_460 = arith.constant 10 : i32
      %add3A_461 = arith.addi %add3A_453, %add3A_460 : i32
      %dma_start3A_462 = arith.constant 0 : i32
      %dma_start3A_463 = tpu.memref_slice %arg7[%add3A_461, %dma_start3A_462] : memref<50x200xi32, #tpu.memory_space<vmem>> -> memref<1x200xi32, #tpu.memory_space<vmem>>
      %dma_start3A_464 = tpu.memref_squeeze %dma_start3A_463 : memref<1x200xi32, #tpu.memory_space<vmem>> -> memref<200xi32, #tpu.memory_space<vmem>>
      %dma_start3A_465 = arith.constant 0 : i32
      %dma_start3A_466 = arith.constant 0 : i32
      %dma_start3A_467 = tpu.memref_slice %arg2[%dma_start3A_465, %dma_start3A_466] : memref<10000x32xf32, #tpu.memory_space<hbm>> -> memref<10000x32xf32, #tpu.memory_space<hbm>>
      tpu.enqueue_indirect_dma source(%dma_start3A_467 : memref<10000x32xf32, #tpu.memory_space<hbm>>) target(%arg9 : memref<200x32xf32, #tpu.memory_space<vmem>>) offsets(%dma_start3A_464 : memref<200xi32, #tpu.memory_space<vmem>>) semaphore(%arg19 : memref<!tpu.dma_semaphore, #tpu.memory_space<semaphore_mem>>)
      %mul3A_468 = arith.constant 10 : i32
      %mul3A_469 = arith.muli %scan3A_288, %mul3A_468 : i32
      %add3A_470 = arith.constant 1 : i32
      %add3A_471 = arith.addi %mul3A_469, %add3A_470 : i32
      %dma_wait3A_472 = arith.constant 0 : i32
      %dma_wait3A_473 = tpu.memref_slice %arg8[%add3A_471, %dma_wait3A_472] : memref<50x200xi32, #tpu.memory_space<vmem>> -> memref<1x200xi32, #tpu.memory_space<vmem>>
      %dma_wait3A_474 = tpu.memref_squeeze %dma_wait3A_473 : memref<1x200xi32, #tpu.memory_space<vmem>> -> memref<200xi32, #tpu.memory_space<vmem>>
      %dma_wait3A_475 = arith.constant 0 : i32
      %dma_wait3A_476 = arith.constant 0 : i32
      %dma_wait3A_477 = tpu.memref_slice %arg39[%dma_wait3A_475, %dma_wait3A_476] : memref<10000x32xf32, #tpu.memory_space<vmem_shared>> -> memref<10000x32xf32, #tpu.memory_space<vmem_shared>>
      tpu.wait_indirect_dma semaphore(%arg30 : memref<!tpu.dma_semaphore, #tpu.memory_space<semaphore_mem>>) src(%arg10 : memref<200x32xf32, #tpu.memory_space<vmem>>) dst(%dma_wait3A_477 : memref<10000x32xf32, #tpu.memory_space<vmem_shared>>)
      %add3A_478 = arith.constant 10 : i32
      %add3A_479 = arith.addi %add3A_471, %add3A_478 : i32
      %dma_start3A_480 = arith.constant 0 : i32
      %dma_start3A_481 = tpu.memref_slice %arg7[%add3A_479, %dma_start3A_480] : memref<50x200xi32, #tpu.memory_space<vmem>> -> memref<1x200xi32, #tpu.memory_space<vmem>>
      %dma_start3A_482 = tpu.memref_squeeze %dma_start3A_481 : memref<1x200xi32, #tpu.memory_space<vmem>> -> memref<200xi32, #tpu.memory_space<vmem>>
      %dma_start3A_483 = arith.constant 0 : i32
      %dma_start3A_484 = arith.constant 0 : i32
      %dma_start3A_485 = tpu.memref_slice %arg2[%dma_start3A_483, %dma_start3A_484] : memref<10000x32xf32, #tpu.memory_space<hbm>> -> memref<10000x32xf32, #tpu.memory_space<hbm>>
      tpu.enqueue_indirect_dma source(%dma_start3A_485 : memref<10000x32xf32, #tpu.memory_space<hbm>>) target(%arg10 : memref<200x32xf32, #tpu.memory_space<vmem>>) offsets(%dma_start3A_482 : memref<200xi32, #tpu.memory_space<vmem>>) semaphore(%arg20 : memref<!tpu.dma_semaphore, #tpu.memory_space<semaphore_mem>>)
      %mul3A_486 = arith.constant 10 : i32
      %mul3A_487 = arith.muli %scan3A_288, %mul3A_486 : i32
      %add3A_488 = arith.constant 2 : i32
      %add3A_489 = arith.addi %mul3A_487, %add3A_488 : i32
      %dma_wait3A_490 = arith.constant 0 : i32
      %dma_wait3A_491 = tpu.memref_slice %arg8[%add3A_489, %dma_wait3A_490] : memref<50x200xi32, #tpu.memory_space<vmem>> -> memref<1x200xi32, #tpu.memory_space<vmem>>
      %dma_wait3A_492 = tpu.memref_squeeze %dma_wait3A_491 : memref<1x200xi32, #tpu.memory_space<vmem>> -> memref<200xi32, #tpu.memory_space<vmem>>
      %dma_wait3A_493 = arith.constant 0 : i32
      %dma_wait3A_494 = arith.constant 0 : i32
      %dma_wait3A_495 = tpu.memref_slice %arg39[%dma_wait3A_493, %dma_wait3A_494] : memref<10000x32xf32, #tpu.memory_space<vmem_shared>> -> memref<10000x32xf32, #tpu.memory_space<vmem_shared>>
      tpu.wait_indirect_dma semaphore(%arg31 : memref<!tpu.dma_semaphore, #tpu.memory_space<semaphore_mem>>) src(%arg11 : memref<200x32xf32, #tpu.memory_space<vmem>>) dst(%dma_wait3A_495 : memref<10000x32xf32, #tpu.memory_space<vmem_shared>>)
      %add3A_496 = arith.constant 10 : i32
      %add3A_497 = arith.addi %add3A_489, %add3A_496 : i32
      %dma_start3A_498 = arith.constant 0 : i32
      %dma_start3A_499 = tpu.memref_slice %arg7[%add3A_497, %dma_start3A_498] : memref<50x200xi32, #tpu.memory_space<vmem>> -> memref<1x200xi32, #tpu.memory_space<vmem>>
      %dma_start3A_500 = tpu.memref_squeeze %dma_start3A_499 : memref<1x200xi32, #tpu.memory_space<vmem>> -> memref<200xi32, #tpu.memory_space<vmem>>
      %dma_start3A_501 = arith.constant 0 : i32
      %dma_start3A_502 = arith.constant 0 : i32
      %dma_start3A_503 = tpu.memref_slice %arg40[%dma_start3A_501, %dma_start3A_502] : memref<10000x32xf32, #tpu.memory_space<vmem_shared>> -> memref<10000x32xf32, #tpu.memory_space<vmem_shared>>
      tpu.enqueue_indirect_dma source(%dma_start3A_503 : memref<10000x32xf32, #tpu.memory_space<vmem_shared>>) target(%arg11 : memref<200x32xf32, #tpu.memory_space<vmem>>) offsets(%dma_start3A_500 : memref<200xi32, #tpu.memory_space<vmem>>) semaphore(%arg21 : memref<!tpu.dma_semaphore, #tpu.memory_space<semaphore_mem>>)
      %mul3A_504 = arith.constant 10 : i32
      %mul3A_505 = arith.muli %scan3A_288, %mul3A_504 : i32
      %add3A_506 = arith.constant 3 : i32
      %add3A_507 = arith.addi %mul3A_505, %add3A_506 : i32
      %dma_wait3A_508 = arith.constant 0 : i32
      %dma_wait3A_509 = tpu.memref_slice %arg8[%add3A_507, %dma_wait3A_508] : memref<50x200xi32, #tpu.memory_space<vmem>> -> memref<1x200xi32, #tpu.memory_space<vmem>>
      %dma_wait3A_510 = tpu.memref_squeeze %dma_wait3A_509 : memref<1x200xi32, #tpu.memory_space<vmem>> -> memref<200xi32, #tpu.memory_space<vmem>>
      %dma_wait3A_511 = arith.constant 0 : i32
      %dma_wait3A_512 = arith.constant 0 : i32
      %dma_wait3A_513 = tpu.memref_slice %arg39[%dma_wait3A_511, %dma_wait3A_512] : memref<10000x32xf32, #tpu.memory_space<vmem_shared>> -> memref<10000x32xf32, #tpu.memory_space<vmem_shared>>
      tpu.wait_indirect_dma semaphore(%arg32 : memref<!tpu.dma_semaphore, #tpu.memory_space<semaphore_mem>>) src(%arg12 : memref<200x32xf32, #tpu.memory_space<vmem>>) dst(%dma_wait3A_513 : memref<10000x32xf32, #tpu.memory_space<vmem_shared>>)
      %add3A_514 = arith.constant 10 : i32
      %add3A_515 = arith.addi %add3A_507, %add3A_514 : i32
      %dma_start3A_516 = arith.constant 0 : i32
      %dma_start3A_517 = tpu.memref_slice %arg7[%add3A_515, %dma_start3A_516] : memref<50x200xi32, #tpu.memory_space<vmem>> -> memref<1x200xi32, #tpu.memory_space<vmem>>
      %dma_start3A_518 = tpu.memref_squeeze %dma_start3A_517 : memref<1x200xi32, #tpu.memory_space<vmem>> -> memref<200xi32, #tpu.memory_space<vmem>>
      %dma_start3A_519 = arith.constant 0 : i32
      %dma_start3A_520 = arith.constant 0 : i32
      %dma_start3A_521 = tpu.memref_slice %arg40[%dma_start3A_519, %dma_start3A_520] : memref<10000x32xf32, #tpu.memory_space<vmem_shared>> -> memref<10000x32xf32, #tpu.memory_space<vmem_shared>>
      tpu.enqueue_indirect_dma source(%dma_start3A_521 : memref<10000x32xf32, #tpu.memory_space<vmem_shared>>) target(%arg12 : memref<200x32xf32, #tpu.memory_space<vmem>>) offsets(%dma_start3A_518 : memref<200xi32, #tpu.memory_space<vmem>>) semaphore(%arg22 : memref<!tpu.dma_semaphore, #tpu.memory_space<semaphore_mem>>)
      %mul3A_522 = arith.constant 10 : i32
      %mul3A_523 = arith.muli %scan3A_288, %mul3A_522 : i32
      %add3A_524 = arith.constant 4 : i32
      %add3A_525 = arith.addi %mul3A_523, %add3A_524 : i32
      %dma_wait3A_526 = arith.constant 0 : i32
      %dma_wait3A_527 = tpu.memref_slice %arg8[%add3A_525, %dma_wait3A_526] : memref<50x200xi32, #tpu.memory_space<vmem>> -> memref<1x200xi32, #tpu.memory_space<vmem>>
      %dma_wait3A_528 = tpu.memref_squeeze %dma_wait3A_527 : memref<1x200xi32, #tpu.memory_space<vmem>> -> memref<200xi32, #tpu.memory_space<vmem>>
      %dma_wait3A_529 = arith.constant 0 : i32
      %dma_wait3A_530 = arith.constant 0 : i32
      %dma_wait3A_531 = tpu.memref_slice %arg39[%dma_wait3A_529, %dma_wait3A_530] : memref<10000x32xf32, #tpu.memory_space<vmem_shared>> -> memref<10000x32xf32, #tpu.memory_space<vmem_shared>>
      tpu.wait_indirect_dma semaphore(%arg33 : memref<!tpu.dma_semaphore, #tpu.memory_space<semaphore_mem>>) src(%arg13 : memref<200x32xf32, #tpu.memory_space<vmem>>) dst(%dma_wait3A_531 : memref<10000x32xf32, #tpu.memory_space<vmem_shared>>)
      %add3A_532 = arith.constant 10 : i32
      %add3A_533 = arith.addi %add3A_525, %add3A_532 : i32
      %dma_start3A_534 = arith.constant 0 : i32
      %dma_start3A_535 = tpu.memref_slice %arg7[%add3A_533, %dma_start3A_534] : memref<50x200xi32, #tpu.memory_space<vmem>> -> memref<1x200xi32, #tpu.memory_space<vmem>>
      %dma_start3A_536 = tpu.memref_squeeze %dma_start3A_535 : memref<1x200xi32, #tpu.memory_space<vmem>> -> memref<200xi32, #tpu.memory_space<vmem>>
      %dma_start3A_537 = arith.constant 0 : i32
      %dma_start3A_538 = arith.constant 0 : i32
      %dma_start3A_539 = tpu.memref_slice %arg40[%dma_start3A_537, %dma_start3A_538] : memref<10000x32xf32, #tpu.memory_space<vmem_shared>> -> memref<10000x32xf32, #tpu.memory_space<vmem_shared>>
      tpu.enqueue_indirect_dma source(%dma_start3A_539 : memref<10000x32xf32, #tpu.memory_space<vmem_shared>>) target(%arg13 : memref<200x32xf32, #tpu.memory_space<vmem>>) offsets(%dma_start3A_536 : memref<200xi32, #tpu.memory_space<vmem>>) semaphore(%arg23 : memref<!tpu.dma_semaphore, #tpu.memory_space<semaphore_mem>>)
      %mul3A_540 = arith.constant 10 : i32
      %mul3A_541 = arith.muli %scan3A_288, %mul3A_540 : i32
      %add3A_542 = arith.constant 5 : i32
      %add3A_543 = arith.addi %mul3A_541, %add3A_542 : i32
      %dma_wait3A_544 = arith.constant 0 : i32
      %dma_wait3A_545 = tpu.memref_slice %arg8[%add3A_543, %dma_wait3A_544] : memref<50x200xi32, #tpu.memory_space<vmem>> -> memref<1x200xi32, #tpu.memory_space<vmem>>
      %dma_wait3A_546 = tpu.memref_squeeze %dma_wait3A_545 : memref<1x200xi32, #tpu.memory_space<vmem>> -> memref<200xi32, #tpu.memory_space<vmem>>
      %dma_wait3A_547 = arith.constant 0 : i32
      %dma_wait3A_548 = arith.constant 0 : i32
      %dma_wait3A_549 = tpu.memref_slice %arg39[%dma_wait3A_547, %dma_wait3A_548] : memref<10000x32xf32, #tpu.memory_space<vmem_shared>> -> memref<10000x32xf32, #tpu.memory_space<vmem_shared>>
      tpu.wait_indirect_dma semaphore(%arg34 : memref<!tpu.dma_semaphore, #tpu.memory_space<semaphore_mem>>) src(%arg14 : memref<200x32xf32, #tpu.memory_space<vmem>>) dst(%dma_wait3A_549 : memref<10000x32xf32, #tpu.memory_space<vmem_shared>>)
      %add3A_550 = arith.constant 10 : i32
      %add3A_551 = arith.addi %add3A_543, %add3A_550 : i32
      %dma_start3A_552 = arith.constant 0 : i32
      %dma_start3A_553 = tpu.memref_slice %arg7[%add3A_551, %dma_start3A_552] : memref<50x200xi32, #tpu.memory_space<vmem>> -> memref<1x200xi32, #tpu.memory_space<vmem>>
      %dma_start3A_554 = tpu.memref_squeeze %dma_start3A_553 : memref<1x200xi32, #tpu.memory_space<vmem>> -> memref<200xi32, #tpu.memory_space<vmem>>
      %dma_start3A_555 = arith.constant 0 : i32
      %dma_start3A_556 = arith.constant 0 : i32
      %dma_start3A_557 = tpu.memref_slice %arg40[%dma_start3A_555, %dma_start3A_556] : memref<10000x32xf32, #tpu.memory_space<vmem_shared>> -> memref<10000x32xf32, #tpu.memory_space<vmem_shared>>
      tpu.enqueue_indirect_dma source(%dma_start3A_557 : memref<10000x32xf32, #tpu.memory_space<vmem_shared>>) target(%arg14 : memref<200x32xf32, #tpu.memory_space<vmem>>) offsets(%dma_start3A_554 : memref<200xi32, #tpu.memory_space<vmem>>) semaphore(%arg24 : memref<!tpu.dma_semaphore, #tpu.memory_space<semaphore_mem>>)
      %mul3A_558 = arith.constant 10 : i32
      %mul3A_559 = arith.muli %scan3A_288, %mul3A_558 : i32
      %add3A_560 = arith.constant 6 : i32
      %add3A_561 = arith.addi %mul3A_559, %add3A_560 : i32
      %dma_wait3A_562 = arith.constant 0 : i32
      %dma_wait3A_563 = tpu.memref_slice %arg8[%add3A_561, %dma_wait3A_562] : memref<50x200xi32, #tpu.memory_space<vmem>> -> memref<1x200xi32, #tpu.memory_space<vmem>>
      %dma_wait3A_564 = tpu.memref_squeeze %dma_wait3A_563 : memref<1x200xi32, #tpu.memory_space<vmem>> -> memref<200xi32, #tpu.memory_space<vmem>>
      %dma_wait3A_565 = arith.constant 0 : i32
      %dma_wait3A_566 = arith.constant 0 : i32
      %dma_wait3A_567 = tpu.memref_slice %arg39[%dma_wait3A_565, %dma_wait3A_566] : memref<10000x32xf32, #tpu.memory_space<vmem_shared>> -> memref<10000x32xf32, #tpu.memory_space<vmem_shared>>
      tpu.wait_indirect_dma semaphore(%arg35 : memref<!tpu.dma_semaphore, #tpu.memory_space<semaphore_mem>>) src(%arg15 : memref<200x32xf32, #tpu.memory_space<vmem>>) dst(%dma_wait3A_567 : memref<10000x32xf32, #tpu.memory_space<vmem_shared>>)
      %add3A_568 = arith.constant 10 : i32
      %add3A_569 = arith.addi %add3A_561, %add3A_568 : i32
      %dma_start3A_570 = arith.constant 0 : i32
      %dma_start3A_571 = tpu.memref_slice %arg7[%add3A_569, %dma_start3A_570] : memref<50x200xi32, #tpu.memory_space<vmem>> -> memref<1x200xi32, #tpu.memory_space<vmem>>
      %dma_start3A_572 = tpu.memref_squeeze %dma_start3A_571 : memref<1x200xi32, #tpu.memory_space<vmem>> -> memref<200xi32, #tpu.memory_space<vmem>>
      %dma_start3A_573 = arith.constant 0 : i32
      %dma_start3A_574 = arith.constant 0 : i32
      %dma_start3A_575 = tpu.memref_slice %arg40[%dma_start3A_573, %dma_start3A_574] : memref<10000x32xf32, #tpu.memory_space<vmem_shared>> -> memref<10000x32xf32, #tpu.memory_space<vmem_shared>>
      tpu.enqueue_indirect_dma source(%dma_start3A_575 : memref<10000x32xf32, #tpu.memory_space<vmem_shared>>) target(%arg15 : memref<200x32xf32, #tpu.memory_space<vmem>>) offsets(%dma_start3A_572 : memref<200xi32, #tpu.memory_space<vmem>>) semaphore(%arg25 : memref<!tpu.dma_semaphore, #tpu.memory_space<semaphore_mem>>)
      %mul3A_576 = arith.constant 10 : i32
      %mul3A_577 = arith.muli %scan3A_288, %mul3A_576 : i32
      %add3A_578 = arith.constant 7 : i32
      %add3A_579 = arith.addi %mul3A_577, %add3A_578 : i32
      %dma_wait3A_580 = arith.constant 0 : i32
      %dma_wait3A_581 = tpu.memref_slice %arg8[%add3A_579, %dma_wait3A_580] : memref<50x200xi32, #tpu.memory_space<vmem>> -> memref<1x200xi32, #tpu.memory_space<vmem>>
      %dma_wait3A_582 = tpu.memref_squeeze %dma_wait3A_581 : memref<1x200xi32, #tpu.memory_space<vmem>> -> memref<200xi32, #tpu.memory_space<vmem>>
      %dma_wait3A_583 = arith.constant 0 : i32
      %dma_wait3A_584 = arith.constant 0 : i32
      %dma_wait3A_585 = tpu.memref_slice %arg39[%dma_wait3A_583, %dma_wait3A_584] : memref<10000x32xf32, #tpu.memory_space<vmem_shared>> -> memref<10000x32xf32, #tpu.memory_space<vmem_shared>>
      tpu.wait_indirect_dma semaphore(%arg36 : memref<!tpu.dma_semaphore, #tpu.memory_space<semaphore_mem>>) src(%arg16 : memref<200x32xf32, #tpu.memory_space<vmem>>) dst(%dma_wait3A_585 : memref<10000x32xf32, #tpu.memory_space<vmem_shared>>)
      %add3A_586 = arith.constant 10 : i32
      %add3A_587 = arith.addi %add3A_579, %add3A_586 : i32
      %dma_start3A_588 = arith.constant 0 : i32
      %dma_start3A_589 = tpu.memref_slice %arg7[%add3A_587, %dma_start3A_588] : memref<50x200xi32, #tpu.memory_space<vmem>> -> memref<1x200xi32, #tpu.memory_space<vmem>>
      %dma_start3A_590 = tpu.memref_squeeze %dma_start3A_589 : memref<1x200xi32, #tpu.memory_space<vmem>> -> memref<200xi32, #tpu.memory_space<vmem>>
      %dma_start3A_591 = arith.constant 0 : i32
      %dma_start3A_592 = arith.constant 0 : i32
      %dma_start3A_593 = tpu.memref_slice %arg40[%dma_start3A_591, %dma_start3A_592] : memref<10000x32xf32, #tpu.memory_space<vmem_shared>> -> memref<10000x32xf32, #tpu.memory_space<vmem_shared>>
      tpu.enqueue_indirect_dma source(%dma_start3A_593 : memref<10000x32xf32, #tpu.memory_space<vmem_shared>>) target(%arg16 : memref<200x32xf32, #tpu.memory_space<vmem>>) offsets(%dma_start3A_590 : memref<200xi32, #tpu.memory_space<vmem>>) semaphore(%arg26 : memref<!tpu.dma_semaphore, #tpu.memory_space<semaphore_mem>>)
      %mul3A_594 = arith.constant 10 : i32
      %mul3A_595 = arith.muli %scan3A_288, %mul3A_594 : i32
      %add3A_596 = arith.constant 8 : i32
      %add3A_597 = arith.addi %mul3A_595, %add3A_596 : i32
      %dma_wait3A_598 = arith.constant 0 : i32
      %dma_wait3A_599 = tpu.memref_slice %arg8[%add3A_597, %dma_wait3A_598] : memref<50x200xi32, #tpu.memory_space<vmem>> -> memref<1x200xi32, #tpu.memory_space<vmem>>
      %dma_wait3A_600 = tpu.memref_squeeze %dma_wait3A_599 : memref<1x200xi32, #tpu.memory_space<vmem>> -> memref<200xi32, #tpu.memory_space<vmem>>
      %dma_wait3A_601 = arith.constant 0 : i32
      %dma_wait3A_602 = arith.constant 0 : i32
      %dma_wait3A_603 = tpu.memref_slice %arg39[%dma_wait3A_601, %dma_wait3A_602] : memref<10000x32xf32, #tpu.memory_space<vmem_shared>> -> memref<10000x32xf32, #tpu.memory_space<vmem_shared>>
      tpu.wait_indirect_dma semaphore(%arg37 : memref<!tpu.dma_semaphore, #tpu.memory_space<semaphore_mem>>) src(%arg17 : memref<200x32xf32, #tpu.memory_space<vmem>>) dst(%dma_wait3A_603 : memref<10000x32xf32, #tpu.memory_space<vmem_shared>>)
      %add3A_604 = arith.constant 10 : i32
      %add3A_605 = arith.addi %add3A_597, %add3A_604 : i32
      %dma_start3A_606 = arith.constant 0 : i32
      %dma_start3A_607 = tpu.memref_slice %arg7[%add3A_605, %dma_start3A_606] : memref<50x200xi32, #tpu.memory_space<vmem>> -> memref<1x200xi32, #tpu.memory_space<vmem>>
      %dma_start3A_608 = tpu.memref_squeeze %dma_start3A_607 : memref<1x200xi32, #tpu.memory_space<vmem>> -> memref<200xi32, #tpu.memory_space<vmem>>
      %dma_start3A_609 = arith.constant 0 : i32
      %dma_start3A_610 = arith.constant 0 : i32
      %dma_start3A_611 = tpu.memref_slice %arg40[%dma_start3A_609, %dma_start3A_610] : memref<10000x32xf32, #tpu.memory_space<vmem_shared>> -> memref<10000x32xf32, #tpu.memory_space<vmem_shared>>
      tpu.enqueue_indirect_dma source(%dma_start3A_611 : memref<10000x32xf32, #tpu.memory_space<vmem_shared>>) target(%arg17 : memref<200x32xf32, #tpu.memory_space<vmem>>) offsets(%dma_start3A_608 : memref<200xi32, #tpu.memory_space<vmem>>) semaphore(%arg27 : memref<!tpu.dma_semaphore, #tpu.memory_space<semaphore_mem>>)
      %mul3A_612 = arith.constant 10 : i32
      %mul3A_613 = arith.muli %scan3A_288, %mul3A_612 : i32
      %add3A_614 = arith.constant 9 : i32
      %add3A_615 = arith.addi %mul3A_613, %add3A_614 : i32
      %dma_wait3A_616 = arith.constant 0 : i32
      %dma_wait3A_617 = tpu.memref_slice %arg8[%add3A_615, %dma_wait3A_616] : memref<50x200xi32, #tpu.memory_space<vmem>> -> memref<1x200xi32, #tpu.memory_space<vmem>>
      %dma_wait3A_618 = tpu.memref_squeeze %dma_wait3A_617 : memref<1x200xi32, #tpu.memory_space<vmem>> -> memref<200xi32, #tpu.memory_space<vmem>>
      %dma_wait3A_619 = arith.constant 0 : i32
      %dma_wait3A_620 = arith.constant 0 : i32
      %dma_wait3A_621 = tpu.memref_slice %arg39[%dma_wait3A_619, %dma_wait3A_620] : memref<10000x32xf32, #tpu.memory_space<vmem_shared>> -> memref<10000x32xf32, #tpu.memory_space<vmem_shared>>
      tpu.wait_indirect_dma semaphore(%arg38 : memref<!tpu.dma_semaphore, #tpu.memory_space<semaphore_mem>>) src(%arg18 : memref<200x32xf32, #tpu.memory_space<vmem>>) dst(%dma_wait3A_621 : memref<10000x32xf32, #tpu.memory_space<vmem_shared>>)
      %add3A_622 = arith.constant 10 : i32
      %add3A_623 = arith.addi %add3A_615, %add3A_622 : i32
      %dma_start3A_624 = arith.constant 0 : i32
      %dma_start3A_625 = tpu.memref_slice %arg7[%add3A_623, %dma_start3A_624] : memref<50x200xi32, #tpu.memory_space<vmem>> -> memref<1x200xi32, #tpu.memory_space<vmem>>
      %dma_start3A_626 = tpu.memref_squeeze %dma_start3A_625 : memref<1x200xi32, #tpu.memory_space<vmem>> -> memref<200xi32, #tpu.memory_space<vmem>>
      %dma_start3A_627 = arith.constant 0 : i32
      %dma_start3A_628 = arith.constant 0 : i32
      %dma_start3A_629 = tpu.memref_slice %arg40[%dma_start3A_627, %dma_start3A_628] : memref<10000x32xf32, #tpu.memory_space<vmem_shared>> -> memref<10000x32xf32, #tpu.memory_space<vmem_shared>>
      tpu.enqueue_indirect_dma source(%dma_start3A_629 : memref<10000x32xf32, #tpu.memory_space<vmem_shared>>) target(%arg18 : memref<200x32xf32, #tpu.memory_space<vmem>>) offsets(%dma_start3A_626 : memref<200xi32, #tpu.memory_space<vmem>>) semaphore(%arg28 : memref<!tpu.dma_semaphore, #tpu.memory_space<semaphore_mem>>)
      %scan3A_630 = arith.constant 0 : i32
      scf.yield %scan3A_630 : i32
    }
    %scan3A_77 = arith.constant 4 : i32
    %dma_wait3A = arith.constant 40 : i32
    %dma_wait3A_78 = arith.constant 0 : i32
    %dma_wait3A_79 = tpu.memref_slice %arg7[%dma_wait3A, %dma_wait3A_78] : memref<50x200xi32, #tpu.memory_space<vmem>> -> memref<1x200xi32, #tpu.memory_space<vmem>>
    %dma_wait3A_80 = tpu.memref_squeeze %dma_wait3A_79 : memref<1x200xi32, #tpu.memory_space<vmem>> -> memref<200xi32, #tpu.memory_space<vmem>>
    %dma_wait3A_81 = arith.constant 0 : i32
    %dma_wait3A_82 = arith.constant 0 : i32
    %dma_wait3A_83 = tpu.memref_slice %arg2[%dma_wait3A_81, %dma_wait3A_82] : memref<10000x32xf32, #tpu.memory_space<hbm>> -> memref<10000x32xf32, #tpu.memory_space<hbm>>
    tpu.wait_indirect_dma semaphore(%arg19 : memref<!tpu.dma_semaphore, #tpu.memory_space<semaphore_mem>>) src(%dma_wait3A_83 : memref<10000x32xf32, #tpu.memory_space<hbm>>) dst(%arg9 : memref<200x32xf32, #tpu.memory_space<vmem>>)
    %dma_start3A_84 = arith.constant 40 : i32
    %dma_start3A_85 = arith.constant 0 : i32
    %dma_start3A_86 = tpu.memref_slice %arg8[%dma_start3A_84, %dma_start3A_85] : memref<50x200xi32, #tpu.memory_space<vmem>> -> memref<1x200xi32, #tpu.memory_space<vmem>>
    %dma_start3A_87 = tpu.memref_squeeze %dma_start3A_86 : memref<1x200xi32, #tpu.memory_space<vmem>> -> memref<200xi32, #tpu.memory_space<vmem>>
    %dma_start3A_88 = arith.constant 0 : i32
    %dma_start3A_89 = arith.constant 0 : i32
    %dma_start3A_90 = tpu.memref_slice %arg39[%dma_start3A_88, %dma_start3A_89] : memref<10000x32xf32, #tpu.memory_space<vmem_shared>> -> memref<10000x32xf32, #tpu.memory_space<vmem_shared>>
    tpu.enqueue_indirect_dma source(%arg9 : memref<200x32xf32, #tpu.memory_space<vmem>>) target(%dma_start3A_90 : memref<10000x32xf32, #tpu.memory_space<vmem_shared>>) offsets(%dma_start3A_87 : memref<200xi32, #tpu.memory_space<vmem>>) semaphore(%arg29 : memref<!tpu.dma_semaphore, #tpu.memory_space<semaphore_mem>>) {add = true}
    %dma_wait3A_91 = arith.constant 41 : i32
    %dma_wait3A_92 = arith.constant 0 : i32
    %dma_wait3A_93 = tpu.memref_slice %arg7[%dma_wait3A_91, %dma_wait3A_92] : memref<50x200xi32, #tpu.memory_space<vmem>> -> memref<1x200xi32, #tpu.memory_space<vmem>>
    %dma_wait3A_94 = tpu.memref_squeeze %dma_wait3A_93 : memref<1x200xi32, #tpu.memory_space<vmem>> -> memref<200xi32, #tpu.memory_space<vmem>>
    %dma_wait3A_95 = arith.constant 0 : i32
    %dma_wait3A_96 = arith.constant 0 : i32
    %dma_wait3A_97 = tpu.memref_slice %arg2[%dma_wait3A_95, %dma_wait3A_96] : memref<10000x32xf32, #tpu.memory_space<hbm>> -> memref<10000x32xf32, #tpu.memory_space<hbm>>
    tpu.wait_indirect_dma semaphore(%arg20 : memref<!tpu.dma_semaphore, #tpu.memory_space<semaphore_mem>>) src(%dma_wait3A_97 : memref<10000x32xf32, #tpu.memory_space<hbm>>) dst(%arg10 : memref<200x32xf32, #tpu.memory_space<vmem>>)
    %dma_start3A_98 = arith.constant 41 : i32
    %dma_start3A_99 = arith.constant 0 : i32
    %dma_start3A_100 = tpu.memref_slice %arg8[%dma_start3A_98, %dma_start3A_99] : memref<50x200xi32, #tpu.memory_space<vmem>> -> memref<1x200xi32, #tpu.memory_space<vmem>>
    %dma_start3A_101 = tpu.memref_squeeze %dma_start3A_100 : memref<1x200xi32, #tpu.memory_space<vmem>> -> memref<200xi32, #tpu.memory_space<vmem>>
    %dma_start3A_102 = arith.constant 0 : i32
    %dma_start3A_103 = arith.constant 0 : i32
    %dma_start3A_104 = tpu.memref_slice %arg39[%dma_start3A_102, %dma_start3A_103] : memref<10000x32xf32, #tpu.memory_space<vmem_shared>> -> memref<10000x32xf32, #tpu.memory_space<vmem_shared>>
    tpu.enqueue_indirect_dma source(%arg10 : memref<200x32xf32, #tpu.memory_space<vmem>>) target(%dma_start3A_104 : memref<10000x32xf32, #tpu.memory_space<vmem_shared>>) offsets(%dma_start3A_101 : memref<200xi32, #tpu.memory_space<vmem>>) semaphore(%arg30 : memref<!tpu.dma_semaphore, #tpu.memory_space<semaphore_mem>>) {add = true}
    %dma_wait3A_105 = arith.constant 42 : i32
    %dma_wait3A_106 = arith.constant 0 : i32
    %dma_wait3A_107 = tpu.memref_slice %arg7[%dma_wait3A_105, %dma_wait3A_106] : memref<50x200xi32, #tpu.memory_space<vmem>> -> memref<1x200xi32, #tpu.memory_space<vmem>>
    %dma_wait3A_108 = tpu.memref_squeeze %dma_wait3A_107 : memref<1x200xi32, #tpu.memory_space<vmem>> -> memref<200xi32, #tpu.memory_space<vmem>>
    %dma_wait3A_109 = arith.constant 0 : i32
    %dma_wait3A_110 = arith.constant 0 : i32
    %dma_wait3A_111 = tpu.memref_slice %arg40[%dma_wait3A_109, %dma_wait3A_110] : memref<10000x32xf32, #tpu.memory_space<vmem_shared>> -> memref<10000x32xf32, #tpu.memory_space<vmem_shared>>
    tpu.wait_indirect_dma semaphore(%arg21 : memref<!tpu.dma_semaphore, #tpu.memory_space<semaphore_mem>>) src(%dma_wait3A_111 : memref<10000x32xf32, #tpu.memory_space<vmem_shared>>) dst(%arg11 : memref<200x32xf32, #tpu.memory_space<vmem>>)
    %dma_start3A_112 = arith.constant 42 : i32
    %dma_start3A_113 = arith.constant 0 : i32
    %dma_start3A_114 = tpu.memref_slice %arg8[%dma_start3A_112, %dma_start3A_113] : memref<50x200xi32, #tpu.memory_space<vmem>> -> memref<1x200xi32, #tpu.memory_space<vmem>>
    %dma_start3A_115 = tpu.memref_squeeze %dma_start3A_114 : memref<1x200xi32, #tpu.memory_space<vmem>> -> memref<200xi32, #tpu.memory_space<vmem>>
    %dma_start3A_116 = arith.constant 0 : i32
    %dma_start3A_117 = arith.constant 0 : i32
    %dma_start3A_118 = tpu.memref_slice %arg39[%dma_start3A_116, %dma_start3A_117] : memref<10000x32xf32, #tpu.memory_space<vmem_shared>> -> memref<10000x32xf32, #tpu.memory_space<vmem_shared>>
    tpu.enqueue_indirect_dma source(%arg11 : memref<200x32xf32, #tpu.memory_space<vmem>>) target(%dma_start3A_118 : memref<10000x32xf32, #tpu.memory_space<vmem_shared>>) offsets(%dma_start3A_115 : memref<200xi32, #tpu.memory_space<vmem>>) semaphore(%arg31 : memref<!tpu.dma_semaphore, #tpu.memory_space<semaphore_mem>>) {add = true}
    %dma_wait3A_119 = arith.constant 43 : i32
    %dma_wait3A_120 = arith.constant 0 : i32
    %dma_wait3A_121 = tpu.memref_slice %arg7[%dma_wait3A_119, %dma_wait3A_120] : memref<50x200xi32, #tpu.memory_space<vmem>> -> memref<1x200xi32, #tpu.memory_space<vmem>>
    %dma_wait3A_122 = tpu.memref_squeeze %dma_wait3A_121 : memref<1x200xi32, #tpu.memory_space<vmem>> -> memref<200xi32, #tpu.memory_space<vmem>>
    %dma_wait3A_123 = arith.constant 0 : i32
    %dma_wait3A_124 = arith.constant 0 : i32
    %dma_wait3A_125 = tpu.memref_slice %arg40[%dma_wait3A_123, %dma_wait3A_124] : memref<10000x32xf32, #tpu.memory_space<vmem_shared>> -> memref<10000x32xf32, #tpu.memory_space<vmem_shared>>
    tpu.wait_indirect_dma semaphore(%arg22 : memref<!tpu.dma_semaphore, #tpu.memory_space<semaphore_mem>>) src(%dma_wait3A_125 : memref<10000x32xf32, #tpu.memory_space<vmem_shared>>) dst(%arg12 : memref<200x32xf32, #tpu.memory_space<vmem>>)
    %dma_start3A_126 = arith.constant 43 : i32
    %dma_start3A_127 = arith.constant 0 : i32
    %dma_start3A_128 = tpu.memref_slice %arg8[%dma_start3A_126, %dma_start3A_127] : memref<50x200xi32, #tpu.memory_space<vmem>> -> memref<1x200xi32, #tpu.memory_space<vmem>>
    %dma_start3A_129 = tpu.memref_squeeze %dma_start3A_128 : memref<1x200xi32, #tpu.memory_space<vmem>> -> memref<200xi32, #tpu.memory_space<vmem>>
    %dma_start3A_130 = arith.constant 0 : i32
    %dma_start3A_131 = arith.constant 0 : i32
    %dma_start3A_132 = tpu.memref_slice %arg39[%dma_start3A_130, %dma_start3A_131] : memref<10000x32xf32, #tpu.memory_space<vmem_shared>> -> memref<10000x32xf32, #tpu.memory_space<vmem_shared>>
    tpu.enqueue_indirect_dma source(%arg12 : memref<200x32xf32, #tpu.memory_space<vmem>>) target(%dma_start3A_132 : memref<10000x32xf32, #tpu.memory_space<vmem_shared>>) offsets(%dma_start3A_129 : memref<200xi32, #tpu.memory_space<vmem>>) semaphore(%arg32 : memref<!tpu.dma_semaphore, #tpu.memory_space<semaphore_mem>>) {add = true}
    %dma_wait3A_133 = arith.constant 44 : i32
    %dma_wait3A_134 = arith.constant 0 : i32
    %dma_wait3A_135 = tpu.memref_slice %arg7[%dma_wait3A_133, %dma_wait3A_134] : memref<50x200xi32, #tpu.memory_space<vmem>> -> memref<1x200xi32, #tpu.memory_space<vmem>>
    %dma_wait3A_136 = tpu.memref_squeeze %dma_wait3A_135 : memref<1x200xi32, #tpu.memory_space<vmem>> -> memref<200xi32, #tpu.memory_space<vmem>>
    %dma_wait3A_137 = arith.constant 0 : i32
    %dma_wait3A_138 = arith.constant 0 : i32
    %dma_wait3A_139 = tpu.memref_slice %arg40[%dma_wait3A_137, %dma_wait3A_138] : memref<10000x32xf32, #tpu.memory_space<vmem_shared>> -> memref<10000x32xf32, #tpu.memory_space<vmem_shared>>
    tpu.wait_indirect_dma semaphore(%arg23 : memref<!tpu.dma_semaphore, #tpu.memory_space<semaphore_mem>>) src(%dma_wait3A_139 : memref<10000x32xf32, #tpu.memory_space<vmem_shared>>) dst(%arg13 : memref<200x32xf32, #tpu.memory_space<vmem>>)
    %dma_start3A_140 = arith.constant 44 : i32
    %dma_start3A_141 = arith.constant 0 : i32
    %dma_start3A_142 = tpu.memref_slice %arg8[%dma_start3A_140, %dma_start3A_141] : memref<50x200xi32, #tpu.memory_space<vmem>> -> memref<1x200xi32, #tpu.memory_space<vmem>>
    %dma_start3A_143 = tpu.memref_squeeze %dma_start3A_142 : memref<1x200xi32, #tpu.memory_space<vmem>> -> memref<200xi32, #tpu.memory_space<vmem>>
    %dma_start3A_144 = arith.constant 0 : i32
    %dma_start3A_145 = arith.constant 0 : i32
    %dma_start3A_146 = tpu.memref_slice %arg39[%dma_start3A_144, %dma_start3A_145] : memref<10000x32xf32, #tpu.memory_space<vmem_shared>> -> memref<10000x32xf32, #tpu.memory_space<vmem_shared>>
    tpu.enqueue_indirect_dma source(%arg13 : memref<200x32xf32, #tpu.memory_space<vmem>>) target(%dma_start3A_146 : memref<10000x32xf32, #tpu.memory_space<vmem_shared>>) offsets(%dma_start3A_143 : memref<200xi32, #tpu.memory_space<vmem>>) semaphore(%arg33 : memref<!tpu.dma_semaphore, #tpu.memory_space<semaphore_mem>>) {add = true}
    %dma_wait3A_147 = arith.constant 45 : i32
    %dma_wait3A_148 = arith.constant 0 : i32
    %dma_wait3A_149 = tpu.memref_slice %arg7[%dma_wait3A_147, %dma_wait3A_148] : memref<50x200xi32, #tpu.memory_space<vmem>> -> memref<1x200xi32, #tpu.memory_space<vmem>>
    %dma_wait3A_150 = tpu.memref_squeeze %dma_wait3A_149 : memref<1x200xi32, #tpu.memory_space<vmem>> -> memref<200xi32, #tpu.memory_space<vmem>>
    %dma_wait3A_151 = arith.constant 0 : i32
    %dma_wait3A_152 = arith.constant 0 : i32
    %dma_wait3A_153 = tpu.memref_slice %arg40[%dma_wait3A_151, %dma_wait3A_152] : memref<10000x32xf32, #tpu.memory_space<vmem_shared>> -> memref<10000x32xf32, #tpu.memory_space<vmem_shared>>
    tpu.wait_indirect_dma semaphore(%arg24 : memref<!tpu.dma_semaphore, #tpu.memory_space<semaphore_mem>>) src(%dma_wait3A_153 : memref<10000x32xf32, #tpu.memory_space<vmem_shared>>) dst(%arg14 : memref<200x32xf32, #tpu.memory_space<vmem>>)
    %dma_start3A_154 = arith.constant 45 : i32
    %dma_start3A_155 = arith.constant 0 : i32
    %dma_start3A_156 = tpu.memref_slice %arg8[%dma_start3A_154, %dma_start3A_155] : memref<50x200xi32, #tpu.memory_space<vmem>> -> memref<1x200xi32, #tpu.memory_space<vmem>>
    %dma_start3A_157 = tpu.memref_squeeze %dma_start3A_156 : memref<1x200xi32, #tpu.memory_space<vmem>> -> memref<200xi32, #tpu.memory_space<vmem>>
    %dma_start3A_158 = arith.constant 0 : i32
    %dma_start3A_159 = arith.constant 0 : i32
    %dma_start3A_160 = tpu.memref_slice %arg39[%dma_start3A_158, %dma_start3A_159] : memref<10000x32xf32, #tpu.memory_space<vmem_shared>> -> memref<10000x32xf32, #tpu.memory_space<vmem_shared>>
    tpu.enqueue_indirect_dma source(%arg14 : memref<200x32xf32, #tpu.memory_space<vmem>>) target(%dma_start3A_160 : memref<10000x32xf32, #tpu.memory_space<vmem_shared>>) offsets(%dma_start3A_157 : memref<200xi32, #tpu.memory_space<vmem>>) semaphore(%arg34 : memref<!tpu.dma_semaphore, #tpu.memory_space<semaphore_mem>>) {add = true}
    %dma_wait3A_161 = arith.constant 46 : i32
    %dma_wait3A_162 = arith.constant 0 : i32
    %dma_wait3A_163 = tpu.memref_slice %arg7[%dma_wait3A_161, %dma_wait3A_162] : memref<50x200xi32, #tpu.memory_space<vmem>> -> memref<1x200xi32, #tpu.memory_space<vmem>>
    %dma_wait3A_164 = tpu.memref_squeeze %dma_wait3A_163 : memref<1x200xi32, #tpu.memory_space<vmem>> -> memref<200xi32, #tpu.memory_space<vmem>>
    %dma_wait3A_165 = arith.constant 0 : i32
    %dma_wait3A_166 = arith.constant 0 : i32
    %dma_wait3A_167 = tpu.memref_slice %arg40[%dma_wait3A_165, %dma_wait3A_166] : memref<10000x32xf32, #tpu.memory_space<vmem_shared>> -> memref<10000x32xf32, #tpu.memory_space<vmem_shared>>
    tpu.wait_indirect_dma semaphore(%arg25 : memref<!tpu.dma_semaphore, #tpu.memory_space<semaphore_mem>>) src(%dma_wait3A_167 : memref<10000x32xf32, #tpu.memory_space<vmem_shared>>) dst(%arg15 : memref<200x32xf32, #tpu.memory_space<vmem>>)
    %dma_start3A_168 = arith.constant 46 : i32
    %dma_start3A_169 = arith.constant 0 : i32
    %dma_start3A_170 = tpu.memref_slice %arg8[%dma_start3A_168, %dma_start3A_169] : memref<50x200xi32, #tpu.memory_space<vmem>> -> memref<1x200xi32, #tpu.memory_space<vmem>>
    %dma_start3A_171 = tpu.memref_squeeze %dma_start3A_170 : memref<1x200xi32, #tpu.memory_space<vmem>> -> memref<200xi32, #tpu.memory_space<vmem>>
    %dma_start3A_172 = arith.constant 0 : i32
    %dma_start3A_173 = arith.constant 0 : i32
    %dma_start3A_174 = tpu.memref_slice %arg39[%dma_start3A_172, %dma_start3A_173] : memref<10000x32xf32, #tpu.memory_space<vmem_shared>> -> memref<10000x32xf32, #tpu.memory_space<vmem_shared>>
    tpu.enqueue_indirect_dma source(%arg15 : memref<200x32xf32, #tpu.memory_space<vmem>>) target(%dma_start3A_174 : memref<10000x32xf32, #tpu.memory_space<vmem_shared>>) offsets(%dma_start3A_171 : memref<200xi32, #tpu.memory_space<vmem>>) semaphore(%arg35 : memref<!tpu.dma_semaphore, #tpu.memory_space<semaphore_mem>>) {add = true}
    %dma_wait3A_175 = arith.constant 47 : i32
    %dma_wait3A_176 = arith.constant 0 : i32
    %dma_wait3A_177 = tpu.memref_slice %arg7[%dma_wait3A_175, %dma_wait3A_176] : memref<50x200xi32, #tpu.memory_space<vmem>> -> memref<1x200xi32, #tpu.memory_space<vmem>>
    %dma_wait3A_178 = tpu.memref_squeeze %dma_wait3A_177 : memref<1x200xi32, #tpu.memory_space<vmem>> -> memref<200xi32, #tpu.memory_space<vmem>>
    %dma_wait3A_179 = arith.constant 0 : i32
    %dma_wait3A_180 = arith.constant 0 : i32
    %dma_wait3A_181 = tpu.memref_slice %arg40[%dma_wait3A_179, %dma_wait3A_180] : memref<10000x32xf32, #tpu.memory_space<vmem_shared>> -> memref<10000x32xf32, #tpu.memory_space<vmem_shared>>
    tpu.wait_indirect_dma semaphore(%arg26 : memref<!tpu.dma_semaphore, #tpu.memory_space<semaphore_mem>>) src(%dma_wait3A_181 : memref<10000x32xf32, #tpu.memory_space<vmem_shared>>) dst(%arg16 : memref<200x32xf32, #tpu.memory_space<vmem>>)
    %dma_start3A_182 = arith.constant 47 : i32
    %dma_start3A_183 = arith.constant 0 : i32
    %dma_start3A_184 = tpu.memref_slice %arg8[%dma_start3A_182, %dma_start3A_183] : memref<50x200xi32, #tpu.memory_space<vmem>> -> memref<1x200xi32, #tpu.memory_space<vmem>>
    %dma_start3A_185 = tpu.memref_squeeze %dma_start3A_184 : memref<1x200xi32, #tpu.memory_space<vmem>> -> memref<200xi32, #tpu.memory_space<vmem>>
    %dma_start3A_186 = arith.constant 0 : i32
    %dma_start3A_187 = arith.constant 0 : i32
    %dma_start3A_188 = tpu.memref_slice %arg39[%dma_start3A_186, %dma_start3A_187] : memref<10000x32xf32, #tpu.memory_space<vmem_shared>> -> memref<10000x32xf32, #tpu.memory_space<vmem_shared>>
    tpu.enqueue_indirect_dma source(%arg16 : memref<200x32xf32, #tpu.memory_space<vmem>>) target(%dma_start3A_188 : memref<10000x32xf32, #tpu.memory_space<vmem_shared>>) offsets(%dma_start3A_185 : memref<200xi32, #tpu.memory_space<vmem>>) semaphore(%arg36 : memref<!tpu.dma_semaphore, #tpu.memory_space<semaphore_mem>>) {add = true}
    %dma_wait3A_189 = arith.constant 48 : i32
    %dma_wait3A_190 = arith.constant 0 : i32
    %dma_wait3A_191 = tpu.memref_slice %arg7[%dma_wait3A_189, %dma_wait3A_190] : memref<50x200xi32, #tpu.memory_space<vmem>> -> memref<1x200xi32, #tpu.memory_space<vmem>>
    %dma_wait3A_192 = tpu.memref_squeeze %dma_wait3A_191 : memref<1x200xi32, #tpu.memory_space<vmem>> -> memref<200xi32, #tpu.memory_space<vmem>>
    %dma_wait3A_193 = arith.constant 0 : i32
    %dma_wait3A_194 = arith.constant 0 : i32
    %dma_wait3A_195 = tpu.memref_slice %arg40[%dma_wait3A_193, %dma_wait3A_194] : memref<10000x32xf32, #tpu.memory_space<vmem_shared>> -> memref<10000x32xf32, #tpu.memory_space<vmem_shared>>
    tpu.wait_indirect_dma semaphore(%arg27 : memref<!tpu.dma_semaphore, #tpu.memory_space<semaphore_mem>>) src(%dma_wait3A_195 : memref<10000x32xf32, #tpu.memory_space<vmem_shared>>) dst(%arg17 : memref<200x32xf32, #tpu.memory_space<vmem>>)
    %dma_start3A_196 = arith.constant 48 : i32
    %dma_start3A_197 = arith.constant 0 : i32
    %dma_start3A_198 = tpu.memref_slice %arg8[%dma_start3A_196, %dma_start3A_197] : memref<50x200xi32, #tpu.memory_space<vmem>> -> memref<1x200xi32, #tpu.memory_space<vmem>>
    %dma_start3A_199 = tpu.memref_squeeze %dma_start3A_198 : memref<1x200xi32, #tpu.memory_space<vmem>> -> memref<200xi32, #tpu.memory_space<vmem>>
    %dma_start3A_200 = arith.constant 0 : i32
    %dma_start3A_201 = arith.constant 0 : i32
    %dma_start3A_202 = tpu.memref_slice %arg39[%dma_start3A_200, %dma_start3A_201] : memref<10000x32xf32, #tpu.memory_space<vmem_shared>> -> memref<10000x32xf32, #tpu.memory_space<vmem_shared>>
    tpu.enqueue_indirect_dma source(%arg17 : memref<200x32xf32, #tpu.memory_space<vmem>>) target(%dma_start3A_202 : memref<10000x32xf32, #tpu.memory_space<vmem_shared>>) offsets(%dma_start3A_199 : memref<200xi32, #tpu.memory_space<vmem>>) semaphore(%arg37 : memref<!tpu.dma_semaphore, #tpu.memory_space<semaphore_mem>>) {add = true}
    %dma_wait3A_203 = arith.constant 49 : i32
    %dma_wait3A_204 = arith.constant 0 : i32
    %dma_wait3A_205 = tpu.memref_slice %arg7[%dma_wait3A_203, %dma_wait3A_204] : memref<50x200xi32, #tpu.memory_space<vmem>> -> memref<1x200xi32, #tpu.memory_space<vmem>>
    %dma_wait3A_206 = tpu.memref_squeeze %dma_wait3A_205 : memref<1x200xi32, #tpu.memory_space<vmem>> -> memref<200xi32, #tpu.memory_space<vmem>>
    %dma_wait3A_207 = arith.constant 0 : i32
    %dma_wait3A_208 = arith.constant 0 : i32
    %dma_wait3A_209 = tpu.memref_slice %arg40[%dma_wait3A_207, %dma_wait3A_208] : memref<10000x32xf32, #tpu.memory_space<vmem_shared>> -> memref<10000x32xf32, #tpu.memory_space<vmem_shared>>
    tpu.wait_indirect_dma semaphore(%arg28 : memref<!tpu.dma_semaphore, #tpu.memory_space<semaphore_mem>>) src(%dma_wait3A_209 : memref<10000x32xf32, #tpu.memory_space<vmem_shared>>) dst(%arg18 : memref<200x32xf32, #tpu.memory_space<vmem>>)
    %dma_start3A_210 = arith.constant 49 : i32
    %dma_start3A_211 = arith.constant 0 : i32
    %dma_start3A_212 = tpu.memref_slice %arg8[%dma_start3A_210, %dma_start3A_211] : memref<50x200xi32, #tpu.memory_space<vmem>> -> memref<1x200xi32, #tpu.memory_space<vmem>>
    %dma_start3A_213 = tpu.memref_squeeze %dma_start3A_212 : memref<1x200xi32, #tpu.memory_space<vmem>> -> memref<200xi32, #tpu.memory_space<vmem>>
    %dma_start3A_214 = arith.constant 0 : i32
    %dma_start3A_215 = arith.constant 0 : i32
    %dma_start3A_216 = tpu.memref_slice %arg39[%dma_start3A_214, %dma_start3A_215] : memref<10000x32xf32, #tpu.memory_space<vmem_shared>> -> memref<10000x32xf32, #tpu.memory_space<vmem_shared>>
    tpu.enqueue_indirect_dma source(%arg18 : memref<200x32xf32, #tpu.memory_space<vmem>>) target(%dma_start3A_216 : memref<10000x32xf32, #tpu.memory_space<vmem_shared>>) offsets(%dma_start3A_213 : memref<200xi32, #tpu.memory_space<vmem>>) semaphore(%arg38 : memref<!tpu.dma_semaphore, #tpu.memory_space<semaphore_mem>>) {add = true}
    %dma_wait3A_217 = arith.constant 40 : i32
    %dma_wait3A_218 = arith.constant 0 : i32
    %dma_wait3A_219 = tpu.memref_slice %arg8[%dma_wait3A_217, %dma_wait3A_218] : memref<50x200xi32, #tpu.memory_space<vmem>> -> memref<1x200xi32, #tpu.memory_space<vmem>>
    %dma_wait3A_220 = tpu.memref_squeeze %dma_wait3A_219 : memref<1x200xi32, #tpu.memory_space<vmem>> -> memref<200xi32, #tpu.memory_space<vmem>>
    %dma_wait3A_221 = arith.constant 0 : i32
    %dma_wait3A_222 = arith.constant 0 : i32
    %dma_wait3A_223 = tpu.memref_slice %arg39[%dma_wait3A_221, %dma_wait3A_222] : memref<10000x32xf32, #tpu.memory_space<vmem_shared>> -> memref<10000x32xf32, #tpu.memory_space<vmem_shared>>
    tpu.wait_indirect_dma semaphore(%arg29 : memref<!tpu.dma_semaphore, #tpu.memory_space<semaphore_mem>>) src(%arg9 : memref<200x32xf32, #tpu.memory_space<vmem>>) dst(%dma_wait3A_223 : memref<10000x32xf32, #tpu.memory_space<vmem_shared>>)
    %dma_wait3A_224 = arith.constant 41 : i32
    %dma_wait3A_225 = arith.constant 0 : i32
    %dma_wait3A_226 = tpu.memref_slice %arg8[%dma_wait3A_224, %dma_wait3A_225] : memref<50x200xi32, #tpu.memory_space<vmem>> -> memref<1x200xi32, #tpu.memory_space<vmem>>
    %dma_wait3A_227 = tpu.memref_squeeze %dma_wait3A_226 : memref<1x200xi32, #tpu.memory_space<vmem>> -> memref<200xi32, #tpu.memory_space<vmem>>
    %dma_wait3A_228 = arith.constant 0 : i32
    %dma_wait3A_229 = arith.constant 0 : i32
    %dma_wait3A_230 = tpu.memref_slice %arg39[%dma_wait3A_228, %dma_wait3A_229] : memref<10000x32xf32, #tpu.memory_space<vmem_shared>> -> memref<10000x32xf32, #tpu.memory_space<vmem_shared>>
    tpu.wait_indirect_dma semaphore(%arg30 : memref<!tpu.dma_semaphore, #tpu.memory_space<semaphore_mem>>) src(%arg10 : memref<200x32xf32, #tpu.memory_space<vmem>>) dst(%dma_wait3A_230 : memref<10000x32xf32, #tpu.memory_space<vmem_shared>>)
    %dma_wait3A_231 = arith.constant 42 : i32
    %dma_wait3A_232 = arith.constant 0 : i32
    %dma_wait3A_233 = tpu.memref_slice %arg8[%dma_wait3A_231, %dma_wait3A_232] : memref<50x200xi32, #tpu.memory_space<vmem>> -> memref<1x200xi32, #tpu.memory_space<vmem>>
    %dma_wait3A_234 = tpu.memref_squeeze %dma_wait3A_233 : memref<1x200xi32, #tpu.memory_space<vmem>> -> memref<200xi32, #tpu.memory_space<vmem>>
    %dma_wait3A_235 = arith.constant 0 : i32
    %dma_wait3A_236 = arith.constant 0 : i32
    %dma_wait3A_237 = tpu.memref_slice %arg39[%dma_wait3A_235, %dma_wait3A_236] : memref<10000x32xf32, #tpu.memory_space<vmem_shared>> -> memref<10000x32xf32, #tpu.memory_space<vmem_shared>>
    tpu.wait_indirect_dma semaphore(%arg31 : memref<!tpu.dma_semaphore, #tpu.memory_space<semaphore_mem>>) src(%arg11 : memref<200x32xf32, #tpu.memory_space<vmem>>) dst(%dma_wait3A_237 : memref<10000x32xf32, #tpu.memory_space<vmem_shared>>)
    %dma_wait3A_238 = arith.constant 43 : i32
    %dma_wait3A_239 = arith.constant 0 : i32
    %dma_wait3A_240 = tpu.memref_slice %arg8[%dma_wait3A_238, %dma_wait3A_239] : memref<50x200xi32, #tpu.memory_space<vmem>> -> memref<1x200xi32, #tpu.memory_space<vmem>>
    %dma_wait3A_241 = tpu.memref_squeeze %dma_wait3A_240 : memref<1x200xi32, #tpu.memory_space<vmem>> -> memref<200xi32, #tpu.memory_space<vmem>>
    %dma_wait3A_242 = arith.constant 0 : i32
    %dma_wait3A_243 = arith.constant 0 : i32
    %dma_wait3A_244 = tpu.memref_slice %arg39[%dma_wait3A_242, %dma_wait3A_243] : memref<10000x32xf32, #tpu.memory_space<vmem_shared>> -> memref<10000x32xf32, #tpu.memory_space<vmem_shared>>
    tpu.wait_indirect_dma semaphore(%arg32 : memref<!tpu.dma_semaphore, #tpu.memory_space<semaphore_mem>>) src(%arg12 : memref<200x32xf32, #tpu.memory_space<vmem>>) dst(%dma_wait3A_244 : memref<10000x32xf32, #tpu.memory_space<vmem_shared>>)
    %dma_wait3A_245 = arith.constant 44 : i32
    %dma_wait3A_246 = arith.constant 0 : i32
    %dma_wait3A_247 = tpu.memref_slice %arg8[%dma_wait3A_245, %dma_wait3A_246] : memref<50x200xi32, #tpu.memory_space<vmem>> -> memref<1x200xi32, #tpu.memory_space<vmem>>
    %dma_wait3A_248 = tpu.memref_squeeze %dma_wait3A_247 : memref<1x200xi32, #tpu.memory_space<vmem>> -> memref<200xi32, #tpu.memory_space<vmem>>
    %dma_wait3A_249 = arith.constant 0 : i32
    %dma_wait3A_250 = arith.constant 0 : i32
    %dma_wait3A_251 = tpu.memref_slice %arg39[%dma_wait3A_249, %dma_wait3A_250] : memref<10000x32xf32, #tpu.memory_space<vmem_shared>> -> memref<10000x32xf32, #tpu.memory_space<vmem_shared>>
    tpu.wait_indirect_dma semaphore(%arg33 : memref<!tpu.dma_semaphore, #tpu.memory_space<semaphore_mem>>) src(%arg13 : memref<200x32xf32, #tpu.memory_space<vmem>>) dst(%dma_wait3A_251 : memref<10000x32xf32, #tpu.memory_space<vmem_shared>>)
    %dma_wait3A_252 = arith.constant 45 : i32
    %dma_wait3A_253 = arith.constant 0 : i32
    %dma_wait3A_254 = tpu.memref_slice %arg8[%dma_wait3A_252, %dma_wait3A_253] : memref<50x200xi32, #tpu.memory_space<vmem>> -> memref<1x200xi32, #tpu.memory_space<vmem>>
    %dma_wait3A_255 = tpu.memref_squeeze %dma_wait3A_254 : memref<1x200xi32, #tpu.memory_space<vmem>> -> memref<200xi32, #tpu.memory_space<vmem>>
    %dma_wait3A_256 = arith.constant 0 : i32
    %dma_wait3A_257 = arith.constant 0 : i32
    %dma_wait3A_258 = tpu.memref_slice %arg39[%dma_wait3A_256, %dma_wait3A_257] : memref<10000x32xf32, #tpu.memory_space<vmem_shared>> -> memref<10000x32xf32, #tpu.memory_space<vmem_shared>>
    tpu.wait_indirect_dma semaphore(%arg34 : memref<!tpu.dma_semaphore, #tpu.memory_space<semaphore_mem>>) src(%arg14 : memref<200x32xf32, #tpu.memory_space<vmem>>) dst(%dma_wait3A_258 : memref<10000x32xf32, #tpu.memory_space<vmem_shared>>)
    %dma_wait3A_259 = arith.constant 46 : i32
    %dma_wait3A_260 = arith.constant 0 : i32
    %dma_wait3A_261 = tpu.memref_slice %arg8[%dma_wait3A_259, %dma_wait3A_260] : memref<50x200xi32, #tpu.memory_space<vmem>> -> memref<1x200xi32, #tpu.memory_space<vmem>>
    %dma_wait3A_262 = tpu.memref_squeeze %dma_wait3A_261 : memref<1x200xi32, #tpu.memory_space<vmem>> -> memref<200xi32, #tpu.memory_space<vmem>>
    %dma_wait3A_263 = arith.constant 0 : i32
    %dma_wait3A_264 = arith.constant 0 : i32
    %dma_wait3A_265 = tpu.memref_slice %arg39[%dma_wait3A_263, %dma_wait3A_264] : memref<10000x32xf32, #tpu.memory_space<vmem_shared>> -> memref<10000x32xf32, #tpu.memory_space<vmem_shared>>
    tpu.wait_indirect_dma semaphore(%arg35 : memref<!tpu.dma_semaphore, #tpu.memory_space<semaphore_mem>>) src(%arg15 : memref<200x32xf32, #tpu.memory_space<vmem>>) dst(%dma_wait3A_265 : memref<10000x32xf32, #tpu.memory_space<vmem_shared>>)
    %dma_wait3A_266 = arith.constant 47 : i32
    %dma_wait3A_267 = arith.constant 0 : i32
    %dma_wait3A_268 = tpu.memref_slice %arg8[%dma_wait3A_266, %dma_wait3A_267] : memref<50x200xi32, #tpu.memory_space<vmem>> -> memref<1x200xi32, #tpu.memory_space<vmem>>
    %dma_wait3A_269 = tpu.memref_squeeze %dma_wait3A_268 : memref<1x200xi32, #tpu.memory_space<vmem>> -> memref<200xi32, #tpu.memory_space<vmem>>
    %dma_wait3A_270 = arith.constant 0 : i32
    %dma_wait3A_271 = arith.constant 0 : i32
    %dma_wait3A_272 = tpu.memref_slice %arg39[%dma_wait3A_270, %dma_wait3A_271] : memref<10000x32xf32, #tpu.memory_space<vmem_shared>> -> memref<10000x32xf32, #tpu.memory_space<vmem_shared>>
    tpu.wait_indirect_dma semaphore(%arg36 : memref<!tpu.dma_semaphore, #tpu.memory_space<semaphore_mem>>) src(%arg16 : memref<200x32xf32, #tpu.memory_space<vmem>>) dst(%dma_wait3A_272 : memref<10000x32xf32, #tpu.memory_space<vmem_shared>>)
    %dma_wait3A_273 = arith.constant 48 : i32
    %dma_wait3A_274 = arith.constant 0 : i32
    %dma_wait3A_275 = tpu.memref_slice %arg8[%dma_wait3A_273, %dma_wait3A_274] : memref<50x200xi32, #tpu.memory_space<vmem>> -> memref<1x200xi32, #tpu.memory_space<vmem>>
    %dma_wait3A_276 = tpu.memref_squeeze %dma_wait3A_275 : memref<1x200xi32, #tpu.memory_space<vmem>> -> memref<200xi32, #tpu.memory_space<vmem>>
    %dma_wait3A_277 = arith.constant 0 : i32
    %dma_wait3A_278 = arith.constant 0 : i32
    %dma_wait3A_279 = tpu.memref_slice %arg39[%dma_wait3A_277, %dma_wait3A_278] : memref<10000x32xf32, #tpu.memory_space<vmem_shared>> -> memref<10000x32xf32, #tpu.memory_space<vmem_shared>>
    tpu.wait_indirect_dma semaphore(%arg37 : memref<!tpu.dma_semaphore, #tpu.memory_space<semaphore_mem>>) src(%arg17 : memref<200x32xf32, #tpu.memory_space<vmem>>) dst(%dma_wait3A_279 : memref<10000x32xf32, #tpu.memory_space<vmem_shared>>)
    %dma_wait3A_280 = arith.constant 49 : i32
    %dma_wait3A_281 = arith.constant 0 : i32
    %dma_wait3A_282 = tpu.memref_slice %arg8[%dma_wait3A_280, %dma_wait3A_281] : memref<50x200xi32, #tpu.memory_space<vmem>> -> memref<1x200xi32, #tpu.memory_space<vmem>>
    %dma_wait3A_283 = tpu.memref_squeeze %dma_wait3A_282 : memref<1x200xi32, #tpu.memory_space<vmem>> -> memref<200xi32, #tpu.memory_space<vmem>>
    %dma_wait3A_284 = arith.constant 0 : i32
    %dma_wait3A_285 = arith.constant 0 : i32
    %dma_wait3A_286 = tpu.memref_slice %arg39[%dma_wait3A_284, %dma_wait3A_285] : memref<10000x32xf32, #tpu.memory_space<vmem_shared>> -> memref<10000x32xf32, #tpu.memory_space<vmem_shared>>
    tpu.wait_indirect_dma semaphore(%arg38 : memref<!tpu.dma_semaphore, #tpu.memory_space<semaphore_mem>>) src(%arg18 : memref<200x32xf32, #tpu.memory_space<vmem>>) dst(%dma_wait3A_286 : memref<10000x32xf32, #tpu.memory_space<vmem_shared>>)
    %barrier3A_287 = arith.constant 0 : index
    tpu.barrier barrier_id(%barrier3A_287)
    "tpu.region"() ({
      %run_scoped3A = tpu.sem_alloc : memref<!tpu.dma_semaphore, #tpu.memory_space<semaphore_mem>>
      %dma_start3A_288 = arith.constant 0 : i32
      %dma_start3A_289 = tpu.memref_slice %arg6[%arg0, %mul3A_2, %dma_start3A_288] : memref<2x10000x32xf32, #tpu.memory_space<hbm>> -> memref<1x625x32xf32, #tpu.memory_space<hbm>>
      %dma_start3A_290 = tpu.memref_squeeze %dma_start3A_289 : memref<1x625x32xf32, #tpu.memory_space<hbm>> -> memref<625x32xf32, #tpu.memory_space<hbm>>
      %dma_start3A_291 = arith.constant 0 : i32
      %dma_start3A_292 = tpu.memref_slice %arg39[%mul3A_2, %dma_start3A_291] : memref<10000x32xf32, #tpu.memory_space<vmem_shared>> -> memref<625x32xf32, #tpu.memory_space<vmem_shared>>
      tpu.enqueue_dma source(%dma_start3A_292 : memref<625x32xf32, #tpu.memory_space<vmem_shared>>) target(%dma_start3A_290 : memref<625x32xf32, #tpu.memory_space<hbm>>) target_semaphore(%run_scoped3A : memref<!tpu.dma_semaphore, #tpu.memory_space<semaphore_mem>>)
      %dma_wait3A_293 = arith.constant 0 : i32
      %dma_wait3A_294 = tpu.memref_slice %arg6[%arg0, %mul3A_2, %dma_wait3A_293] : memref<2x10000x32xf32, #tpu.memory_space<hbm>> -> memref<1x625x32xf32, #tpu.memory_space<hbm>>
      %dma_wait3A_295 = tpu.memref_squeeze %dma_wait3A_294 : memref<1x625x32xf32, #tpu.memory_space<hbm>> -> memref<625x32xf32, #tpu.memory_space<hbm>>
      %dma_wait3A_296 = arith.constant 0 : i32
      %dma_wait3A_297 = tpu.memref_slice %arg39[%mul3A_2, %dma_wait3A_296] : memref<10000x32xf32, #tpu.memory_space<vmem_shared>> -> memref<625x32xf32, #tpu.memory_space<vmem_shared>>
      tpu.wait_dma2 semaphore(%run_scoped3A : memref<!tpu.dma_semaphore, #tpu.memory_space<semaphore_mem>>) src(%dma_wait3A_297 : memref<625x32xf32, #tpu.memory_space<vmem_shared>>) dst(%dma_wait3A_295 : memref<625x32xf32, #tpu.memory_space<hbm>>)
      tpu.yield
    }) : () -> ()
    return
  }
}

#map = affine_map<(d0, d1) -> (0, 0)>
#map1 = affine_map<(d0, d1) -> (0, 0, 0)>
module attributes {stable_mosaic.version = 14 : i64} {
  func.func @_sc_scatter_rows(%arg0: i32, %arg1: i32, %arg2: memref<10000x32xf32, #tpu.memory_space<hbm>>, %arg3: memref<32x50x200xi32, #tpu.memory_space<hbm>>, %arg4: memref<32x50x200xi32, #tpu.memory_space<hbm>>, %arg5: memref<10000x32xf32, #tpu.memory_space<hbm>>, %arg6: memref<2x10000x32xf32, #tpu.memory_space<hbm>>, %arg7: memref<50x200xi32, #tpu.memory_space<vmem>>, %arg8: memref<50x200xi32, #tpu.memory_space<vmem>>, %arg9: memref<200x32xf32, #tpu.memory_space<vmem>>, %arg10: memref<200x32xf32, #tpu.memory_space<vmem>>, %arg11: memref<200x32xf32, #tpu.memory_space<vmem>>, %arg12: memref<200x32xf32, #tpu.memory_space<vmem>>, %arg13: memref<200x32xf32, #tpu.memory_space<vmem>>, %arg14: memref<200x32xf32, #tpu.memory_space<vmem>>, %arg15: memref<200x32xf32, #tpu.memory_space<vmem>>, %arg16: memref<200x32xf32, #tpu.memory_space<vmem>>, %arg17: memref<200x32xf32, #tpu.memory_space<vmem>>, %arg18: memref<200x32xf32, #tpu.memory_space<vmem>>, %arg19: memref<!tpu.dma_semaphore, #tpu.memory_space<semaphore_mem>>, %arg20: memref<!tpu.dma_semaphore, #tpu.memory_space<semaphore_mem>>, %arg21: memref<!tpu.dma_semaphore, #tpu.memory_space<semaphore_mem>>, %arg22: memref<!tpu.dma_semaphore, #tpu.memory_space<semaphore_mem>>, %arg23: memref<!tpu.dma_semaphore, #tpu.memory_space<semaphore_mem>>, %arg24: memref<!tpu.dma_semaphore, #tpu.memory_space<semaphore_mem>>, %arg25: memref<!tpu.dma_semaphore, #tpu.memory_space<semaphore_mem>>, %arg26: memref<!tpu.dma_semaphore, #tpu.memory_space<semaphore_mem>>, %arg27: memref<!tpu.dma_semaphore, #tpu.memory_space<semaphore_mem>>, %arg28: memref<!tpu.dma_semaphore, #tpu.memory_space<semaphore_mem>>, %arg29: memref<!tpu.dma_semaphore, #tpu.memory_space<semaphore_mem>>, %arg30: memref<!tpu.dma_semaphore, #tpu.memory_space<semaphore_mem>>, %arg31: memref<!tpu.dma_semaphore, #tpu.memory_space<semaphore_mem>>, %arg32: memref<!tpu.dma_semaphore, #tpu.memory_space<semaphore_mem>>, %arg33: memref<!tpu.dma_semaphore, #tpu.memory_space<semaphore_mem>>, %arg34: memref<!tpu.dma_semaphore, #tpu.memory_space<semaphore_mem>>, %arg35: memref<!tpu.dma_semaphore, #tpu.memory_space<semaphore_mem>>, %arg36: memref<!tpu.dma_semaphore, #tpu.memory_space<semaphore_mem>>, %arg37: memref<!tpu.dma_semaphore, #tpu.memory_space<semaphore_mem>>, %arg38: memref<!tpu.dma_semaphore, #tpu.memory_space<semaphore_mem>>, %arg39: memref<10000x32xf32, #tpu.memory_space<vmem_shared>>, %arg40: memref<10000x32xf32, #tpu.memory_space<vmem_shared>>) attributes {dimension_semantics = [#tpu.dimension_semantics<core_parallel>, #tpu.dimension_semantics<subcore_parallel>], iteration_bounds = array<i64: 2, 16>, scalar_prefetch = 0 : i64, scratch_operands = 34 : i64, tpu.core_type = #tpu.core_type<sc_vector_subcore>, window_params = [{transform_indices = #map}, {transform_indices = #map1}, {transform_indices = #map1}, {transform_indices = #map}, {transform_indices = #map1}]} {
    %mul3A = arith.constant 16 : i32
    %mul3A_0 = arith.muli %arg0, %mul3A : i32
    %add3A = arith.addi %mul3A_0, %arg1 : i32
    %mul3A_1 = arith.constant 625 : i32
    %mul3A_2 = arith.muli %arg1, %mul3A_1 : i32
    "tpu.region"() ({
      %run_scoped3A = tpu.sem_alloc : memref<!tpu.dma_semaphore, #tpu.memory_space<semaphore_mem>>
      %dma_start3A_288 = arith.constant 0 : i32
      %dma_start3A_289 = tpu.memref_slice %arg39[%mul3A_2, %dma_start3A_288] : memref<10000x32xf32, #tpu.memory_space<vmem_shared>> -> memref<625x32xf32, #tpu.memory_space<vmem_shared>>
      %dma_start3A_290 = arith.constant 0 : i32
      %dma_start3A_291 = tpu.memref_slice %arg5[%mul3A_2, %dma_start3A_290] : memref<10000x32xf32, #tpu.memory_space<hbm>> -> memref<625x32xf32, #tpu.memory_space<hbm>>
      tpu.enqueue_dma source(%dma_start3A_291 : memref<625x32xf32, #tpu.memory_space<hbm>>) target(%dma_start3A_289 : memref<625x32xf32, #tpu.memory_space<vmem_shared>>) target_semaphore(%run_scoped3A : memref<!tpu.dma_semaphore, #tpu.memory_space<semaphore_mem>>)
      %dma_wait3A_292 = arith.constant 0 : i32
      %dma_wait3A_293 = tpu.memref_slice %arg39[%mul3A_2, %dma_wait3A_292] : memref<10000x32xf32, #tpu.memory_space<vmem_shared>> -> memref<625x32xf32, #tpu.memory_space<vmem_shared>>
      %dma_wait3A_294 = arith.constant 0 : i32
      %dma_wait3A_295 = tpu.memref_slice %arg5[%mul3A_2, %dma_wait3A_294] : memref<10000x32xf32, #tpu.memory_space<hbm>> -> memref<625x32xf32, #tpu.memory_space<hbm>>
      tpu.wait_dma2 semaphore(%run_scoped3A : memref<!tpu.dma_semaphore, #tpu.memory_space<semaphore_mem>>) src(%dma_wait3A_295 : memref<625x32xf32, #tpu.memory_space<hbm>>) dst(%dma_wait3A_293 : memref<625x32xf32, #tpu.memory_space<vmem_shared>>)
      tpu.yield
    }) : () -> ()
    "tpu.region"() ({
      %run_scoped3A = tpu.sem_alloc : memref<!tpu.dma_semaphore, #tpu.memory_space<semaphore_mem>>
      %dma_start3A_288 = arith.constant 0 : i32
      %dma_start3A_289 = tpu.memref_slice %arg40[%mul3A_2, %dma_start3A_288] : memref<10000x32xf32, #tpu.memory_space<vmem_shared>> -> memref<625x32xf32, #tpu.memory_space<vmem_shared>>
      %dma_start3A_290 = arith.constant 0 : i32
      %dma_start3A_291 = tpu.memref_slice %arg2[%mul3A_2, %dma_start3A_290] : memref<10000x32xf32, #tpu.memory_space<hbm>> -> memref<625x32xf32, #tpu.memory_space<hbm>>
      tpu.enqueue_dma source(%dma_start3A_291 : memref<625x32xf32, #tpu.memory_space<hbm>>) target(%dma_start3A_289 : memref<625x32xf32, #tpu.memory_space<vmem_shared>>) target_semaphore(%run_scoped3A : memref<!tpu.dma_semaphore, #tpu.memory_space<semaphore_mem>>)
      %dma_wait3A_292 = arith.constant 0 : i32
      %dma_wait3A_293 = tpu.memref_slice %arg40[%mul3A_2, %dma_wait3A_292] : memref<10000x32xf32, #tpu.memory_space<vmem_shared>> -> memref<625x32xf32, #tpu.memory_space<vmem_shared>>
      %dma_wait3A_294 = arith.constant 0 : i32
      %dma_wait3A_295 = tpu.memref_slice %arg2[%mul3A_2, %dma_wait3A_294] : memref<10000x32xf32, #tpu.memory_space<hbm>> -> memref<625x32xf32, #tpu.memory_space<hbm>>
      tpu.wait_dma2 semaphore(%run_scoped3A : memref<!tpu.dma_semaphore, #tpu.memory_space<semaphore_mem>>) src(%dma_wait3A_295 : memref<625x32xf32, #tpu.memory_space<hbm>>) dst(%dma_wait3A_293 : memref<625x32xf32, #tpu.memory_space<vmem_shared>>)
      tpu.yield
    }) : () -> ()
    "tpu.region"() ({
      %run_scoped3A = tpu.sem_alloc : memref<!tpu.dma_semaphore, #tpu.memory_space<semaphore_mem>>
      %dma_start3A_288 = arith.constant 0 : i32
      %dma_start3A_289 = arith.constant 0 : i32
      %dma_start3A_290 = tpu.memref_slice %arg3[%add3A, %dma_start3A_288, %dma_start3A_289] : memref<32x50x200xi32, #tpu.memory_space<hbm>> -> memref<1x50x200xi32, #tpu.memory_space<hbm>>
      %dma_start3A_291 = tpu.memref_squeeze %dma_start3A_290 : memref<1x50x200xi32, #tpu.memory_space<hbm>> -> memref<50x200xi32, #tpu.memory_space<hbm>>
      %dma_start3A_292 = arith.constant 0 : i32
      %dma_start3A_293 = arith.constant 0 : i32
      %dma_start3A_294 = tpu.memref_slice %arg3[%add3A, %dma_start3A_292, %dma_start3A_293] : memref<32x50x200xi32, #tpu.memory_space<hbm>> -> memref<1x50x200xi32, #tpu.memory_space<hbm>>
      %dma_start3A_295 = tpu.memref_squeeze %dma_start3A_294 : memref<1x50x200xi32, #tpu.memory_space<hbm>> -> memref<50x200xi32, #tpu.memory_space<hbm>>
      tpu.enqueue_dma source(%dma_start3A_295 : memref<50x200xi32, #tpu.memory_space<hbm>>) target(%arg7 : memref<50x200xi32, #tpu.memory_space<vmem>>) target_semaphore(%run_scoped3A : memref<!tpu.dma_semaphore, #tpu.memory_space<semaphore_mem>>)
      %dma_wait3A_296 = arith.constant 0 : i32
      %dma_wait3A_297 = arith.constant 0 : i32
      %dma_wait3A_298 = tpu.memref_slice %arg3[%add3A, %dma_wait3A_296, %dma_wait3A_297] : memref<32x50x200xi32, #tpu.memory_space<hbm>> -> memref<1x50x200xi32, #tpu.memory_space<hbm>>
      %dma_wait3A_299 = tpu.memref_squeeze %dma_wait3A_298 : memref<1x50x200xi32, #tpu.memory_space<hbm>> -> memref<50x200xi32, #tpu.memory_space<hbm>>
      %dma_wait3A_300 = arith.constant 0 : i32
      %dma_wait3A_301 = arith.constant 0 : i32
      %dma_wait3A_302 = tpu.memref_slice %arg3[%add3A, %dma_wait3A_300, %dma_wait3A_301] : memref<32x50x200xi32, #tpu.memory_space<hbm>> -> memref<1x50x200xi32, #tpu.memory_space<hbm>>
      %dma_wait3A_303 = tpu.memref_squeeze %dma_wait3A_302 : memref<1x50x200xi32, #tpu.memory_space<hbm>> -> memref<50x200xi32, #tpu.memory_space<hbm>>
      tpu.wait_dma2 semaphore(%run_scoped3A : memref<!tpu.dma_semaphore, #tpu.memory_space<semaphore_mem>>) src(%dma_wait3A_303 : memref<50x200xi32, #tpu.memory_space<hbm>>) dst(%arg7 : memref<50x200xi32, #tpu.memory_space<vmem>>)
      tpu.yield
    }) : () -> ()
    "tpu.region"() ({
      %run_scoped3A = tpu.sem_alloc : memref<!tpu.dma_semaphore, #tpu.memory_space<semaphore_mem>>
      %dma_start3A_288 = arith.constant 0 : i32
      %dma_start3A_289 = arith.constant 0 : i32
      %dma_start3A_290 = tpu.memref_slice %arg4[%add3A, %dma_start3A_288, %dma_start3A_289] : memref<32x50x200xi32, #tpu.memory_space<hbm>> -> memref<1x50x200xi32, #tpu.memory_space<hbm>>
      %dma_start3A_291 = tpu.memref_squeeze %dma_start3A_290 : memref<1x50x200xi32, #tpu.memory_space<hbm>> -> memref<50x200xi32, #tpu.memory_space<hbm>>
      %dma_start3A_292 = arith.constant 0 : i32
      %dma_start3A_293 = arith.constant 0 : i32
      %dma_start3A_294 = tpu.memref_slice %arg4[%add3A, %dma_start3A_292, %dma_start3A_293] : memref<32x50x200xi32, #tpu.memory_space<hbm>> -> memref<1x50x200xi32, #tpu.memory_space<hbm>>
      %dma_start3A_295 = tpu.memref_squeeze %dma_start3A_294 : memref<1x50x200xi32, #tpu.memory_space<hbm>> -> memref<50x200xi32, #tpu.memory_space<hbm>>
      tpu.enqueue_dma source(%dma_start3A_295 : memref<50x200xi32, #tpu.memory_space<hbm>>) target(%arg8 : memref<50x200xi32, #tpu.memory_space<vmem>>) target_semaphore(%run_scoped3A : memref<!tpu.dma_semaphore, #tpu.memory_space<semaphore_mem>>)
      %dma_wait3A_296 = arith.constant 0 : i32
      %dma_wait3A_297 = arith.constant 0 : i32
      %dma_wait3A_298 = tpu.memref_slice %arg4[%add3A, %dma_wait3A_296, %dma_wait3A_297] : memref<32x50x200xi32, #tpu.memory_space<hbm>> -> memref<1x50x200xi32, #tpu.memory_space<hbm>>
      %dma_wait3A_299 = tpu.memref_squeeze %dma_wait3A_298 : memref<1x50x200xi32, #tpu.memory_space<hbm>> -> memref<50x200xi32, #tpu.memory_space<hbm>>
      %dma_wait3A_300 = arith.constant 0 : i32
      %dma_wait3A_301 = arith.constant 0 : i32
      %dma_wait3A_302 = tpu.memref_slice %arg4[%add3A, %dma_wait3A_300, %dma_wait3A_301] : memref<32x50x200xi32, #tpu.memory_space<hbm>> -> memref<1x50x200xi32, #tpu.memory_space<hbm>>
      %dma_wait3A_303 = tpu.memref_squeeze %dma_wait3A_302 : memref<1x50x200xi32, #tpu.memory_space<hbm>> -> memref<50x200xi32, #tpu.memory_space<hbm>>
      tpu.wait_dma2 semaphore(%run_scoped3A : memref<!tpu.dma_semaphore, #tpu.memory_space<semaphore_mem>>) src(%dma_wait3A_303 : memref<50x200xi32, #tpu.memory_space<hbm>>) dst(%arg8 : memref<50x200xi32, #tpu.memory_space<vmem>>)
      tpu.yield
    }) : () -> ()
    %barrier3A = arith.constant 0 : index
    tpu.barrier barrier_id(%barrier3A)
    %dma_start3A = arith.constant 0 : i32
    %dma_start3A_3 = arith.constant 0 : i32
    %dma_start3A_4 = tpu.memref_slice %arg7[%dma_start3A, %dma_start3A_3] : memref<50x200xi32, #tpu.memory_space<vmem>> -> memref<1x200xi32, #tpu.memory_space<vmem>>
    %dma_start3A_5 = tpu.memref_squeeze %dma_start3A_4 : memref<1x200xi32, #tpu.memory_space<vmem>> -> memref<200xi32, #tpu.memory_space<vmem>>
    %dma_start3A_6 = arith.constant 0 : i32
    %dma_start3A_7 = arith.constant 0 : i32
    %dma_start3A_8 = tpu.memref_slice %arg2[%dma_start3A_6, %dma_start3A_7] : memref<10000x32xf32, #tpu.memory_space<hbm>> -> memref<10000x32xf32, #tpu.memory_space<hbm>>
    tpu.enqueue_indirect_dma source(%dma_start3A_8 : memref<10000x32xf32, #tpu.memory_space<hbm>>) target(%arg9 : memref<200x32xf32, #tpu.memory_space<vmem>>) offsets(%dma_start3A_5 : memref<200xi32, #tpu.memory_space<vmem>>) semaphore(%arg19 : memref<!tpu.dma_semaphore, #tpu.memory_space<semaphore_mem>>)
    %dma_start3A_9 = arith.constant 1 : i32
    %dma_start3A_10 = arith.constant 0 : i32
    %dma_start3A_11 = tpu.memref_slice %arg7[%dma_start3A_9, %dma_start3A_10] : memref<50x200xi32, #tpu.memory_space<vmem>> -> memref<1x200xi32, #tpu.memory_space<vmem>>
    %dma_start3A_12 = tpu.memref_squeeze %dma_start3A_11 : memref<1x200xi32, #tpu.memory_space<vmem>> -> memref<200xi32, #tpu.memory_space<vmem>>
    %dma_start3A_13 = arith.constant 0 : i32
    %dma_start3A_14 = arith.constant 0 : i32
    %dma_start3A_15 = tpu.memref_slice %arg2[%dma_start3A_13, %dma_start3A_14] : memref<10000x32xf32, #tpu.memory_space<hbm>> -> memref<10000x32xf32, #tpu.memory_space<hbm>>
    tpu.enqueue_indirect_dma source(%dma_start3A_15 : memref<10000x32xf32, #tpu.memory_space<hbm>>) target(%arg10 : memref<200x32xf32, #tpu.memory_space<vmem>>) offsets(%dma_start3A_12 : memref<200xi32, #tpu.memory_space<vmem>>) semaphore(%arg20 : memref<!tpu.dma_semaphore, #tpu.memory_space<semaphore_mem>>)
    %dma_start3A_16 = arith.constant 2 : i32
    %dma_start3A_17 = arith.constant 0 : i32
    %dma_start3A_18 = tpu.memref_slice %arg7[%dma_start3A_16, %dma_start3A_17] : memref<50x200xi32, #tpu.memory_space<vmem>> -> memref<1x200xi32, #tpu.memory_space<vmem>>
    %dma_start3A_19 = tpu.memref_squeeze %dma_start3A_18 : memref<1x200xi32, #tpu.memory_space<vmem>> -> memref<200xi32, #tpu.memory_space<vmem>>
    %dma_start3A_20 = arith.constant 0 : i32
    %dma_start3A_21 = arith.constant 0 : i32
    %dma_start3A_22 = tpu.memref_slice %arg40[%dma_start3A_20, %dma_start3A_21] : memref<10000x32xf32, #tpu.memory_space<vmem_shared>> -> memref<10000x32xf32, #tpu.memory_space<vmem_shared>>
    tpu.enqueue_indirect_dma source(%dma_start3A_22 : memref<10000x32xf32, #tpu.memory_space<vmem_shared>>) target(%arg11 : memref<200x32xf32, #tpu.memory_space<vmem>>) offsets(%dma_start3A_19 : memref<200xi32, #tpu.memory_space<vmem>>) semaphore(%arg21 : memref<!tpu.dma_semaphore, #tpu.memory_space<semaphore_mem>>)
    %dma_start3A_23 = arith.constant 3 : i32
    %dma_start3A_24 = arith.constant 0 : i32
    %dma_start3A_25 = tpu.memref_slice %arg7[%dma_start3A_23, %dma_start3A_24] : memref<50x200xi32, #tpu.memory_space<vmem>> -> memref<1x200xi32, #tpu.memory_space<vmem>>
    %dma_start3A_26 = tpu.memref_squeeze %dma_start3A_25 : memref<1x200xi32, #tpu.memory_space<vmem>> -> memref<200xi32, #tpu.memory_space<vmem>>
    %dma_start3A_27 = arith.constant 0 : i32
    %dma_start3A_28 = arith.constant 0 : i32
    %dma_start3A_29 = tpu.memref_slice %arg40[%dma_start3A_27, %dma_start3A_28] : memref<10000x32xf32, #tpu.memory_space<vmem_shared>> -> memref<10000x32xf32, #tpu.memory_space<vmem_shared>>
    tpu.enqueue_indirect_dma source(%dma_start3A_29 : memref<10000x32xf32, #tpu.memory_space<vmem_shared>>) target(%arg12 : memref<200x32xf32, #tpu.memory_space<vmem>>) offsets(%dma_start3A_26 : memref<200xi32, #tpu.memory_space<vmem>>) semaphore(%arg22 : memref<!tpu.dma_semaphore, #tpu.memory_space<semaphore_mem>>)
    %dma_start3A_30 = arith.constant 4 : i32
    %dma_start3A_31 = arith.constant 0 : i32
    %dma_start3A_32 = tpu.memref_slice %arg7[%dma_start3A_30, %dma_start3A_31] : memref<50x200xi32, #tpu.memory_space<vmem>> -> memref<1x200xi32, #tpu.memory_space<vmem>>
    %dma_start3A_33 = tpu.memref_squeeze %dma_start3A_32 : memref<1x200xi32, #tpu.memory_space<vmem>> -> memref<200xi32, #tpu.memory_space<vmem>>
    %dma_start3A_34 = arith.constant 0 : i32
    %dma_start3A_35 = arith.constant 0 : i32
    %dma_start3A_36 = tpu.memref_slice %arg40[%dma_start3A_34, %dma_start3A_35] : memref<10000x32xf32, #tpu.memory_space<vmem_shared>> -> memref<10000x32xf32, #tpu.memory_space<vmem_shared>>
    tpu.enqueue_indirect_dma source(%dma_start3A_36 : memref<10000x32xf32, #tpu.memory_space<vmem_shared>>) target(%arg13 : memref<200x32xf32, #tpu.memory_space<vmem>>) offsets(%dma_start3A_33 : memref<200xi32, #tpu.memory_space<vmem>>) semaphore(%arg23 : memref<!tpu.dma_semaphore, #tpu.memory_space<semaphore_mem>>)
    %dma_start3A_37 = arith.constant 5 : i32
    %dma_start3A_38 = arith.constant 0 : i32
    %dma_start3A_39 = tpu.memref_slice %arg7[%dma_start3A_37, %dma_start3A_38] : memref<50x200xi32, #tpu.memory_space<vmem>> -> memref<1x200xi32, #tpu.memory_space<vmem>>
    %dma_start3A_40 = tpu.memref_squeeze %dma_start3A_39 : memref<1x200xi32, #tpu.memory_space<vmem>> -> memref<200xi32, #tpu.memory_space<vmem>>
    %dma_start3A_41 = arith.constant 0 : i32
    %dma_start3A_42 = arith.constant 0 : i32
    %dma_start3A_43 = tpu.memref_slice %arg40[%dma_start3A_41, %dma_start3A_42] : memref<10000x32xf32, #tpu.memory_space<vmem_shared>> -> memref<10000x32xf32, #tpu.memory_space<vmem_shared>>
    tpu.enqueue_indirect_dma source(%dma_start3A_43 : memref<10000x32xf32, #tpu.memory_space<vmem_shared>>) target(%arg14 : memref<200x32xf32, #tpu.memory_space<vmem>>) offsets(%dma_start3A_40 : memref<200xi32, #tpu.memory_space<vmem>>) semaphore(%arg24 : memref<!tpu.dma_semaphore, #tpu.memory_space<semaphore_mem>>)
    %dma_start3A_44 = arith.constant 6 : i32
    %dma_start3A_45 = arith.constant 0 : i32
    %dma_start3A_46 = tpu.memref_slice %arg7[%dma_start3A_44, %dma_start3A_45] : memref<50x200xi32, #tpu.memory_space<vmem>> -> memref<1x200xi32, #tpu.memory_space<vmem>>
    %dma_start3A_47 = tpu.memref_squeeze %dma_start3A_46 : memref<1x200xi32, #tpu.memory_space<vmem>> -> memref<200xi32, #tpu.memory_space<vmem>>
    %dma_start3A_48 = arith.constant 0 : i32
    %dma_start3A_49 = arith.constant 0 : i32
    %dma_start3A_50 = tpu.memref_slice %arg40[%dma_start3A_48, %dma_start3A_49] : memref<10000x32xf32, #tpu.memory_space<vmem_shared>> -> memref<10000x32xf32, #tpu.memory_space<vmem_shared>>
    tpu.enqueue_indirect_dma source(%dma_start3A_50 : memref<10000x32xf32, #tpu.memory_space<vmem_shared>>) target(%arg15 : memref<200x32xf32, #tpu.memory_space<vmem>>) offsets(%dma_start3A_47 : memref<200xi32, #tpu.memory_space<vmem>>) semaphore(%arg25 : memref<!tpu.dma_semaphore, #tpu.memory_space<semaphore_mem>>)
    %dma_start3A_51 = arith.constant 7 : i32
    %dma_start3A_52 = arith.constant 0 : i32
    %dma_start3A_53 = tpu.memref_slice %arg7[%dma_start3A_51, %dma_start3A_52] : memref<50x200xi32, #tpu.memory_space<vmem>> -> memref<1x200xi32, #tpu.memory_space<vmem>>
    %dma_start3A_54 = tpu.memref_squeeze %dma_start3A_53 : memref<1x200xi32, #tpu.memory_space<vmem>> -> memref<200xi32, #tpu.memory_space<vmem>>
    %dma_start3A_55 = arith.constant 0 : i32
    %dma_start3A_56 = arith.constant 0 : i32
    %dma_start3A_57 = tpu.memref_slice %arg40[%dma_start3A_55, %dma_start3A_56] : memref<10000x32xf32, #tpu.memory_space<vmem_shared>> -> memref<10000x32xf32, #tpu.memory_space<vmem_shared>>
    tpu.enqueue_indirect_dma source(%dma_start3A_57 : memref<10000x32xf32, #tpu.memory_space<vmem_shared>>) target(%arg16 : memref<200x32xf32, #tpu.memory_space<vmem>>) offsets(%dma_start3A_54 : memref<200xi32, #tpu.memory_space<vmem>>) semaphore(%arg26 : memref<!tpu.dma_semaphore, #tpu.memory_space<semaphore_mem>>)
    %dma_start3A_58 = arith.constant 8 : i32
    %dma_start3A_59 = arith.constant 0 : i32
    %dma_start3A_60 = tpu.memref_slice %arg7[%dma_start3A_58, %dma_start3A_59] : memref<50x200xi32, #tpu.memory_space<vmem>> -> memref<1x200xi32, #tpu.memory_space<vmem>>
    %dma_start3A_61 = tpu.memref_squeeze %dma_start3A_60 : memref<1x200xi32, #tpu.memory_space<vmem>> -> memref<200xi32, #tpu.memory_space<vmem>>
    %dma_start3A_62 = arith.constant 0 : i32
    %dma_start3A_63 = arith.constant 0 : i32
    %dma_start3A_64 = tpu.memref_slice %arg40[%dma_start3A_62, %dma_start3A_63] : memref<10000x32xf32, #tpu.memory_space<vmem_shared>> -> memref<10000x32xf32, #tpu.memory_space<vmem_shared>>
    tpu.enqueue_indirect_dma source(%dma_start3A_64 : memref<10000x32xf32, #tpu.memory_space<vmem_shared>>) target(%arg17 : memref<200x32xf32, #tpu.memory_space<vmem>>) offsets(%dma_start3A_61 : memref<200xi32, #tpu.memory_space<vmem>>) semaphore(%arg27 : memref<!tpu.dma_semaphore, #tpu.memory_space<semaphore_mem>>)
    %dma_start3A_65 = arith.constant 9 : i32
    %dma_start3A_66 = arith.constant 0 : i32
    %dma_start3A_67 = tpu.memref_slice %arg7[%dma_start3A_65, %dma_start3A_66] : memref<50x200xi32, #tpu.memory_space<vmem>> -> memref<1x200xi32, #tpu.memory_space<vmem>>
    %dma_start3A_68 = tpu.memref_squeeze %dma_start3A_67 : memref<1x200xi32, #tpu.memory_space<vmem>> -> memref<200xi32, #tpu.memory_space<vmem>>
    %dma_start3A_69 = arith.constant 0 : i32
    %dma_start3A_70 = arith.constant 0 : i32
    %dma_start3A_71 = tpu.memref_slice %arg40[%dma_start3A_69, %dma_start3A_70] : memref<10000x32xf32, #tpu.memory_space<vmem_shared>> -> memref<10000x32xf32, #tpu.memory_space<vmem_shared>>
    tpu.enqueue_indirect_dma source(%dma_start3A_71 : memref<10000x32xf32, #tpu.memory_space<vmem_shared>>) target(%arg18 : memref<200x32xf32, #tpu.memory_space<vmem>>) offsets(%dma_start3A_68 : memref<200xi32, #tpu.memory_space<vmem>>) semaphore(%arg28 : memref<!tpu.dma_semaphore, #tpu.memory_space<semaphore_mem>>)
    %scan3A = arith.constant 0 : i32
    %scan3A_72 = arith.constant 0 : i32
    %scan3A_73 = arith.constant 4 : i32
    %scan3A_74 = arith.addi %scan3A_72, %scan3A_73 : i32
    %scan3A_75 = arith.constant 1 : i32
    %scan3A_76 = scf.for %scan3A_288 = %scan3A_72 to %scan3A_74 step %scan3A_75 iter_args(%scan3A_289 = %scan3A) -> (i32)  : i32 {
      %mul3A_290 = arith.constant 10 : i32
      %mul3A_291 = arith.muli %scan3A_288, %mul3A_290 : i32
      %add3A_292 = arith.constant 0 : i32
      %add3A_293 = arith.addi %mul3A_291, %add3A_292 : i32
      %dma_wait3A_294 = arith.constant 0 : i32
      %dma_wait3A_295 = tpu.memref_slice %arg7[%add3A_293, %dma_wait3A_294] : memref<50x200xi32, #tpu.memory_space<vmem>> -> memref<1x200xi32, #tpu.memory_space<vmem>>
      %dma_wait3A_296 = tpu.memref_squeeze %dma_wait3A_295 : memref<1x200xi32, #tpu.memory_space<vmem>> -> memref<200xi32, #tpu.memory_space<vmem>>
      %dma_wait3A_297 = arith.constant 0 : i32
      %dma_wait3A_298 = arith.constant 0 : i32
      %dma_wait3A_299 = tpu.memref_slice %arg2[%dma_wait3A_297, %dma_wait3A_298] : memref<10000x32xf32, #tpu.memory_space<hbm>> -> memref<10000x32xf32, #tpu.memory_space<hbm>>
      tpu.wait_indirect_dma semaphore(%arg19 : memref<!tpu.dma_semaphore, #tpu.memory_space<semaphore_mem>>) src(%dma_wait3A_299 : memref<10000x32xf32, #tpu.memory_space<hbm>>) dst(%arg9 : memref<200x32xf32, #tpu.memory_space<vmem>>)
      %dma_start3A_300 = arith.constant 0 : i32
      %dma_start3A_301 = tpu.memref_slice %arg8[%add3A_293, %dma_start3A_300] : memref<50x200xi32, #tpu.memory_space<vmem>> -> memref<1x200xi32, #tpu.memory_space<vmem>>
      %dma_start3A_302 = tpu.memref_squeeze %dma_start3A_301 : memref<1x200xi32, #tpu.memory_space<vmem>> -> memref<200xi32, #tpu.memory_space<vmem>>
      %dma_start3A_303 = arith.constant 0 : i32
      %dma_start3A_304 = arith.constant 0 : i32
      %dma_start3A_305 = tpu.memref_slice %arg39[%dma_start3A_303, %dma_start3A_304] : memref<10000x32xf32, #tpu.memory_space<vmem_shared>> -> memref<10000x32xf32, #tpu.memory_space<vmem_shared>>
      tpu.enqueue_indirect_dma source(%arg9 : memref<200x32xf32, #tpu.memory_space<vmem>>) target(%dma_start3A_305 : memref<10000x32xf32, #tpu.memory_space<vmem_shared>>) offsets(%dma_start3A_302 : memref<200xi32, #tpu.memory_space<vmem>>) semaphore(%arg29 : memref<!tpu.dma_semaphore, #tpu.memory_space<semaphore_mem>>) {add = true}
      %mul3A_306 = arith.constant 10 : i32
      %mul3A_307 = arith.muli %scan3A_288, %mul3A_306 : i32
      %add3A_308 = arith.constant 1 : i32
      %add3A_309 = arith.addi %mul3A_307, %add3A_308 : i32
      %dma_wait3A_310 = arith.constant 0 : i32
      %dma_wait3A_311 = tpu.memref_slice %arg7[%add3A_309, %dma_wait3A_310] : memref<50x200xi32, #tpu.memory_space<vmem>> -> memref<1x200xi32, #tpu.memory_space<vmem>>
      %dma_wait3A_312 = tpu.memref_squeeze %dma_wait3A_311 : memref<1x200xi32, #tpu.memory_space<vmem>> -> memref<200xi32, #tpu.memory_space<vmem>>
      %dma_wait3A_313 = arith.constant 0 : i32
      %dma_wait3A_314 = arith.constant 0 : i32
      %dma_wait3A_315 = tpu.memref_slice %arg2[%dma_wait3A_313, %dma_wait3A_314] : memref<10000x32xf32, #tpu.memory_space<hbm>> -> memref<10000x32xf32, #tpu.memory_space<hbm>>
      tpu.wait_indirect_dma semaphore(%arg20 : memref<!tpu.dma_semaphore, #tpu.memory_space<semaphore_mem>>) src(%dma_wait3A_315 : memref<10000x32xf32, #tpu.memory_space<hbm>>) dst(%arg10 : memref<200x32xf32, #tpu.memory_space<vmem>>)
      %dma_start3A_316 = arith.constant 0 : i32
      %dma_start3A_317 = tpu.memref_slice %arg8[%add3A_309, %dma_start3A_316] : memref<50x200xi32, #tpu.memory_space<vmem>> -> memref<1x200xi32, #tpu.memory_space<vmem>>
      %dma_start3A_318 = tpu.memref_squeeze %dma_start3A_317 : memref<1x200xi32, #tpu.memory_space<vmem>> -> memref<200xi32, #tpu.memory_space<vmem>>
      %dma_start3A_319 = arith.constant 0 : i32
      %dma_start3A_320 = arith.constant 0 : i32
      %dma_start3A_321 = tpu.memref_slice %arg39[%dma_start3A_319, %dma_start3A_320] : memref<10000x32xf32, #tpu.memory_space<vmem_shared>> -> memref<10000x32xf32, #tpu.memory_space<vmem_shared>>
      tpu.enqueue_indirect_dma source(%arg10 : memref<200x32xf32, #tpu.memory_space<vmem>>) target(%dma_start3A_321 : memref<10000x32xf32, #tpu.memory_space<vmem_shared>>) offsets(%dma_start3A_318 : memref<200xi32, #tpu.memory_space<vmem>>) semaphore(%arg30 : memref<!tpu.dma_semaphore, #tpu.memory_space<semaphore_mem>>) {add = true}
      %mul3A_322 = arith.constant 10 : i32
      %mul3A_323 = arith.muli %scan3A_288, %mul3A_322 : i32
      %add3A_324 = arith.constant 2 : i32
      %add3A_325 = arith.addi %mul3A_323, %add3A_324 : i32
      %dma_wait3A_326 = arith.constant 0 : i32
      %dma_wait3A_327 = tpu.memref_slice %arg7[%add3A_325, %dma_wait3A_326] : memref<50x200xi32, #tpu.memory_space<vmem>> -> memref<1x200xi32, #tpu.memory_space<vmem>>
      %dma_wait3A_328 = tpu.memref_squeeze %dma_wait3A_327 : memref<1x200xi32, #tpu.memory_space<vmem>> -> memref<200xi32, #tpu.memory_space<vmem>>
      %dma_wait3A_329 = arith.constant 0 : i32
      %dma_wait3A_330 = arith.constant 0 : i32
      %dma_wait3A_331 = tpu.memref_slice %arg40[%dma_wait3A_329, %dma_wait3A_330] : memref<10000x32xf32, #tpu.memory_space<vmem_shared>> -> memref<10000x32xf32, #tpu.memory_space<vmem_shared>>
      tpu.wait_indirect_dma semaphore(%arg21 : memref<!tpu.dma_semaphore, #tpu.memory_space<semaphore_mem>>) src(%dma_wait3A_331 : memref<10000x32xf32, #tpu.memory_space<vmem_shared>>) dst(%arg11 : memref<200x32xf32, #tpu.memory_space<vmem>>)
      %dma_start3A_332 = arith.constant 0 : i32
      %dma_start3A_333 = tpu.memref_slice %arg8[%add3A_325, %dma_start3A_332] : memref<50x200xi32, #tpu.memory_space<vmem>> -> memref<1x200xi32, #tpu.memory_space<vmem>>
      %dma_start3A_334 = tpu.memref_squeeze %dma_start3A_333 : memref<1x200xi32, #tpu.memory_space<vmem>> -> memref<200xi32, #tpu.memory_space<vmem>>
      %dma_start3A_335 = arith.constant 0 : i32
      %dma_start3A_336 = arith.constant 0 : i32
      %dma_start3A_337 = tpu.memref_slice %arg39[%dma_start3A_335, %dma_start3A_336] : memref<10000x32xf32, #tpu.memory_space<vmem_shared>> -> memref<10000x32xf32, #tpu.memory_space<vmem_shared>>
      tpu.enqueue_indirect_dma source(%arg11 : memref<200x32xf32, #tpu.memory_space<vmem>>) target(%dma_start3A_337 : memref<10000x32xf32, #tpu.memory_space<vmem_shared>>) offsets(%dma_start3A_334 : memref<200xi32, #tpu.memory_space<vmem>>) semaphore(%arg31 : memref<!tpu.dma_semaphore, #tpu.memory_space<semaphore_mem>>) {add = true}
      %mul3A_338 = arith.constant 10 : i32
      %mul3A_339 = arith.muli %scan3A_288, %mul3A_338 : i32
      %add3A_340 = arith.constant 3 : i32
      %add3A_341 = arith.addi %mul3A_339, %add3A_340 : i32
      %dma_wait3A_342 = arith.constant 0 : i32
      %dma_wait3A_343 = tpu.memref_slice %arg7[%add3A_341, %dma_wait3A_342] : memref<50x200xi32, #tpu.memory_space<vmem>> -> memref<1x200xi32, #tpu.memory_space<vmem>>
      %dma_wait3A_344 = tpu.memref_squeeze %dma_wait3A_343 : memref<1x200xi32, #tpu.memory_space<vmem>> -> memref<200xi32, #tpu.memory_space<vmem>>
      %dma_wait3A_345 = arith.constant 0 : i32
      %dma_wait3A_346 = arith.constant 0 : i32
      %dma_wait3A_347 = tpu.memref_slice %arg40[%dma_wait3A_345, %dma_wait3A_346] : memref<10000x32xf32, #tpu.memory_space<vmem_shared>> -> memref<10000x32xf32, #tpu.memory_space<vmem_shared>>
      tpu.wait_indirect_dma semaphore(%arg22 : memref<!tpu.dma_semaphore, #tpu.memory_space<semaphore_mem>>) src(%dma_wait3A_347 : memref<10000x32xf32, #tpu.memory_space<vmem_shared>>) dst(%arg12 : memref<200x32xf32, #tpu.memory_space<vmem>>)
      %dma_start3A_348 = arith.constant 0 : i32
      %dma_start3A_349 = tpu.memref_slice %arg8[%add3A_341, %dma_start3A_348] : memref<50x200xi32, #tpu.memory_space<vmem>> -> memref<1x200xi32, #tpu.memory_space<vmem>>
      %dma_start3A_350 = tpu.memref_squeeze %dma_start3A_349 : memref<1x200xi32, #tpu.memory_space<vmem>> -> memref<200xi32, #tpu.memory_space<vmem>>
      %dma_start3A_351 = arith.constant 0 : i32
      %dma_start3A_352 = arith.constant 0 : i32
      %dma_start3A_353 = tpu.memref_slice %arg39[%dma_start3A_351, %dma_start3A_352] : memref<10000x32xf32, #tpu.memory_space<vmem_shared>> -> memref<10000x32xf32, #tpu.memory_space<vmem_shared>>
      tpu.enqueue_indirect_dma source(%arg12 : memref<200x32xf32, #tpu.memory_space<vmem>>) target(%dma_start3A_353 : memref<10000x32xf32, #tpu.memory_space<vmem_shared>>) offsets(%dma_start3A_350 : memref<200xi32, #tpu.memory_space<vmem>>) semaphore(%arg32 : memref<!tpu.dma_semaphore, #tpu.memory_space<semaphore_mem>>) {add = true}
      %mul3A_354 = arith.constant 10 : i32
      %mul3A_355 = arith.muli %scan3A_288, %mul3A_354 : i32
      %add3A_356 = arith.constant 4 : i32
      %add3A_357 = arith.addi %mul3A_355, %add3A_356 : i32
      %dma_wait3A_358 = arith.constant 0 : i32
      %dma_wait3A_359 = tpu.memref_slice %arg7[%add3A_357, %dma_wait3A_358] : memref<50x200xi32, #tpu.memory_space<vmem>> -> memref<1x200xi32, #tpu.memory_space<vmem>>
      %dma_wait3A_360 = tpu.memref_squeeze %dma_wait3A_359 : memref<1x200xi32, #tpu.memory_space<vmem>> -> memref<200xi32, #tpu.memory_space<vmem>>
      %dma_wait3A_361 = arith.constant 0 : i32
      %dma_wait3A_362 = arith.constant 0 : i32
      %dma_wait3A_363 = tpu.memref_slice %arg40[%dma_wait3A_361, %dma_wait3A_362] : memref<10000x32xf32, #tpu.memory_space<vmem_shared>> -> memref<10000x32xf32, #tpu.memory_space<vmem_shared>>
      tpu.wait_indirect_dma semaphore(%arg23 : memref<!tpu.dma_semaphore, #tpu.memory_space<semaphore_mem>>) src(%dma_wait3A_363 : memref<10000x32xf32, #tpu.memory_space<vmem_shared>>) dst(%arg13 : memref<200x32xf32, #tpu.memory_space<vmem>>)
      %dma_start3A_364 = arith.constant 0 : i32
      %dma_start3A_365 = tpu.memref_slice %arg8[%add3A_357, %dma_start3A_364] : memref<50x200xi32, #tpu.memory_space<vmem>> -> memref<1x200xi32, #tpu.memory_space<vmem>>
      %dma_start3A_366 = tpu.memref_squeeze %dma_start3A_365 : memref<1x200xi32, #tpu.memory_space<vmem>> -> memref<200xi32, #tpu.memory_space<vmem>>
      %dma_start3A_367 = arith.constant 0 : i32
      %dma_start3A_368 = arith.constant 0 : i32
      %dma_start3A_369 = tpu.memref_slice %arg39[%dma_start3A_367, %dma_start3A_368] : memref<10000x32xf32, #tpu.memory_space<vmem_shared>> -> memref<10000x32xf32, #tpu.memory_space<vmem_shared>>
      tpu.enqueue_indirect_dma source(%arg13 : memref<200x32xf32, #tpu.memory_space<vmem>>) target(%dma_start3A_369 : memref<10000x32xf32, #tpu.memory_space<vmem_shared>>) offsets(%dma_start3A_366 : memref<200xi32, #tpu.memory_space<vmem>>) semaphore(%arg33 : memref<!tpu.dma_semaphore, #tpu.memory_space<semaphore_mem>>) {add = true}
      %mul3A_370 = arith.constant 10 : i32
      %mul3A_371 = arith.muli %scan3A_288, %mul3A_370 : i32
      %add3A_372 = arith.constant 5 : i32
      %add3A_373 = arith.addi %mul3A_371, %add3A_372 : i32
      %dma_wait3A_374 = arith.constant 0 : i32
      %dma_wait3A_375 = tpu.memref_slice %arg7[%add3A_373, %dma_wait3A_374] : memref<50x200xi32, #tpu.memory_space<vmem>> -> memref<1x200xi32, #tpu.memory_space<vmem>>
      %dma_wait3A_376 = tpu.memref_squeeze %dma_wait3A_375 : memref<1x200xi32, #tpu.memory_space<vmem>> -> memref<200xi32, #tpu.memory_space<vmem>>
      %dma_wait3A_377 = arith.constant 0 : i32
      %dma_wait3A_378 = arith.constant 0 : i32
      %dma_wait3A_379 = tpu.memref_slice %arg40[%dma_wait3A_377, %dma_wait3A_378] : memref<10000x32xf32, #tpu.memory_space<vmem_shared>> -> memref<10000x32xf32, #tpu.memory_space<vmem_shared>>
      tpu.wait_indirect_dma semaphore(%arg24 : memref<!tpu.dma_semaphore, #tpu.memory_space<semaphore_mem>>) src(%dma_wait3A_379 : memref<10000x32xf32, #tpu.memory_space<vmem_shared>>) dst(%arg14 : memref<200x32xf32, #tpu.memory_space<vmem>>)
      %dma_start3A_380 = arith.constant 0 : i32
      %dma_start3A_381 = tpu.memref_slice %arg8[%add3A_373, %dma_start3A_380] : memref<50x200xi32, #tpu.memory_space<vmem>> -> memref<1x200xi32, #tpu.memory_space<vmem>>
      %dma_start3A_382 = tpu.memref_squeeze %dma_start3A_381 : memref<1x200xi32, #tpu.memory_space<vmem>> -> memref<200xi32, #tpu.memory_space<vmem>>
      %dma_start3A_383 = arith.constant 0 : i32
      %dma_start3A_384 = arith.constant 0 : i32
      %dma_start3A_385 = tpu.memref_slice %arg39[%dma_start3A_383, %dma_start3A_384] : memref<10000x32xf32, #tpu.memory_space<vmem_shared>> -> memref<10000x32xf32, #tpu.memory_space<vmem_shared>>
      tpu.enqueue_indirect_dma source(%arg14 : memref<200x32xf32, #tpu.memory_space<vmem>>) target(%dma_start3A_385 : memref<10000x32xf32, #tpu.memory_space<vmem_shared>>) offsets(%dma_start3A_382 : memref<200xi32, #tpu.memory_space<vmem>>) semaphore(%arg34 : memref<!tpu.dma_semaphore, #tpu.memory_space<semaphore_mem>>) {add = true}
      %mul3A_386 = arith.constant 10 : i32
      %mul3A_387 = arith.muli %scan3A_288, %mul3A_386 : i32
      %add3A_388 = arith.constant 6 : i32
      %add3A_389 = arith.addi %mul3A_387, %add3A_388 : i32
      %dma_wait3A_390 = arith.constant 0 : i32
      %dma_wait3A_391 = tpu.memref_slice %arg7[%add3A_389, %dma_wait3A_390] : memref<50x200xi32, #tpu.memory_space<vmem>> -> memref<1x200xi32, #tpu.memory_space<vmem>>
      %dma_wait3A_392 = tpu.memref_squeeze %dma_wait3A_391 : memref<1x200xi32, #tpu.memory_space<vmem>> -> memref<200xi32, #tpu.memory_space<vmem>>
      %dma_wait3A_393 = arith.constant 0 : i32
      %dma_wait3A_394 = arith.constant 0 : i32
      %dma_wait3A_395 = tpu.memref_slice %arg40[%dma_wait3A_393, %dma_wait3A_394] : memref<10000x32xf32, #tpu.memory_space<vmem_shared>> -> memref<10000x32xf32, #tpu.memory_space<vmem_shared>>
      tpu.wait_indirect_dma semaphore(%arg25 : memref<!tpu.dma_semaphore, #tpu.memory_space<semaphore_mem>>) src(%dma_wait3A_395 : memref<10000x32xf32, #tpu.memory_space<vmem_shared>>) dst(%arg15 : memref<200x32xf32, #tpu.memory_space<vmem>>)
      %dma_start3A_396 = arith.constant 0 : i32
      %dma_start3A_397 = tpu.memref_slice %arg8[%add3A_389, %dma_start3A_396] : memref<50x200xi32, #tpu.memory_space<vmem>> -> memref<1x200xi32, #tpu.memory_space<vmem>>
      %dma_start3A_398 = tpu.memref_squeeze %dma_start3A_397 : memref<1x200xi32, #tpu.memory_space<vmem>> -> memref<200xi32, #tpu.memory_space<vmem>>
      %dma_start3A_399 = arith.constant 0 : i32
      %dma_start3A_400 = arith.constant 0 : i32
      %dma_start3A_401 = tpu.memref_slice %arg39[%dma_start3A_399, %dma_start3A_400] : memref<10000x32xf32, #tpu.memory_space<vmem_shared>> -> memref<10000x32xf32, #tpu.memory_space<vmem_shared>>
      tpu.enqueue_indirect_dma source(%arg15 : memref<200x32xf32, #tpu.memory_space<vmem>>) target(%dma_start3A_401 : memref<10000x32xf32, #tpu.memory_space<vmem_shared>>) offsets(%dma_start3A_398 : memref<200xi32, #tpu.memory_space<vmem>>) semaphore(%arg35 : memref<!tpu.dma_semaphore, #tpu.memory_space<semaphore_mem>>) {add = true}
      %mul3A_402 = arith.constant 10 : i32
      %mul3A_403 = arith.muli %scan3A_288, %mul3A_402 : i32
      %add3A_404 = arith.constant 7 : i32
      %add3A_405 = arith.addi %mul3A_403, %add3A_404 : i32
      %dma_wait3A_406 = arith.constant 0 : i32
      %dma_wait3A_407 = tpu.memref_slice %arg7[%add3A_405, %dma_wait3A_406] : memref<50x200xi32, #tpu.memory_space<vmem>> -> memref<1x200xi32, #tpu.memory_space<vmem>>
      %dma_wait3A_408 = tpu.memref_squeeze %dma_wait3A_407 : memref<1x200xi32, #tpu.memory_space<vmem>> -> memref<200xi32, #tpu.memory_space<vmem>>
      %dma_wait3A_409 = arith.constant 0 : i32
      %dma_wait3A_410 = arith.constant 0 : i32
      %dma_wait3A_411 = tpu.memref_slice %arg40[%dma_wait3A_409, %dma_wait3A_410] : memref<10000x32xf32, #tpu.memory_space<vmem_shared>> -> memref<10000x32xf32, #tpu.memory_space<vmem_shared>>
      tpu.wait_indirect_dma semaphore(%arg26 : memref<!tpu.dma_semaphore, #tpu.memory_space<semaphore_mem>>) src(%dma_wait3A_411 : memref<10000x32xf32, #tpu.memory_space<vmem_shared>>) dst(%arg16 : memref<200x32xf32, #tpu.memory_space<vmem>>)
      %dma_start3A_412 = arith.constant 0 : i32
      %dma_start3A_413 = tpu.memref_slice %arg8[%add3A_405, %dma_start3A_412] : memref<50x200xi32, #tpu.memory_space<vmem>> -> memref<1x200xi32, #tpu.memory_space<vmem>>
      %dma_start3A_414 = tpu.memref_squeeze %dma_start3A_413 : memref<1x200xi32, #tpu.memory_space<vmem>> -> memref<200xi32, #tpu.memory_space<vmem>>
      %dma_start3A_415 = arith.constant 0 : i32
      %dma_start3A_416 = arith.constant 0 : i32
      %dma_start3A_417 = tpu.memref_slice %arg39[%dma_start3A_415, %dma_start3A_416] : memref<10000x32xf32, #tpu.memory_space<vmem_shared>> -> memref<10000x32xf32, #tpu.memory_space<vmem_shared>>
      tpu.enqueue_indirect_dma source(%arg16 : memref<200x32xf32, #tpu.memory_space<vmem>>) target(%dma_start3A_417 : memref<10000x32xf32, #tpu.memory_space<vmem_shared>>) offsets(%dma_start3A_414 : memref<200xi32, #tpu.memory_space<vmem>>) semaphore(%arg36 : memref<!tpu.dma_semaphore, #tpu.memory_space<semaphore_mem>>) {add = true}
      %mul3A_418 = arith.constant 10 : i32
      %mul3A_419 = arith.muli %scan3A_288, %mul3A_418 : i32
      %add3A_420 = arith.constant 8 : i32
      %add3A_421 = arith.addi %mul3A_419, %add3A_420 : i32
      %dma_wait3A_422 = arith.constant 0 : i32
      %dma_wait3A_423 = tpu.memref_slice %arg7[%add3A_421, %dma_wait3A_422] : memref<50x200xi32, #tpu.memory_space<vmem>> -> memref<1x200xi32, #tpu.memory_space<vmem>>
      %dma_wait3A_424 = tpu.memref_squeeze %dma_wait3A_423 : memref<1x200xi32, #tpu.memory_space<vmem>> -> memref<200xi32, #tpu.memory_space<vmem>>
      %dma_wait3A_425 = arith.constant 0 : i32
      %dma_wait3A_426 = arith.constant 0 : i32
      %dma_wait3A_427 = tpu.memref_slice %arg40[%dma_wait3A_425, %dma_wait3A_426] : memref<10000x32xf32, #tpu.memory_space<vmem_shared>> -> memref<10000x32xf32, #tpu.memory_space<vmem_shared>>
      tpu.wait_indirect_dma semaphore(%arg27 : memref<!tpu.dma_semaphore, #tpu.memory_space<semaphore_mem>>) src(%dma_wait3A_427 : memref<10000x32xf32, #tpu.memory_space<vmem_shared>>) dst(%arg17 : memref<200x32xf32, #tpu.memory_space<vmem>>)
      %dma_start3A_428 = arith.constant 0 : i32
      %dma_start3A_429 = tpu.memref_slice %arg8[%add3A_421, %dma_start3A_428] : memref<50x200xi32, #tpu.memory_space<vmem>> -> memref<1x200xi32, #tpu.memory_space<vmem>>
      %dma_start3A_430 = tpu.memref_squeeze %dma_start3A_429 : memref<1x200xi32, #tpu.memory_space<vmem>> -> memref<200xi32, #tpu.memory_space<vmem>>
      %dma_start3A_431 = arith.constant 0 : i32
      %dma_start3A_432 = arith.constant 0 : i32
      %dma_start3A_433 = tpu.memref_slice %arg39[%dma_start3A_431, %dma_start3A_432] : memref<10000x32xf32, #tpu.memory_space<vmem_shared>> -> memref<10000x32xf32, #tpu.memory_space<vmem_shared>>
      tpu.enqueue_indirect_dma source(%arg17 : memref<200x32xf32, #tpu.memory_space<vmem>>) target(%dma_start3A_433 : memref<10000x32xf32, #tpu.memory_space<vmem_shared>>) offsets(%dma_start3A_430 : memref<200xi32, #tpu.memory_space<vmem>>) semaphore(%arg37 : memref<!tpu.dma_semaphore, #tpu.memory_space<semaphore_mem>>) {add = true}
      %mul3A_434 = arith.constant 10 : i32
      %mul3A_435 = arith.muli %scan3A_288, %mul3A_434 : i32
      %add3A_436 = arith.constant 9 : i32
      %add3A_437 = arith.addi %mul3A_435, %add3A_436 : i32
      %dma_wait3A_438 = arith.constant 0 : i32
      %dma_wait3A_439 = tpu.memref_slice %arg7[%add3A_437, %dma_wait3A_438] : memref<50x200xi32, #tpu.memory_space<vmem>> -> memref<1x200xi32, #tpu.memory_space<vmem>>
      %dma_wait3A_440 = tpu.memref_squeeze %dma_wait3A_439 : memref<1x200xi32, #tpu.memory_space<vmem>> -> memref<200xi32, #tpu.memory_space<vmem>>
      %dma_wait3A_441 = arith.constant 0 : i32
      %dma_wait3A_442 = arith.constant 0 : i32
      %dma_wait3A_443 = tpu.memref_slice %arg40[%dma_wait3A_441, %dma_wait3A_442] : memref<10000x32xf32, #tpu.memory_space<vmem_shared>> -> memref<10000x32xf32, #tpu.memory_space<vmem_shared>>
      tpu.wait_indirect_dma semaphore(%arg28 : memref<!tpu.dma_semaphore, #tpu.memory_space<semaphore_mem>>) src(%dma_wait3A_443 : memref<10000x32xf32, #tpu.memory_space<vmem_shared>>) dst(%arg18 : memref<200x32xf32, #tpu.memory_space<vmem>>)
      %dma_start3A_444 = arith.constant 0 : i32
      %dma_start3A_445 = tpu.memref_slice %arg8[%add3A_437, %dma_start3A_444] : memref<50x200xi32, #tpu.memory_space<vmem>> -> memref<1x200xi32, #tpu.memory_space<vmem>>
      %dma_start3A_446 = tpu.memref_squeeze %dma_start3A_445 : memref<1x200xi32, #tpu.memory_space<vmem>> -> memref<200xi32, #tpu.memory_space<vmem>>
      %dma_start3A_447 = arith.constant 0 : i32
      %dma_start3A_448 = arith.constant 0 : i32
      %dma_start3A_449 = tpu.memref_slice %arg39[%dma_start3A_447, %dma_start3A_448] : memref<10000x32xf32, #tpu.memory_space<vmem_shared>> -> memref<10000x32xf32, #tpu.memory_space<vmem_shared>>
      tpu.enqueue_indirect_dma source(%arg18 : memref<200x32xf32, #tpu.memory_space<vmem>>) target(%dma_start3A_449 : memref<10000x32xf32, #tpu.memory_space<vmem_shared>>) offsets(%dma_start3A_446 : memref<200xi32, #tpu.memory_space<vmem>>) semaphore(%arg38 : memref<!tpu.dma_semaphore, #tpu.memory_space<semaphore_mem>>) {add = true}
      %mul3A_450 = arith.constant 10 : i32
      %mul3A_451 = arith.muli %scan3A_288, %mul3A_450 : i32
      %add3A_452 = arith.constant 0 : i32
      %add3A_453 = arith.addi %mul3A_451, %add3A_452 : i32
      %dma_wait3A_454 = arith.constant 0 : i32
      %dma_wait3A_455 = tpu.memref_slice %arg8[%add3A_453, %dma_wait3A_454] : memref<50x200xi32, #tpu.memory_space<vmem>> -> memref<1x200xi32, #tpu.memory_space<vmem>>
      %dma_wait3A_456 = tpu.memref_squeeze %dma_wait3A_455 : memref<1x200xi32, #tpu.memory_space<vmem>> -> memref<200xi32, #tpu.memory_space<vmem>>
      %dma_wait3A_457 = arith.constant 0 : i32
      %dma_wait3A_458 = arith.constant 0 : i32
      %dma_wait3A_459 = tpu.memref_slice %arg39[%dma_wait3A_457, %dma_wait3A_458] : memref<10000x32xf32, #tpu.memory_space<vmem_shared>> -> memref<10000x32xf32, #tpu.memory_space<vmem_shared>>
      tpu.wait_indirect_dma semaphore(%arg29 : memref<!tpu.dma_semaphore, #tpu.memory_space<semaphore_mem>>) src(%arg9 : memref<200x32xf32, #tpu.memory_space<vmem>>) dst(%dma_wait3A_459 : memref<10000x32xf32, #tpu.memory_space<vmem_shared>>)
      %add3A_460 = arith.constant 10 : i32
      %add3A_461 = arith.addi %add3A_453, %add3A_460 : i32
      %dma_start3A_462 = arith.constant 0 : i32
      %dma_start3A_463 = tpu.memref_slice %arg7[%add3A_461, %dma_start3A_462] : memref<50x200xi32, #tpu.memory_space<vmem>> -> memref<1x200xi32, #tpu.memory_space<vmem>>
      %dma_start3A_464 = tpu.memref_squeeze %dma_start3A_463 : memref<1x200xi32, #tpu.memory_space<vmem>> -> memref<200xi32, #tpu.memory_space<vmem>>
      %dma_start3A_465 = arith.constant 0 : i32
      %dma_start3A_466 = arith.constant 0 : i32
      %dma_start3A_467 = tpu.memref_slice %arg2[%dma_start3A_465, %dma_start3A_466] : memref<10000x32xf32, #tpu.memory_space<hbm>> -> memref<10000x32xf32, #tpu.memory_space<hbm>>
      tpu.enqueue_indirect_dma source(%dma_start3A_467 : memref<10000x32xf32, #tpu.memory_space<hbm>>) target(%arg9 : memref<200x32xf32, #tpu.memory_space<vmem>>) offsets(%dma_start3A_464 : memref<200xi32, #tpu.memory_space<vmem>>) semaphore(%arg19 : memref<!tpu.dma_semaphore, #tpu.memory_space<semaphore_mem>>)
      %mul3A_468 = arith.constant 10 : i32
      %mul3A_469 = arith.muli %scan3A_288, %mul3A_468 : i32
      %add3A_470 = arith.constant 1 : i32
      %add3A_471 = arith.addi %mul3A_469, %add3A_470 : i32
      %dma_wait3A_472 = arith.constant 0 : i32
      %dma_wait3A_473 = tpu.memref_slice %arg8[%add3A_471, %dma_wait3A_472] : memref<50x200xi32, #tpu.memory_space<vmem>> -> memref<1x200xi32, #tpu.memory_space<vmem>>
      %dma_wait3A_474 = tpu.memref_squeeze %dma_wait3A_473 : memref<1x200xi32, #tpu.memory_space<vmem>> -> memref<200xi32, #tpu.memory_space<vmem>>
      %dma_wait3A_475 = arith.constant 0 : i32
      %dma_wait3A_476 = arith.constant 0 : i32
      %dma_wait3A_477 = tpu.memref_slice %arg39[%dma_wait3A_475, %dma_wait3A_476] : memref<10000x32xf32, #tpu.memory_space<vmem_shared>> -> memref<10000x32xf32, #tpu.memory_space<vmem_shared>>
      tpu.wait_indirect_dma semaphore(%arg30 : memref<!tpu.dma_semaphore, #tpu.memory_space<semaphore_mem>>) src(%arg10 : memref<200x32xf32, #tpu.memory_space<vmem>>) dst(%dma_wait3A_477 : memref<10000x32xf32, #tpu.memory_space<vmem_shared>>)
      %add3A_478 = arith.constant 10 : i32
      %add3A_479 = arith.addi %add3A_471, %add3A_478 : i32
      %dma_start3A_480 = arith.constant 0 : i32
      %dma_start3A_481 = tpu.memref_slice %arg7[%add3A_479, %dma_start3A_480] : memref<50x200xi32, #tpu.memory_space<vmem>> -> memref<1x200xi32, #tpu.memory_space<vmem>>
      %dma_start3A_482 = tpu.memref_squeeze %dma_start3A_481 : memref<1x200xi32, #tpu.memory_space<vmem>> -> memref<200xi32, #tpu.memory_space<vmem>>
      %dma_start3A_483 = arith.constant 0 : i32
      %dma_start3A_484 = arith.constant 0 : i32
      %dma_start3A_485 = tpu.memref_slice %arg2[%dma_start3A_483, %dma_start3A_484] : memref<10000x32xf32, #tpu.memory_space<hbm>> -> memref<10000x32xf32, #tpu.memory_space<hbm>>
      tpu.enqueue_indirect_dma source(%dma_start3A_485 : memref<10000x32xf32, #tpu.memory_space<hbm>>) target(%arg10 : memref<200x32xf32, #tpu.memory_space<vmem>>) offsets(%dma_start3A_482 : memref<200xi32, #tpu.memory_space<vmem>>) semaphore(%arg20 : memref<!tpu.dma_semaphore, #tpu.memory_space<semaphore_mem>>)
      %mul3A_486 = arith.constant 10 : i32
      %mul3A_487 = arith.muli %scan3A_288, %mul3A_486 : i32
      %add3A_488 = arith.constant 2 : i32
      %add3A_489 = arith.addi %mul3A_487, %add3A_488 : i32
      %dma_wait3A_490 = arith.constant 0 : i32
      %dma_wait3A_491 = tpu.memref_slice %arg8[%add3A_489, %dma_wait3A_490] : memref<50x200xi32, #tpu.memory_space<vmem>> -> memref<1x200xi32, #tpu.memory_space<vmem>>
      %dma_wait3A_492 = tpu.memref_squeeze %dma_wait3A_491 : memref<1x200xi32, #tpu.memory_space<vmem>> -> memref<200xi32, #tpu.memory_space<vmem>>
      %dma_wait3A_493 = arith.constant 0 : i32
      %dma_wait3A_494 = arith.constant 0 : i32
      %dma_wait3A_495 = tpu.memref_slice %arg39[%dma_wait3A_493, %dma_wait3A_494] : memref<10000x32xf32, #tpu.memory_space<vmem_shared>> -> memref<10000x32xf32, #tpu.memory_space<vmem_shared>>
      tpu.wait_indirect_dma semaphore(%arg31 : memref<!tpu.dma_semaphore, #tpu.memory_space<semaphore_mem>>) src(%arg11 : memref<200x32xf32, #tpu.memory_space<vmem>>) dst(%dma_wait3A_495 : memref<10000x32xf32, #tpu.memory_space<vmem_shared>>)
      %add3A_496 = arith.constant 10 : i32
      %add3A_497 = arith.addi %add3A_489, %add3A_496 : i32
      %dma_start3A_498 = arith.constant 0 : i32
      %dma_start3A_499 = tpu.memref_slice %arg7[%add3A_497, %dma_start3A_498] : memref<50x200xi32, #tpu.memory_space<vmem>> -> memref<1x200xi32, #tpu.memory_space<vmem>>
      %dma_start3A_500 = tpu.memref_squeeze %dma_start3A_499 : memref<1x200xi32, #tpu.memory_space<vmem>> -> memref<200xi32, #tpu.memory_space<vmem>>
      %dma_start3A_501 = arith.constant 0 : i32
      %dma_start3A_502 = arith.constant 0 : i32
      %dma_start3A_503 = tpu.memref_slice %arg40[%dma_start3A_501, %dma_start3A_502] : memref<10000x32xf32, #tpu.memory_space<vmem_shared>> -> memref<10000x32xf32, #tpu.memory_space<vmem_shared>>
      tpu.enqueue_indirect_dma source(%dma_start3A_503 : memref<10000x32xf32, #tpu.memory_space<vmem_shared>>) target(%arg11 : memref<200x32xf32, #tpu.memory_space<vmem>>) offsets(%dma_start3A_500 : memref<200xi32, #tpu.memory_space<vmem>>) semaphore(%arg21 : memref<!tpu.dma_semaphore, #tpu.memory_space<semaphore_mem>>)
      %mul3A_504 = arith.constant 10 : i32
      %mul3A_505 = arith.muli %scan3A_288, %mul3A_504 : i32
      %add3A_506 = arith.constant 3 : i32
      %add3A_507 = arith.addi %mul3A_505, %add3A_506 : i32
      %dma_wait3A_508 = arith.constant 0 : i32
      %dma_wait3A_509 = tpu.memref_slice %arg8[%add3A_507, %dma_wait3A_508] : memref<50x200xi32, #tpu.memory_space<vmem>> -> memref<1x200xi32, #tpu.memory_space<vmem>>
      %dma_wait3A_510 = tpu.memref_squeeze %dma_wait3A_509 : memref<1x200xi32, #tpu.memory_space<vmem>> -> memref<200xi32, #tpu.memory_space<vmem>>
      %dma_wait3A_511 = arith.constant 0 : i32
      %dma_wait3A_512 = arith.constant 0 : i32
      %dma_wait3A_513 = tpu.memref_slice %arg39[%dma_wait3A_511, %dma_wait3A_512] : memref<10000x32xf32, #tpu.memory_space<vmem_shared>> -> memref<10000x32xf32, #tpu.memory_space<vmem_shared>>
      tpu.wait_indirect_dma semaphore(%arg32 : memref<!tpu.dma_semaphore, #tpu.memory_space<semaphore_mem>>) src(%arg12 : memref<200x32xf32, #tpu.memory_space<vmem>>) dst(%dma_wait3A_513 : memref<10000x32xf32, #tpu.memory_space<vmem_shared>>)
      %add3A_514 = arith.constant 10 : i32
      %add3A_515 = arith.addi %add3A_507, %add3A_514 : i32
      %dma_start3A_516 = arith.constant 0 : i32
      %dma_start3A_517 = tpu.memref_slice %arg7[%add3A_515, %dma_start3A_516] : memref<50x200xi32, #tpu.memory_space<vmem>> -> memref<1x200xi32, #tpu.memory_space<vmem>>
      %dma_start3A_518 = tpu.memref_squeeze %dma_start3A_517 : memref<1x200xi32, #tpu.memory_space<vmem>> -> memref<200xi32, #tpu.memory_space<vmem>>
      %dma_start3A_519 = arith.constant 0 : i32
      %dma_start3A_520 = arith.constant 0 : i32
      %dma_start3A_521 = tpu.memref_slice %arg40[%dma_start3A_519, %dma_start3A_520] : memref<10000x32xf32, #tpu.memory_space<vmem_shared>> -> memref<10000x32xf32, #tpu.memory_space<vmem_shared>>
      tpu.enqueue_indirect_dma source(%dma_start3A_521 : memref<10000x32xf32, #tpu.memory_space<vmem_shared>>) target(%arg12 : memref<200x32xf32, #tpu.memory_space<vmem>>) offsets(%dma_start3A_518 : memref<200xi32, #tpu.memory_space<vmem>>) semaphore(%arg22 : memref<!tpu.dma_semaphore, #tpu.memory_space<semaphore_mem>>)
      %mul3A_522 = arith.constant 10 : i32
      %mul3A_523 = arith.muli %scan3A_288, %mul3A_522 : i32
      %add3A_524 = arith.constant 4 : i32
      %add3A_525 = arith.addi %mul3A_523, %add3A_524 : i32
      %dma_wait3A_526 = arith.constant 0 : i32
      %dma_wait3A_527 = tpu.memref_slice %arg8[%add3A_525, %dma_wait3A_526] : memref<50x200xi32, #tpu.memory_space<vmem>> -> memref<1x200xi32, #tpu.memory_space<vmem>>
      %dma_wait3A_528 = tpu.memref_squeeze %dma_wait3A_527 : memref<1x200xi32, #tpu.memory_space<vmem>> -> memref<200xi32, #tpu.memory_space<vmem>>
      %dma_wait3A_529 = arith.constant 0 : i32
      %dma_wait3A_530 = arith.constant 0 : i32
      %dma_wait3A_531 = tpu.memref_slice %arg39[%dma_wait3A_529, %dma_wait3A_530] : memref<10000x32xf32, #tpu.memory_space<vmem_shared>> -> memref<10000x32xf32, #tpu.memory_space<vmem_shared>>
      tpu.wait_indirect_dma semaphore(%arg33 : memref<!tpu.dma_semaphore, #tpu.memory_space<semaphore_mem>>) src(%arg13 : memref<200x32xf32, #tpu.memory_space<vmem>>) dst(%dma_wait3A_531 : memref<10000x32xf32, #tpu.memory_space<vmem_shared>>)
      %add3A_532 = arith.constant 10 : i32
      %add3A_533 = arith.addi %add3A_525, %add3A_532 : i32
      %dma_start3A_534 = arith.constant 0 : i32
      %dma_start3A_535 = tpu.memref_slice %arg7[%add3A_533, %dma_start3A_534] : memref<50x200xi32, #tpu.memory_space<vmem>> -> memref<1x200xi32, #tpu.memory_space<vmem>>
      %dma_start3A_536 = tpu.memref_squeeze %dma_start3A_535 : memref<1x200xi32, #tpu.memory_space<vmem>> -> memref<200xi32, #tpu.memory_space<vmem>>
      %dma_start3A_537 = arith.constant 0 : i32
      %dma_start3A_538 = arith.constant 0 : i32
      %dma_start3A_539 = tpu.memref_slice %arg40[%dma_start3A_537, %dma_start3A_538] : memref<10000x32xf32, #tpu.memory_space<vmem_shared>> -> memref<10000x32xf32, #tpu.memory_space<vmem_shared>>
      tpu.enqueue_indirect_dma source(%dma_start3A_539 : memref<10000x32xf32, #tpu.memory_space<vmem_shared>>) target(%arg13 : memref<200x32xf32, #tpu.memory_space<vmem>>) offsets(%dma_start3A_536 : memref<200xi32, #tpu.memory_space<vmem>>) semaphore(%arg23 : memref<!tpu.dma_semaphore, #tpu.memory_space<semaphore_mem>>)
      %mul3A_540 = arith.constant 10 : i32
      %mul3A_541 = arith.muli %scan3A_288, %mul3A_540 : i32
      %add3A_542 = arith.constant 5 : i32
      %add3A_543 = arith.addi %mul3A_541, %add3A_542 : i32
      %dma_wait3A_544 = arith.constant 0 : i32
      %dma_wait3A_545 = tpu.memref_slice %arg8[%add3A_543, %dma_wait3A_544] : memref<50x200xi32, #tpu.memory_space<vmem>> -> memref<1x200xi32, #tpu.memory_space<vmem>>
      %dma_wait3A_546 = tpu.memref_squeeze %dma_wait3A_545 : memref<1x200xi32, #tpu.memory_space<vmem>> -> memref<200xi32, #tpu.memory_space<vmem>>
      %dma_wait3A_547 = arith.constant 0 : i32
      %dma_wait3A_548 = arith.constant 0 : i32
      %dma_wait3A_549 = tpu.memref_slice %arg39[%dma_wait3A_547, %dma_wait3A_548] : memref<10000x32xf32, #tpu.memory_space<vmem_shared>> -> memref<10000x32xf32, #tpu.memory_space<vmem_shared>>
      tpu.wait_indirect_dma semaphore(%arg34 : memref<!tpu.dma_semaphore, #tpu.memory_space<semaphore_mem>>) src(%arg14 : memref<200x32xf32, #tpu.memory_space<vmem>>) dst(%dma_wait3A_549 : memref<10000x32xf32, #tpu.memory_space<vmem_shared>>)
      %add3A_550 = arith.constant 10 : i32
      %add3A_551 = arith.addi %add3A_543, %add3A_550 : i32
      %dma_start3A_552 = arith.constant 0 : i32
      %dma_start3A_553 = tpu.memref_slice %arg7[%add3A_551, %dma_start3A_552] : memref<50x200xi32, #tpu.memory_space<vmem>> -> memref<1x200xi32, #tpu.memory_space<vmem>>
      %dma_start3A_554 = tpu.memref_squeeze %dma_start3A_553 : memref<1x200xi32, #tpu.memory_space<vmem>> -> memref<200xi32, #tpu.memory_space<vmem>>
      %dma_start3A_555 = arith.constant 0 : i32
      %dma_start3A_556 = arith.constant 0 : i32
      %dma_start3A_557 = tpu.memref_slice %arg40[%dma_start3A_555, %dma_start3A_556] : memref<10000x32xf32, #tpu.memory_space<vmem_shared>> -> memref<10000x32xf32, #tpu.memory_space<vmem_shared>>
      tpu.enqueue_indirect_dma source(%dma_start3A_557 : memref<10000x32xf32, #tpu.memory_space<vmem_shared>>) target(%arg14 : memref<200x32xf32, #tpu.memory_space<vmem>>) offsets(%dma_start3A_554 : memref<200xi32, #tpu.memory_space<vmem>>) semaphore(%arg24 : memref<!tpu.dma_semaphore, #tpu.memory_space<semaphore_mem>>)
      %mul3A_558 = arith.constant 10 : i32
      %mul3A_559 = arith.muli %scan3A_288, %mul3A_558 : i32
      %add3A_560 = arith.constant 6 : i32
      %add3A_561 = arith.addi %mul3A_559, %add3A_560 : i32
      %dma_wait3A_562 = arith.constant 0 : i32
      %dma_wait3A_563 = tpu.memref_slice %arg8[%add3A_561, %dma_wait3A_562] : memref<50x200xi32, #tpu.memory_space<vmem>> -> memref<1x200xi32, #tpu.memory_space<vmem>>
      %dma_wait3A_564 = tpu.memref_squeeze %dma_wait3A_563 : memref<1x200xi32, #tpu.memory_space<vmem>> -> memref<200xi32, #tpu.memory_space<vmem>>
      %dma_wait3A_565 = arith.constant 0 : i32
      %dma_wait3A_566 = arith.constant 0 : i32
      %dma_wait3A_567 = tpu.memref_slice %arg39[%dma_wait3A_565, %dma_wait3A_566] : memref<10000x32xf32, #tpu.memory_space<vmem_shared>> -> memref<10000x32xf32, #tpu.memory_space<vmem_shared>>
      tpu.wait_indirect_dma semaphore(%arg35 : memref<!tpu.dma_semaphore, #tpu.memory_space<semaphore_mem>>) src(%arg15 : memref<200x32xf32, #tpu.memory_space<vmem>>) dst(%dma_wait3A_567 : memref<10000x32xf32, #tpu.memory_space<vmem_shared>>)
      %add3A_568 = arith.constant 10 : i32
      %add3A_569 = arith.addi %add3A_561, %add3A_568 : i32
      %dma_start3A_570 = arith.constant 0 : i32
      %dma_start3A_571 = tpu.memref_slice %arg7[%add3A_569, %dma_start3A_570] : memref<50x200xi32, #tpu.memory_space<vmem>> -> memref<1x200xi32, #tpu.memory_space<vmem>>
      %dma_start3A_572 = tpu.memref_squeeze %dma_start3A_571 : memref<1x200xi32, #tpu.memory_space<vmem>> -> memref<200xi32, #tpu.memory_space<vmem>>
      %dma_start3A_573 = arith.constant 0 : i32
      %dma_start3A_574 = arith.constant 0 : i32
      %dma_start3A_575 = tpu.memref_slice %arg40[%dma_start3A_573, %dma_start3A_574] : memref<10000x32xf32, #tpu.memory_space<vmem_shared>> -> memref<10000x32xf32, #tpu.memory_space<vmem_shared>>
      tpu.enqueue_indirect_dma source(%dma_start3A_575 : memref<10000x32xf32, #tpu.memory_space<vmem_shared>>) target(%arg15 : memref<200x32xf32, #tpu.memory_space<vmem>>) offsets(%dma_start3A_572 : memref<200xi32, #tpu.memory_space<vmem>>) semaphore(%arg25 : memref<!tpu.dma_semaphore, #tpu.memory_space<semaphore_mem>>)
      %mul3A_576 = arith.constant 10 : i32
      %mul3A_577 = arith.muli %scan3A_288, %mul3A_576 : i32
      %add3A_578 = arith.constant 7 : i32
      %add3A_579 = arith.addi %mul3A_577, %add3A_578 : i32
      %dma_wait3A_580 = arith.constant 0 : i32
      %dma_wait3A_581 = tpu.memref_slice %arg8[%add3A_579, %dma_wait3A_580] : memref<50x200xi32, #tpu.memory_space<vmem>> -> memref<1x200xi32, #tpu.memory_space<vmem>>
      %dma_wait3A_582 = tpu.memref_squeeze %dma_wait3A_581 : memref<1x200xi32, #tpu.memory_space<vmem>> -> memref<200xi32, #tpu.memory_space<vmem>>
      %dma_wait3A_583 = arith.constant 0 : i32
      %dma_wait3A_584 = arith.constant 0 : i32
      %dma_wait3A_585 = tpu.memref_slice %arg39[%dma_wait3A_583, %dma_wait3A_584] : memref<10000x32xf32, #tpu.memory_space<vmem_shared>> -> memref<10000x32xf32, #tpu.memory_space<vmem_shared>>
      tpu.wait_indirect_dma semaphore(%arg36 : memref<!tpu.dma_semaphore, #tpu.memory_space<semaphore_mem>>) src(%arg16 : memref<200x32xf32, #tpu.memory_space<vmem>>) dst(%dma_wait3A_585 : memref<10000x32xf32, #tpu.memory_space<vmem_shared>>)
      %add3A_586 = arith.constant 10 : i32
      %add3A_587 = arith.addi %add3A_579, %add3A_586 : i32
      %dma_start3A_588 = arith.constant 0 : i32
      %dma_start3A_589 = tpu.memref_slice %arg7[%add3A_587, %dma_start3A_588] : memref<50x200xi32, #tpu.memory_space<vmem>> -> memref<1x200xi32, #tpu.memory_space<vmem>>
      %dma_start3A_590 = tpu.memref_squeeze %dma_start3A_589 : memref<1x200xi32, #tpu.memory_space<vmem>> -> memref<200xi32, #tpu.memory_space<vmem>>
      %dma_start3A_591 = arith.constant 0 : i32
      %dma_start3A_592 = arith.constant 0 : i32
      %dma_start3A_593 = tpu.memref_slice %arg40[%dma_start3A_591, %dma_start3A_592] : memref<10000x32xf32, #tpu.memory_space<vmem_shared>> -> memref<10000x32xf32, #tpu.memory_space<vmem_shared>>
      tpu.enqueue_indirect_dma source(%dma_start3A_593 : memref<10000x32xf32, #tpu.memory_space<vmem_shared>>) target(%arg16 : memref<200x32xf32, #tpu.memory_space<vmem>>) offsets(%dma_start3A_590 : memref<200xi32, #tpu.memory_space<vmem>>) semaphore(%arg26 : memref<!tpu.dma_semaphore, #tpu.memory_space<semaphore_mem>>)
      %mul3A_594 = arith.constant 10 : i32
      %mul3A_595 = arith.muli %scan3A_288, %mul3A_594 : i32
      %add3A_596 = arith.constant 8 : i32
      %add3A_597 = arith.addi %mul3A_595, %add3A_596 : i32
      %dma_wait3A_598 = arith.constant 0 : i32
      %dma_wait3A_599 = tpu.memref_slice %arg8[%add3A_597, %dma_wait3A_598] : memref<50x200xi32, #tpu.memory_space<vmem>> -> memref<1x200xi32, #tpu.memory_space<vmem>>
      %dma_wait3A_600 = tpu.memref_squeeze %dma_wait3A_599 : memref<1x200xi32, #tpu.memory_space<vmem>> -> memref<200xi32, #tpu.memory_space<vmem>>
      %dma_wait3A_601 = arith.constant 0 : i32
      %dma_wait3A_602 = arith.constant 0 : i32
      %dma_wait3A_603 = tpu.memref_slice %arg39[%dma_wait3A_601, %dma_wait3A_602] : memref<10000x32xf32, #tpu.memory_space<vmem_shared>> -> memref<10000x32xf32, #tpu.memory_space<vmem_shared>>
      tpu.wait_indirect_dma semaphore(%arg37 : memref<!tpu.dma_semaphore, #tpu.memory_space<semaphore_mem>>) src(%arg17 : memref<200x32xf32, #tpu.memory_space<vmem>>) dst(%dma_wait3A_603 : memref<10000x32xf32, #tpu.memory_space<vmem_shared>>)
      %add3A_604 = arith.constant 10 : i32
      %add3A_605 = arith.addi %add3A_597, %add3A_604 : i32
      %dma_start3A_606 = arith.constant 0 : i32
      %dma_start3A_607 = tpu.memref_slice %arg7[%add3A_605, %dma_start3A_606] : memref<50x200xi32, #tpu.memory_space<vmem>> -> memref<1x200xi32, #tpu.memory_space<vmem>>
      %dma_start3A_608 = tpu.memref_squeeze %dma_start3A_607 : memref<1x200xi32, #tpu.memory_space<vmem>> -> memref<200xi32, #tpu.memory_space<vmem>>
      %dma_start3A_609 = arith.constant 0 : i32
      %dma_start3A_610 = arith.constant 0 : i32
      %dma_start3A_611 = tpu.memref_slice %arg40[%dma_start3A_609, %dma_start3A_610] : memref<10000x32xf32, #tpu.memory_space<vmem_shared>> -> memref<10000x32xf32, #tpu.memory_space<vmem_shared>>
      tpu.enqueue_indirect_dma source(%dma_start3A_611 : memref<10000x32xf32, #tpu.memory_space<vmem_shared>>) target(%arg17 : memref<200x32xf32, #tpu.memory_space<vmem>>) offsets(%dma_start3A_608 : memref<200xi32, #tpu.memory_space<vmem>>) semaphore(%arg27 : memref<!tpu.dma_semaphore, #tpu.memory_space<semaphore_mem>>)
      %mul3A_612 = arith.constant 10 : i32
      %mul3A_613 = arith.muli %scan3A_288, %mul3A_612 : i32
      %add3A_614 = arith.constant 9 : i32
      %add3A_615 = arith.addi %mul3A_613, %add3A_614 : i32
      %dma_wait3A_616 = arith.constant 0 : i32
      %dma_wait3A_617 = tpu.memref_slice %arg8[%add3A_615, %dma_wait3A_616] : memref<50x200xi32, #tpu.memory_space<vmem>> -> memref<1x200xi32, #tpu.memory_space<vmem>>
      %dma_wait3A_618 = tpu.memref_squeeze %dma_wait3A_617 : memref<1x200xi32, #tpu.memory_space<vmem>> -> memref<200xi32, #tpu.memory_space<vmem>>
      %dma_wait3A_619 = arith.constant 0 : i32
      %dma_wait3A_620 = arith.constant 0 : i32
      %dma_wait3A_621 = tpu.memref_slice %arg39[%dma_wait3A_619, %dma_wait3A_620] : memref<10000x32xf32, #tpu.memory_space<vmem_shared>> -> memref<10000x32xf32, #tpu.memory_space<vmem_shared>>
      tpu.wait_indirect_dma semaphore(%arg38 : memref<!tpu.dma_semaphore, #tpu.memory_space<semaphore_mem>>) src(%arg18 : memref<200x32xf32, #tpu.memory_space<vmem>>) dst(%dma_wait3A_621 : memref<10000x32xf32, #tpu.memory_space<vmem_shared>>)
      %add3A_622 = arith.constant 10 : i32
      %add3A_623 = arith.addi %add3A_615, %add3A_622 : i32
      %dma_start3A_624 = arith.constant 0 : i32
      %dma_start3A_625 = tpu.memref_slice %arg7[%add3A_623, %dma_start3A_624] : memref<50x200xi32, #tpu.memory_space<vmem>> -> memref<1x200xi32, #tpu.memory_space<vmem>>
      %dma_start3A_626 = tpu.memref_squeeze %dma_start3A_625 : memref<1x200xi32, #tpu.memory_space<vmem>> -> memref<200xi32, #tpu.memory_space<vmem>>
      %dma_start3A_627 = arith.constant 0 : i32
      %dma_start3A_628 = arith.constant 0 : i32
      %dma_start3A_629 = tpu.memref_slice %arg40[%dma_start3A_627, %dma_start3A_628] : memref<10000x32xf32, #tpu.memory_space<vmem_shared>> -> memref<10000x32xf32, #tpu.memory_space<vmem_shared>>
      tpu.enqueue_indirect_dma source(%dma_start3A_629 : memref<10000x32xf32, #tpu.memory_space<vmem_shared>>) target(%arg18 : memref<200x32xf32, #tpu.memory_space<vmem>>) offsets(%dma_start3A_626 : memref<200xi32, #tpu.memory_space<vmem>>) semaphore(%arg28 : memref<!tpu.dma_semaphore, #tpu.memory_space<semaphore_mem>>)
      %scan3A_630 = arith.constant 0 : i32
      scf.yield %scan3A_630 : i32
    }
    %scan3A_77 = arith.constant 4 : i32
    %dma_wait3A = arith.constant 40 : i32
    %dma_wait3A_78 = arith.constant 0 : i32
    %dma_wait3A_79 = tpu.memref_slice %arg7[%dma_wait3A, %dma_wait3A_78] : memref<50x200xi32, #tpu.memory_space<vmem>> -> memref<1x200xi32, #tpu.memory_space<vmem>>
    %dma_wait3A_80 = tpu.memref_squeeze %dma_wait3A_79 : memref<1x200xi32, #tpu.memory_space<vmem>> -> memref<200xi32, #tpu.memory_space<vmem>>
    %dma_wait3A_81 = arith.constant 0 : i32
    %dma_wait3A_82 = arith.constant 0 : i32
    %dma_wait3A_83 = tpu.memref_slice %arg2[%dma_wait3A_81, %dma_wait3A_82] : memref<10000x32xf32, #tpu.memory_space<hbm>> -> memref<10000x32xf32, #tpu.memory_space<hbm>>
    tpu.wait_indirect_dma semaphore(%arg19 : memref<!tpu.dma_semaphore, #tpu.memory_space<semaphore_mem>>) src(%dma_wait3A_83 : memref<10000x32xf32, #tpu.memory_space<hbm>>) dst(%arg9 : memref<200x32xf32, #tpu.memory_space<vmem>>)
    %dma_start3A_84 = arith.constant 40 : i32
    %dma_start3A_85 = arith.constant 0 : i32
    %dma_start3A_86 = tpu.memref_slice %arg8[%dma_start3A_84, %dma_start3A_85] : memref<50x200xi32, #tpu.memory_space<vmem>> -> memref<1x200xi32, #tpu.memory_space<vmem>>
    %dma_start3A_87 = tpu.memref_squeeze %dma_start3A_86 : memref<1x200xi32, #tpu.memory_space<vmem>> -> memref<200xi32, #tpu.memory_space<vmem>>
    %dma_start3A_88 = arith.constant 0 : i32
    %dma_start3A_89 = arith.constant 0 : i32
    %dma_start3A_90 = tpu.memref_slice %arg39[%dma_start3A_88, %dma_start3A_89] : memref<10000x32xf32, #tpu.memory_space<vmem_shared>> -> memref<10000x32xf32, #tpu.memory_space<vmem_shared>>
    tpu.enqueue_indirect_dma source(%arg9 : memref<200x32xf32, #tpu.memory_space<vmem>>) target(%dma_start3A_90 : memref<10000x32xf32, #tpu.memory_space<vmem_shared>>) offsets(%dma_start3A_87 : memref<200xi32, #tpu.memory_space<vmem>>) semaphore(%arg29 : memref<!tpu.dma_semaphore, #tpu.memory_space<semaphore_mem>>) {add = true}
    %dma_wait3A_91 = arith.constant 41 : i32
    %dma_wait3A_92 = arith.constant 0 : i32
    %dma_wait3A_93 = tpu.memref_slice %arg7[%dma_wait3A_91, %dma_wait3A_92] : memref<50x200xi32, #tpu.memory_space<vmem>> -> memref<1x200xi32, #tpu.memory_space<vmem>>
    %dma_wait3A_94 = tpu.memref_squeeze %dma_wait3A_93 : memref<1x200xi32, #tpu.memory_space<vmem>> -> memref<200xi32, #tpu.memory_space<vmem>>
    %dma_wait3A_95 = arith.constant 0 : i32
    %dma_wait3A_96 = arith.constant 0 : i32
    %dma_wait3A_97 = tpu.memref_slice %arg2[%dma_wait3A_95, %dma_wait3A_96] : memref<10000x32xf32, #tpu.memory_space<hbm>> -> memref<10000x32xf32, #tpu.memory_space<hbm>>
    tpu.wait_indirect_dma semaphore(%arg20 : memref<!tpu.dma_semaphore, #tpu.memory_space<semaphore_mem>>) src(%dma_wait3A_97 : memref<10000x32xf32, #tpu.memory_space<hbm>>) dst(%arg10 : memref<200x32xf32, #tpu.memory_space<vmem>>)
    %dma_start3A_98 = arith.constant 41 : i32
    %dma_start3A_99 = arith.constant 0 : i32
    %dma_start3A_100 = tpu.memref_slice %arg8[%dma_start3A_98, %dma_start3A_99] : memref<50x200xi32, #tpu.memory_space<vmem>> -> memref<1x200xi32, #tpu.memory_space<vmem>>
    %dma_start3A_101 = tpu.memref_squeeze %dma_start3A_100 : memref<1x200xi32, #tpu.memory_space<vmem>> -> memref<200xi32, #tpu.memory_space<vmem>>
    %dma_start3A_102 = arith.constant 0 : i32
    %dma_start3A_103 = arith.constant 0 : i32
    %dma_start3A_104 = tpu.memref_slice %arg39[%dma_start3A_102, %dma_start3A_103] : memref<10000x32xf32, #tpu.memory_space<vmem_shared>> -> memref<10000x32xf32, #tpu.memory_space<vmem_shared>>
    tpu.enqueue_indirect_dma source(%arg10 : memref<200x32xf32, #tpu.memory_space<vmem>>) target(%dma_start3A_104 : memref<10000x32xf32, #tpu.memory_space<vmem_shared>>) offsets(%dma_start3A_101 : memref<200xi32, #tpu.memory_space<vmem>>) semaphore(%arg30 : memref<!tpu.dma_semaphore, #tpu.memory_space<semaphore_mem>>) {add = true}
    %dma_wait3A_105 = arith.constant 42 : i32
    %dma_wait3A_106 = arith.constant 0 : i32
    %dma_wait3A_107 = tpu.memref_slice %arg7[%dma_wait3A_105, %dma_wait3A_106] : memref<50x200xi32, #tpu.memory_space<vmem>> -> memref<1x200xi32, #tpu.memory_space<vmem>>
    %dma_wait3A_108 = tpu.memref_squeeze %dma_wait3A_107 : memref<1x200xi32, #tpu.memory_space<vmem>> -> memref<200xi32, #tpu.memory_space<vmem>>
    %dma_wait3A_109 = arith.constant 0 : i32
    %dma_wait3A_110 = arith.constant 0 : i32
    %dma_wait3A_111 = tpu.memref_slice %arg40[%dma_wait3A_109, %dma_wait3A_110] : memref<10000x32xf32, #tpu.memory_space<vmem_shared>> -> memref<10000x32xf32, #tpu.memory_space<vmem_shared>>
    tpu.wait_indirect_dma semaphore(%arg21 : memref<!tpu.dma_semaphore, #tpu.memory_space<semaphore_mem>>) src(%dma_wait3A_111 : memref<10000x32xf32, #tpu.memory_space<vmem_shared>>) dst(%arg11 : memref<200x32xf32, #tpu.memory_space<vmem>>)
    %dma_start3A_112 = arith.constant 42 : i32
    %dma_start3A_113 = arith.constant 0 : i32
    %dma_start3A_114 = tpu.memref_slice %arg8[%dma_start3A_112, %dma_start3A_113] : memref<50x200xi32, #tpu.memory_space<vmem>> -> memref<1x200xi32, #tpu.memory_space<vmem>>
    %dma_start3A_115 = tpu.memref_squeeze %dma_start3A_114 : memref<1x200xi32, #tpu.memory_space<vmem>> -> memref<200xi32, #tpu.memory_space<vmem>>
    %dma_start3A_116 = arith.constant 0 : i32
    %dma_start3A_117 = arith.constant 0 : i32
    %dma_start3A_118 = tpu.memref_slice %arg39[%dma_start3A_116, %dma_start3A_117] : memref<10000x32xf32, #tpu.memory_space<vmem_shared>> -> memref<10000x32xf32, #tpu.memory_space<vmem_shared>>
    tpu.enqueue_indirect_dma source(%arg11 : memref<200x32xf32, #tpu.memory_space<vmem>>) target(%dma_start3A_118 : memref<10000x32xf32, #tpu.memory_space<vmem_shared>>) offsets(%dma_start3A_115 : memref<200xi32, #tpu.memory_space<vmem>>) semaphore(%arg31 : memref<!tpu.dma_semaphore, #tpu.memory_space<semaphore_mem>>) {add = true}
    %dma_wait3A_119 = arith.constant 43 : i32
    %dma_wait3A_120 = arith.constant 0 : i32
    %dma_wait3A_121 = tpu.memref_slice %arg7[%dma_wait3A_119, %dma_wait3A_120] : memref<50x200xi32, #tpu.memory_space<vmem>> -> memref<1x200xi32, #tpu.memory_space<vmem>>
    %dma_wait3A_122 = tpu.memref_squeeze %dma_wait3A_121 : memref<1x200xi32, #tpu.memory_space<vmem>> -> memref<200xi32, #tpu.memory_space<vmem>>
    %dma_wait3A_123 = arith.constant 0 : i32
    %dma_wait3A_124 = arith.constant 0 : i32
    %dma_wait3A_125 = tpu.memref_slice %arg40[%dma_wait3A_123, %dma_wait3A_124] : memref<10000x32xf32, #tpu.memory_space<vmem_shared>> -> memref<10000x32xf32, #tpu.memory_space<vmem_shared>>
    tpu.wait_indirect_dma semaphore(%arg22 : memref<!tpu.dma_semaphore, #tpu.memory_space<semaphore_mem>>) src(%dma_wait3A_125 : memref<10000x32xf32, #tpu.memory_space<vmem_shared>>) dst(%arg12 : memref<200x32xf32, #tpu.memory_space<vmem>>)
    %dma_start3A_126 = arith.constant 43 : i32
    %dma_start3A_127 = arith.constant 0 : i32
    %dma_start3A_128 = tpu.memref_slice %arg8[%dma_start3A_126, %dma_start3A_127] : memref<50x200xi32, #tpu.memory_space<vmem>> -> memref<1x200xi32, #tpu.memory_space<vmem>>
    %dma_start3A_129 = tpu.memref_squeeze %dma_start3A_128 : memref<1x200xi32, #tpu.memory_space<vmem>> -> memref<200xi32, #tpu.memory_space<vmem>>
    %dma_start3A_130 = arith.constant 0 : i32
    %dma_start3A_131 = arith.constant 0 : i32
    %dma_start3A_132 = tpu.memref_slice %arg39[%dma_start3A_130, %dma_start3A_131] : memref<10000x32xf32, #tpu.memory_space<vmem_shared>> -> memref<10000x32xf32, #tpu.memory_space<vmem_shared>>
    tpu.enqueue_indirect_dma source(%arg12 : memref<200x32xf32, #tpu.memory_space<vmem>>) target(%dma_start3A_132 : memref<10000x32xf32, #tpu.memory_space<vmem_shared>>) offsets(%dma_start3A_129 : memref<200xi32, #tpu.memory_space<vmem>>) semaphore(%arg32 : memref<!tpu.dma_semaphore, #tpu.memory_space<semaphore_mem>>) {add = true}
    %dma_wait3A_133 = arith.constant 44 : i32
    %dma_wait3A_134 = arith.constant 0 : i32
    %dma_wait3A_135 = tpu.memref_slice %arg7[%dma_wait3A_133, %dma_wait3A_134] : memref<50x200xi32, #tpu.memory_space<vmem>> -> memref<1x200xi32, #tpu.memory_space<vmem>>
    %dma_wait3A_136 = tpu.memref_squeeze %dma_wait3A_135 : memref<1x200xi32, #tpu.memory_space<vmem>> -> memref<200xi32, #tpu.memory_space<vmem>>
    %dma_wait3A_137 = arith.constant 0 : i32
    %dma_wait3A_138 = arith.constant 0 : i32
    %dma_wait3A_139 = tpu.memref_slice %arg40[%dma_wait3A_137, %dma_wait3A_138] : memref<10000x32xf32, #tpu.memory_space<vmem_shared>> -> memref<10000x32xf32, #tpu.memory_space<vmem_shared>>
    tpu.wait_indirect_dma semaphore(%arg23 : memref<!tpu.dma_semaphore, #tpu.memory_space<semaphore_mem>>) src(%dma_wait3A_139 : memref<10000x32xf32, #tpu.memory_space<vmem_shared>>) dst(%arg13 : memref<200x32xf32, #tpu.memory_space<vmem>>)
    %dma_start3A_140 = arith.constant 44 : i32
    %dma_start3A_141 = arith.constant 0 : i32
    %dma_start3A_142 = tpu.memref_slice %arg8[%dma_start3A_140, %dma_start3A_141] : memref<50x200xi32, #tpu.memory_space<vmem>> -> memref<1x200xi32, #tpu.memory_space<vmem>>
    %dma_start3A_143 = tpu.memref_squeeze %dma_start3A_142 : memref<1x200xi32, #tpu.memory_space<vmem>> -> memref<200xi32, #tpu.memory_space<vmem>>
    %dma_start3A_144 = arith.constant 0 : i32
    %dma_start3A_145 = arith.constant 0 : i32
    %dma_start3A_146 = tpu.memref_slice %arg39[%dma_start3A_144, %dma_start3A_145] : memref<10000x32xf32, #tpu.memory_space<vmem_shared>> -> memref<10000x32xf32, #tpu.memory_space<vmem_shared>>
    tpu.enqueue_indirect_dma source(%arg13 : memref<200x32xf32, #tpu.memory_space<vmem>>) target(%dma_start3A_146 : memref<10000x32xf32, #tpu.memory_space<vmem_shared>>) offsets(%dma_start3A_143 : memref<200xi32, #tpu.memory_space<vmem>>) semaphore(%arg33 : memref<!tpu.dma_semaphore, #tpu.memory_space<semaphore_mem>>) {add = true}
    %dma_wait3A_147 = arith.constant 45 : i32
    %dma_wait3A_148 = arith.constant 0 : i32
    %dma_wait3A_149 = tpu.memref_slice %arg7[%dma_wait3A_147, %dma_wait3A_148] : memref<50x200xi32, #tpu.memory_space<vmem>> -> memref<1x200xi32, #tpu.memory_space<vmem>>
    %dma_wait3A_150 = tpu.memref_squeeze %dma_wait3A_149 : memref<1x200xi32, #tpu.memory_space<vmem>> -> memref<200xi32, #tpu.memory_space<vmem>>
    %dma_wait3A_151 = arith.constant 0 : i32
    %dma_wait3A_152 = arith.constant 0 : i32
    %dma_wait3A_153 = tpu.memref_slice %arg40[%dma_wait3A_151, %dma_wait3A_152] : memref<10000x32xf32, #tpu.memory_space<vmem_shared>> -> memref<10000x32xf32, #tpu.memory_space<vmem_shared>>
    tpu.wait_indirect_dma semaphore(%arg24 : memref<!tpu.dma_semaphore, #tpu.memory_space<semaphore_mem>>) src(%dma_wait3A_153 : memref<10000x32xf32, #tpu.memory_space<vmem_shared>>) dst(%arg14 : memref<200x32xf32, #tpu.memory_space<vmem>>)
    %dma_start3A_154 = arith.constant 45 : i32
    %dma_start3A_155 = arith.constant 0 : i32
    %dma_start3A_156 = tpu.memref_slice %arg8[%dma_start3A_154, %dma_start3A_155] : memref<50x200xi32, #tpu.memory_space<vmem>> -> memref<1x200xi32, #tpu.memory_space<vmem>>
    %dma_start3A_157 = tpu.memref_squeeze %dma_start3A_156 : memref<1x200xi32, #tpu.memory_space<vmem>> -> memref<200xi32, #tpu.memory_space<vmem>>
    %dma_start3A_158 = arith.constant 0 : i32
    %dma_start3A_159 = arith.constant 0 : i32
    %dma_start3A_160 = tpu.memref_slice %arg39[%dma_start3A_158, %dma_start3A_159] : memref<10000x32xf32, #tpu.memory_space<vmem_shared>> -> memref<10000x32xf32, #tpu.memory_space<vmem_shared>>
    tpu.enqueue_indirect_dma source(%arg14 : memref<200x32xf32, #tpu.memory_space<vmem>>) target(%dma_start3A_160 : memref<10000x32xf32, #tpu.memory_space<vmem_shared>>) offsets(%dma_start3A_157 : memref<200xi32, #tpu.memory_space<vmem>>) semaphore(%arg34 : memref<!tpu.dma_semaphore, #tpu.memory_space<semaphore_mem>>) {add = true}
    %dma_wait3A_161 = arith.constant 46 : i32
    %dma_wait3A_162 = arith.constant 0 : i32
    %dma_wait3A_163 = tpu.memref_slice %arg7[%dma_wait3A_161, %dma_wait3A_162] : memref<50x200xi32, #tpu.memory_space<vmem>> -> memref<1x200xi32, #tpu.memory_space<vmem>>
    %dma_wait3A_164 = tpu.memref_squeeze %dma_wait3A_163 : memref<1x200xi32, #tpu.memory_space<vmem>> -> memref<200xi32, #tpu.memory_space<vmem>>
    %dma_wait3A_165 = arith.constant 0 : i32
    %dma_wait3A_166 = arith.constant 0 : i32
    %dma_wait3A_167 = tpu.memref_slice %arg40[%dma_wait3A_165, %dma_wait3A_166] : memref<10000x32xf32, #tpu.memory_space<vmem_shared>> -> memref<10000x32xf32, #tpu.memory_space<vmem_shared>>
    tpu.wait_indirect_dma semaphore(%arg25 : memref<!tpu.dma_semaphore, #tpu.memory_space<semaphore_mem>>) src(%dma_wait3A_167 : memref<10000x32xf32, #tpu.memory_space<vmem_shared>>) dst(%arg15 : memref<200x32xf32, #tpu.memory_space<vmem>>)
    %dma_start3A_168 = arith.constant 46 : i32
    %dma_start3A_169 = arith.constant 0 : i32
    %dma_start3A_170 = tpu.memref_slice %arg8[%dma_start3A_168, %dma_start3A_169] : memref<50x200xi32, #tpu.memory_space<vmem>> -> memref<1x200xi32, #tpu.memory_space<vmem>>
    %dma_start3A_171 = tpu.memref_squeeze %dma_start3A_170 : memref<1x200xi32, #tpu.memory_space<vmem>> -> memref<200xi32, #tpu.memory_space<vmem>>
    %dma_start3A_172 = arith.constant 0 : i32
    %dma_start3A_173 = arith.constant 0 : i32
    %dma_start3A_174 = tpu.memref_slice %arg39[%dma_start3A_172, %dma_start3A_173] : memref<10000x32xf32, #tpu.memory_space<vmem_shared>> -> memref<10000x32xf32, #tpu.memory_space<vmem_shared>>
    tpu.enqueue_indirect_dma source(%arg15 : memref<200x32xf32, #tpu.memory_space<vmem>>) target(%dma_start3A_174 : memref<10000x32xf32, #tpu.memory_space<vmem_shared>>) offsets(%dma_start3A_171 : memref<200xi32, #tpu.memory_space<vmem>>) semaphore(%arg35 : memref<!tpu.dma_semaphore, #tpu.memory_space<semaphore_mem>>) {add = true}
    %dma_wait3A_175 = arith.constant 47 : i32
    %dma_wait3A_176 = arith.constant 0 : i32
    %dma_wait3A_177 = tpu.memref_slice %arg7[%dma_wait3A_175, %dma_wait3A_176] : memref<50x200xi32, #tpu.memory_space<vmem>> -> memref<1x200xi32, #tpu.memory_space<vmem>>
    %dma_wait3A_178 = tpu.memref_squeeze %dma_wait3A_177 : memref<1x200xi32, #tpu.memory_space<vmem>> -> memref<200xi32, #tpu.memory_space<vmem>>
    %dma_wait3A_179 = arith.constant 0 : i32
    %dma_wait3A_180 = arith.constant 0 : i32
    %dma_wait3A_181 = tpu.memref_slice %arg40[%dma_wait3A_179, %dma_wait3A_180] : memref<10000x32xf32, #tpu.memory_space<vmem_shared>> -> memref<10000x32xf32, #tpu.memory_space<vmem_shared>>
    tpu.wait_indirect_dma semaphore(%arg26 : memref<!tpu.dma_semaphore, #tpu.memory_space<semaphore_mem>>) src(%dma_wait3A_181 : memref<10000x32xf32, #tpu.memory_space<vmem_shared>>) dst(%arg16 : memref<200x32xf32, #tpu.memory_space<vmem>>)
    %dma_start3A_182 = arith.constant 47 : i32
    %dma_start3A_183 = arith.constant 0 : i32
    %dma_start3A_184 = tpu.memref_slice %arg8[%dma_start3A_182, %dma_start3A_183] : memref<50x200xi32, #tpu.memory_space<vmem>> -> memref<1x200xi32, #tpu.memory_space<vmem>>
    %dma_start3A_185 = tpu.memref_squeeze %dma_start3A_184 : memref<1x200xi32, #tpu.memory_space<vmem>> -> memref<200xi32, #tpu.memory_space<vmem>>
    %dma_start3A_186 = arith.constant 0 : i32
    %dma_start3A_187 = arith.constant 0 : i32
    %dma_start3A_188 = tpu.memref_slice %arg39[%dma_start3A_186, %dma_start3A_187] : memref<10000x32xf32, #tpu.memory_space<vmem_shared>> -> memref<10000x32xf32, #tpu.memory_space<vmem_shared>>
    tpu.enqueue_indirect_dma source(%arg16 : memref<200x32xf32, #tpu.memory_space<vmem>>) target(%dma_start3A_188 : memref<10000x32xf32, #tpu.memory_space<vmem_shared>>) offsets(%dma_start3A_185 : memref<200xi32, #tpu.memory_space<vmem>>) semaphore(%arg36 : memref<!tpu.dma_semaphore, #tpu.memory_space<semaphore_mem>>) {add = true}
    %dma_wait3A_189 = arith.constant 48 : i32
    %dma_wait3A_190 = arith.constant 0 : i32
    %dma_wait3A_191 = tpu.memref_slice %arg7[%dma_wait3A_189, %dma_wait3A_190] : memref<50x200xi32, #tpu.memory_space<vmem>> -> memref<1x200xi32, #tpu.memory_space<vmem>>
    %dma_wait3A_192 = tpu.memref_squeeze %dma_wait3A_191 : memref<1x200xi32, #tpu.memory_space<vmem>> -> memref<200xi32, #tpu.memory_space<vmem>>
    %dma_wait3A_193 = arith.constant 0 : i32
    %dma_wait3A_194 = arith.constant 0 : i32
    %dma_wait3A_195 = tpu.memref_slice %arg40[%dma_wait3A_193, %dma_wait3A_194] : memref<10000x32xf32, #tpu.memory_space<vmem_shared>> -> memref<10000x32xf32, #tpu.memory_space<vmem_shared>>
    tpu.wait_indirect_dma semaphore(%arg27 : memref<!tpu.dma_semaphore, #tpu.memory_space<semaphore_mem>>) src(%dma_wait3A_195 : memref<10000x32xf32, #tpu.memory_space<vmem_shared>>) dst(%arg17 : memref<200x32xf32, #tpu.memory_space<vmem>>)
    %dma_start3A_196 = arith.constant 48 : i32
    %dma_start3A_197 = arith.constant 0 : i32
    %dma_start3A_198 = tpu.memref_slice %arg8[%dma_start3A_196, %dma_start3A_197] : memref<50x200xi32, #tpu.memory_space<vmem>> -> memref<1x200xi32, #tpu.memory_space<vmem>>
    %dma_start3A_199 = tpu.memref_squeeze %dma_start3A_198 : memref<1x200xi32, #tpu.memory_space<vmem>> -> memref<200xi32, #tpu.memory_space<vmem>>
    %dma_start3A_200 = arith.constant 0 : i32
    %dma_start3A_201 = arith.constant 0 : i32
    %dma_start3A_202 = tpu.memref_slice %arg39[%dma_start3A_200, %dma_start3A_201] : memref<10000x32xf32, #tpu.memory_space<vmem_shared>> -> memref<10000x32xf32, #tpu.memory_space<vmem_shared>>
    tpu.enqueue_indirect_dma source(%arg17 : memref<200x32xf32, #tpu.memory_space<vmem>>) target(%dma_start3A_202 : memref<10000x32xf32, #tpu.memory_space<vmem_shared>>) offsets(%dma_start3A_199 : memref<200xi32, #tpu.memory_space<vmem>>) semaphore(%arg37 : memref<!tpu.dma_semaphore, #tpu.memory_space<semaphore_mem>>) {add = true}
    %dma_wait3A_203 = arith.constant 49 : i32
    %dma_wait3A_204 = arith.constant 0 : i32
    %dma_wait3A_205 = tpu.memref_slice %arg7[%dma_wait3A_203, %dma_wait3A_204] : memref<50x200xi32, #tpu.memory_space<vmem>> -> memref<1x200xi32, #tpu.memory_space<vmem>>
    %dma_wait3A_206 = tpu.memref_squeeze %dma_wait3A_205 : memref<1x200xi32, #tpu.memory_space<vmem>> -> memref<200xi32, #tpu.memory_space<vmem>>
    %dma_wait3A_207 = arith.constant 0 : i32
    %dma_wait3A_208 = arith.constant 0 : i32
    %dma_wait3A_209 = tpu.memref_slice %arg40[%dma_wait3A_207, %dma_wait3A_208] : memref<10000x32xf32, #tpu.memory_space<vmem_shared>> -> memref<10000x32xf32, #tpu.memory_space<vmem_shared>>
    tpu.wait_indirect_dma semaphore(%arg28 : memref<!tpu.dma_semaphore, #tpu.memory_space<semaphore_mem>>) src(%dma_wait3A_209 : memref<10000x32xf32, #tpu.memory_space<vmem_shared>>) dst(%arg18 : memref<200x32xf32, #tpu.memory_space<vmem>>)
    %dma_start3A_210 = arith.constant 49 : i32
    %dma_start3A_211 = arith.constant 0 : i32
    %dma_start3A_212 = tpu.memref_slice %arg8[%dma_start3A_210, %dma_start3A_211] : memref<50x200xi32, #tpu.memory_space<vmem>> -> memref<1x200xi32, #tpu.memory_space<vmem>>
    %dma_start3A_213 = tpu.memref_squeeze %dma_start3A_212 : memref<1x200xi32, #tpu.memory_space<vmem>> -> memref<200xi32, #tpu.memory_space<vmem>>
    %dma_start3A_214 = arith.constant 0 : i32
    %dma_start3A_215 = arith.constant 0 : i32
    %dma_start3A_216 = tpu.memref_slice %arg39[%dma_start3A_214, %dma_start3A_215] : memref<10000x32xf32, #tpu.memory_space<vmem_shared>> -> memref<10000x32xf32, #tpu.memory_space<vmem_shared>>
    tpu.enqueue_indirect_dma source(%arg18 : memref<200x32xf32, #tpu.memory_space<vmem>>) target(%dma_start3A_216 : memref<10000x32xf32, #tpu.memory_space<vmem_shared>>) offsets(%dma_start3A_213 : memref<200xi32, #tpu.memory_space<vmem>>) semaphore(%arg38 : memref<!tpu.dma_semaphore, #tpu.memory_space<semaphore_mem>>) {add = true}
    %dma_wait3A_217 = arith.constant 40 : i32
    %dma_wait3A_218 = arith.constant 0 : i32
    %dma_wait3A_219 = tpu.memref_slice %arg8[%dma_wait3A_217, %dma_wait3A_218] : memref<50x200xi32, #tpu.memory_space<vmem>> -> memref<1x200xi32, #tpu.memory_space<vmem>>
    %dma_wait3A_220 = tpu.memref_squeeze %dma_wait3A_219 : memref<1x200xi32, #tpu.memory_space<vmem>> -> memref<200xi32, #tpu.memory_space<vmem>>
    %dma_wait3A_221 = arith.constant 0 : i32
    %dma_wait3A_222 = arith.constant 0 : i32
    %dma_wait3A_223 = tpu.memref_slice %arg39[%dma_wait3A_221, %dma_wait3A_222] : memref<10000x32xf32, #tpu.memory_space<vmem_shared>> -> memref<10000x32xf32, #tpu.memory_space<vmem_shared>>
    tpu.wait_indirect_dma semaphore(%arg29 : memref<!tpu.dma_semaphore, #tpu.memory_space<semaphore_mem>>) src(%arg9 : memref<200x32xf32, #tpu.memory_space<vmem>>) dst(%dma_wait3A_223 : memref<10000x32xf32, #tpu.memory_space<vmem_shared>>)
    %dma_wait3A_224 = arith.constant 41 : i32
    %dma_wait3A_225 = arith.constant 0 : i32
    %dma_wait3A_226 = tpu.memref_slice %arg8[%dma_wait3A_224, %dma_wait3A_225] : memref<50x200xi32, #tpu.memory_space<vmem>> -> memref<1x200xi32, #tpu.memory_space<vmem>>
    %dma_wait3A_227 = tpu.memref_squeeze %dma_wait3A_226 : memref<1x200xi32, #tpu.memory_space<vmem>> -> memref<200xi32, #tpu.memory_space<vmem>>
    %dma_wait3A_228 = arith.constant 0 : i32
    %dma_wait3A_229 = arith.constant 0 : i32
    %dma_wait3A_230 = tpu.memref_slice %arg39[%dma_wait3A_228, %dma_wait3A_229] : memref<10000x32xf32, #tpu.memory_space<vmem_shared>> -> memref<10000x32xf32, #tpu.memory_space<vmem_shared>>
    tpu.wait_indirect_dma semaphore(%arg30 : memref<!tpu.dma_semaphore, #tpu.memory_space<semaphore_mem>>) src(%arg10 : memref<200x32xf32, #tpu.memory_space<vmem>>) dst(%dma_wait3A_230 : memref<10000x32xf32, #tpu.memory_space<vmem_shared>>)
    %dma_wait3A_231 = arith.constant 42 : i32
    %dma_wait3A_232 = arith.constant 0 : i32
    %dma_wait3A_233 = tpu.memref_slice %arg8[%dma_wait3A_231, %dma_wait3A_232] : memref<50x200xi32, #tpu.memory_space<vmem>> -> memref<1x200xi32, #tpu.memory_space<vmem>>
    %dma_wait3A_234 = tpu.memref_squeeze %dma_wait3A_233 : memref<1x200xi32, #tpu.memory_space<vmem>> -> memref<200xi32, #tpu.memory_space<vmem>>
    %dma_wait3A_235 = arith.constant 0 : i32
    %dma_wait3A_236 = arith.constant 0 : i32
    %dma_wait3A_237 = tpu.memref_slice %arg39[%dma_wait3A_235, %dma_wait3A_236] : memref<10000x32xf32, #tpu.memory_space<vmem_shared>> -> memref<10000x32xf32, #tpu.memory_space<vmem_shared>>
    tpu.wait_indirect_dma semaphore(%arg31 : memref<!tpu.dma_semaphore, #tpu.memory_space<semaphore_mem>>) src(%arg11 : memref<200x32xf32, #tpu.memory_space<vmem>>) dst(%dma_wait3A_237 : memref<10000x32xf32, #tpu.memory_space<vmem_shared>>)
    %dma_wait3A_238 = arith.constant 43 : i32
    %dma_wait3A_239 = arith.constant 0 : i32
    %dma_wait3A_240 = tpu.memref_slice %arg8[%dma_wait3A_238, %dma_wait3A_239] : memref<50x200xi32, #tpu.memory_space<vmem>> -> memref<1x200xi32, #tpu.memory_space<vmem>>
    %dma_wait3A_241 = tpu.memref_squeeze %dma_wait3A_240 : memref<1x200xi32, #tpu.memory_space<vmem>> -> memref<200xi32, #tpu.memory_space<vmem>>
    %dma_wait3A_242 = arith.constant 0 : i32
    %dma_wait3A_243 = arith.constant 0 : i32
    %dma_wait3A_244 = tpu.memref_slice %arg39[%dma_wait3A_242, %dma_wait3A_243] : memref<10000x32xf32, #tpu.memory_space<vmem_shared>> -> memref<10000x32xf32, #tpu.memory_space<vmem_shared>>
    tpu.wait_indirect_dma semaphore(%arg32 : memref<!tpu.dma_semaphore, #tpu.memory_space<semaphore_mem>>) src(%arg12 : memref<200x32xf32, #tpu.memory_space<vmem>>) dst(%dma_wait3A_244 : memref<10000x32xf32, #tpu.memory_space<vmem_shared>>)
    %dma_wait3A_245 = arith.constant 44 : i32
    %dma_wait3A_246 = arith.constant 0 : i32
    %dma_wait3A_247 = tpu.memref_slice %arg8[%dma_wait3A_245, %dma_wait3A_246] : memref<50x200xi32, #tpu.memory_space<vmem>> -> memref<1x200xi32, #tpu.memory_space<vmem>>
    %dma_wait3A_248 = tpu.memref_squeeze %dma_wait3A_247 : memref<1x200xi32, #tpu.memory_space<vmem>> -> memref<200xi32, #tpu.memory_space<vmem>>
    %dma_wait3A_249 = arith.constant 0 : i32
    %dma_wait3A_250 = arith.constant 0 : i32
    %dma_wait3A_251 = tpu.memref_slice %arg39[%dma_wait3A_249, %dma_wait3A_250] : memref<10000x32xf32, #tpu.memory_space<vmem_shared>> -> memref<10000x32xf32, #tpu.memory_space<vmem_shared>>
    tpu.wait_indirect_dma semaphore(%arg33 : memref<!tpu.dma_semaphore, #tpu.memory_space<semaphore_mem>>) src(%arg13 : memref<200x32xf32, #tpu.memory_space<vmem>>) dst(%dma_wait3A_251 : memref<10000x32xf32, #tpu.memory_space<vmem_shared>>)
    %dma_wait3A_252 = arith.constant 45 : i32
    %dma_wait3A_253 = arith.constant 0 : i32
    %dma_wait3A_254 = tpu.memref_slice %arg8[%dma_wait3A_252, %dma_wait3A_253] : memref<50x200xi32, #tpu.memory_space<vmem>> -> memref<1x200xi32, #tpu.memory_space<vmem>>
    %dma_wait3A_255 = tpu.memref_squeeze %dma_wait3A_254 : memref<1x200xi32, #tpu.memory_space<vmem>> -> memref<200xi32, #tpu.memory_space<vmem>>
    %dma_wait3A_256 = arith.constant 0 : i32
    %dma_wait3A_257 = arith.constant 0 : i32
    %dma_wait3A_258 = tpu.memref_slice %arg39[%dma_wait3A_256, %dma_wait3A_257] : memref<10000x32xf32, #tpu.memory_space<vmem_shared>> -> memref<10000x32xf32, #tpu.memory_space<vmem_shared>>
    tpu.wait_indirect_dma semaphore(%arg34 : memref<!tpu.dma_semaphore, #tpu.memory_space<semaphore_mem>>) src(%arg14 : memref<200x32xf32, #tpu.memory_space<vmem>>) dst(%dma_wait3A_258 : memref<10000x32xf32, #tpu.memory_space<vmem_shared>>)
    %dma_wait3A_259 = arith.constant 46 : i32
    %dma_wait3A_260 = arith.constant 0 : i32
    %dma_wait3A_261 = tpu.memref_slice %arg8[%dma_wait3A_259, %dma_wait3A_260] : memref<50x200xi32, #tpu.memory_space<vmem>> -> memref<1x200xi32, #tpu.memory_space<vmem>>
    %dma_wait3A_262 = tpu.memref_squeeze %dma_wait3A_261 : memref<1x200xi32, #tpu.memory_space<vmem>> -> memref<200xi32, #tpu.memory_space<vmem>>
    %dma_wait3A_263 = arith.constant 0 : i32
    %dma_wait3A_264 = arith.constant 0 : i32
    %dma_wait3A_265 = tpu.memref_slice %arg39[%dma_wait3A_263, %dma_wait3A_264] : memref<10000x32xf32, #tpu.memory_space<vmem_shared>> -> memref<10000x32xf32, #tpu.memory_space<vmem_shared>>
    tpu.wait_indirect_dma semaphore(%arg35 : memref<!tpu.dma_semaphore, #tpu.memory_space<semaphore_mem>>) src(%arg15 : memref<200x32xf32, #tpu.memory_space<vmem>>) dst(%dma_wait3A_265 : memref<10000x32xf32, #tpu.memory_space<vmem_shared>>)
    %dma_wait3A_266 = arith.constant 47 : i32
    %dma_wait3A_267 = arith.constant 0 : i32
    %dma_wait3A_268 = tpu.memref_slice %arg8[%dma_wait3A_266, %dma_wait3A_267] : memref<50x200xi32, #tpu.memory_space<vmem>> -> memref<1x200xi32, #tpu.memory_space<vmem>>
    %dma_wait3A_269 = tpu.memref_squeeze %dma_wait3A_268 : memref<1x200xi32, #tpu.memory_space<vmem>> -> memref<200xi32, #tpu.memory_space<vmem>>
    %dma_wait3A_270 = arith.constant 0 : i32
    %dma_wait3A_271 = arith.constant 0 : i32
    %dma_wait3A_272 = tpu.memref_slice %arg39[%dma_wait3A_270, %dma_wait3A_271] : memref<10000x32xf32, #tpu.memory_space<vmem_shared>> -> memref<10000x32xf32, #tpu.memory_space<vmem_shared>>
    tpu.wait_indirect_dma semaphore(%arg36 : memref<!tpu.dma_semaphore, #tpu.memory_space<semaphore_mem>>) src(%arg16 : memref<200x32xf32, #tpu.memory_space<vmem>>) dst(%dma_wait3A_272 : memref<10000x32xf32, #tpu.memory_space<vmem_shared>>)
    %dma_wait3A_273 = arith.constant 48 : i32
    %dma_wait3A_274 = arith.constant 0 : i32
    %dma_wait3A_275 = tpu.memref_slice %arg8[%dma_wait3A_273, %dma_wait3A_274] : memref<50x200xi32, #tpu.memory_space<vmem>> -> memref<1x200xi32, #tpu.memory_space<vmem>>
    %dma_wait3A_276 = tpu.memref_squeeze %dma_wait3A_275 : memref<1x200xi32, #tpu.memory_space<vmem>> -> memref<200xi32, #tpu.memory_space<vmem>>
    %dma_wait3A_277 = arith.constant 0 : i32
    %dma_wait3A_278 = arith.constant 0 : i32
    %dma_wait3A_279 = tpu.memref_slice %arg39[%dma_wait3A_277, %dma_wait3A_278] : memref<10000x32xf32, #tpu.memory_space<vmem_shared>> -> memref<10000x32xf32, #tpu.memory_space<vmem_shared>>
    tpu.wait_indirect_dma semaphore(%arg37 : memref<!tpu.dma_semaphore, #tpu.memory_space<semaphore_mem>>) src(%arg17 : memref<200x32xf32, #tpu.memory_space<vmem>>) dst(%dma_wait3A_279 : memref<10000x32xf32, #tpu.memory_space<vmem_shared>>)
    %dma_wait3A_280 = arith.constant 49 : i32
    %dma_wait3A_281 = arith.constant 0 : i32
    %dma_wait3A_282 = tpu.memref_slice %arg8[%dma_wait3A_280, %dma_wait3A_281] : memref<50x200xi32, #tpu.memory_space<vmem>> -> memref<1x200xi32, #tpu.memory_space<vmem>>
    %dma_wait3A_283 = tpu.memref_squeeze %dma_wait3A_282 : memref<1x200xi32, #tpu.memory_space<vmem>> -> memref<200xi32, #tpu.memory_space<vmem>>
    %dma_wait3A_284 = arith.constant 0 : i32
    %dma_wait3A_285 = arith.constant 0 : i32
    %dma_wait3A_286 = tpu.memref_slice %arg39[%dma_wait3A_284, %dma_wait3A_285] : memref<10000x32xf32, #tpu.memory_space<vmem_shared>> -> memref<10000x32xf32, #tpu.memory_space<vmem_shared>>
    tpu.wait_indirect_dma semaphore(%arg38 : memref<!tpu.dma_semaphore, #tpu.memory_space<semaphore_mem>>) src(%arg18 : memref<200x32xf32, #tpu.memory_space<vmem>>) dst(%dma_wait3A_286 : memref<10000x32xf32, #tpu.memory_space<vmem_shared>>)
    %barrier3A_287 = arith.constant 0 : index
    tpu.barrier barrier_id(%barrier3A_287)
    "tpu.region"() ({
      %run_scoped3A = tpu.sem_alloc : memref<!tpu.dma_semaphore, #tpu.memory_space<semaphore_mem>>
      %dma_start3A_288 = arith.constant 0 : i32
      %dma_start3A_289 = tpu.memref_slice %arg6[%arg0, %mul3A_2, %dma_start3A_288] : memref<2x10000x32xf32, #tpu.memory_space<hbm>> -> memref<1x625x32xf32, #tpu.memory_space<hbm>>
      %dma_start3A_290 = tpu.memref_squeeze %dma_start3A_289 : memref<1x625x32xf32, #tpu.memory_space<hbm>> -> memref<625x32xf32, #tpu.memory_space<hbm>>
      %dma_start3A_291 = arith.constant 0 : i32
      %dma_start3A_292 = tpu.memref_slice %arg39[%mul3A_2, %dma_start3A_291] : memref<10000x32xf32, #tpu.memory_space<vmem_shared>> -> memref<625x32xf32, #tpu.memory_space<vmem_shared>>
      tpu.enqueue_dma source(%dma_start3A_292 : memref<625x32xf32, #tpu.memory_space<vmem_shared>>) target(%dma_start3A_290 : memref<625x32xf32, #tpu.memory_space<hbm>>) target_semaphore(%run_scoped3A : memref<!tpu.dma_semaphore, #tpu.memory_space<semaphore_mem>>)
      %dma_wait3A_293 = arith.constant 0 : i32
      %dma_wait3A_294 = tpu.memref_slice %arg6[%arg0, %mul3A_2, %dma_wait3A_293] : memref<2x10000x32xf32, #tpu.memory_space<hbm>> -> memref<1x625x32xf32, #tpu.memory_space<hbm>>
      %dma_wait3A_295 = tpu.memref_squeeze %dma_wait3A_294 : memref<1x625x32xf32, #tpu.memory_space<hbm>> -> memref<625x32xf32, #tpu.memory_space<hbm>>
      %dma_wait3A_296 = arith.constant 0 : i32
      %dma_wait3A_297 = tpu.memref_slice %arg39[%mul3A_2, %dma_wait3A_296] : memref<10000x32xf32, #tpu.memory_space<vmem_shared>> -> memref<625x32xf32, #tpu.memory_space<vmem_shared>>
      tpu.wait_dma2 semaphore(%run_scoped3A : memref<!tpu.dma_semaphore, #tpu.memory_space<semaphore_mem>>) src(%dma_wait3A_297 : memref<625x32xf32, #tpu.memory_space<vmem_shared>>) dst(%dma_wait3A_295 : memref<625x32xf32, #tpu.memory_space<hbm>>)
      tpu.yield
    }) : () -> ()
    return
  }
}

#map = affine_map<(d0, d1) -> (0, 0)>
module attributes {stable_mosaic.version = 14 : i64} {
  func.func @_sc_degree(%arg0: i32, %arg1: i32, %arg2: memref<32x10000xi32, #tpu.memory_space<hbm>>, %arg3: memref<32x10000xf32, #tpu.memory_space<hbm>>, %arg4: memref<10000xi32, #tpu.memory_space<vmem>>, %arg5: memref<10000xf32, #tpu.memory_space<vmem>>) attributes {dimension_semantics = [#tpu.dimension_semantics<core_parallel>, #tpu.dimension_semantics<subcore_parallel>], iteration_bounds = array<i64: 2, 16>, scalar_prefetch = 0 : i64, scratch_operands = 2 : i64, tpu.core_type = #tpu.core_type<sc_vector_subcore>, window_params = [{transform_indices = #map}, {transform_indices = #map}]} {
    %mul3A = arith.constant 16 : i32
    %mul3A_0 = arith.muli %arg0, %mul3A : i32
    %add3A = arith.addi %mul3A_0, %arg1 : i32
    %scan3A = arith.constant 0 : i32
    %scan3A_1 = arith.constant 0 : i32
    %scan3A_2 = arith.constant 625 : i32
    %scan3A_3 = arith.addi %scan3A_1, %scan3A_2 : i32
    %scan3A_4 = arith.constant 1 : i32
    %scan3A_5 = scf.for %scan3A_15 = %scan3A_1 to %scan3A_3 step %scan3A_4 iter_args(%scan3A_16 = %scan3A) -> (i32)  : i32 {
      %broadcast_in_dim3A_17 = arith.constant 0.000000e+00 : f32
      %broadcast_in_dim3A_18 = vector.broadcast %broadcast_in_dim3A_17 : f32 to vector<16xf32>
      %mul3A_19 = arith.constant 16 : i32
      %mul3A_20 = arith.muli %scan3A_15, %mul3A_19 : i32
      %swap3A = arith.index_cast %mul3A_20 : i32 to index
      %swap3A_21 = tpu.vector_load %arg5[%swap3A] {strides = array<i32>} : memref<10000xf32, #tpu.memory_space<vmem>>, vector<16xf32>,
      tpu.vector_store %arg5[%swap3A], %broadcast_in_dim3A_18 {strides = array<i32>} : memref<10000xf32, #tpu.memory_space<vmem>>, vector<16xf32>,
      %scan3A_22 = arith.constant 0 : i32
      scf.yield %scan3A_22 : i32
    }
    %scan3A_6 = arith.constant 625 : i32
    "tpu.region"() ({
      %run_scoped3A = tpu.sem_alloc : memref<!tpu.dma_semaphore, #tpu.memory_space<semaphore_mem>>
      %dma_start3A = arith.constant 0 : i32
      %dma_start3A_15 = tpu.memref_slice %arg2[%add3A, %dma_start3A] : memref<32x10000xi32, #tpu.memory_space<hbm>> -> memref<1x10000xi32, #tpu.memory_space<hbm>>
      %dma_start3A_16 = tpu.memref_squeeze %dma_start3A_15 : memref<1x10000xi32, #tpu.memory_space<hbm>> -> memref<10000xi32, #tpu.memory_space<hbm>>
      %dma_start3A_17 = arith.constant 0 : i32
      %dma_start3A_18 = tpu.memref_slice %arg2[%add3A, %dma_start3A_17] : memref<32x10000xi32, #tpu.memory_space<hbm>> -> memref<1x10000xi32, #tpu.memory_space<hbm>>
      %dma_start3A_19 = tpu.memref_squeeze %dma_start3A_18 : memref<1x10000xi32, #tpu.memory_space<hbm>> -> memref<10000xi32, #tpu.memory_space<hbm>>
      tpu.enqueue_dma source(%dma_start3A_19 : memref<10000xi32, #tpu.memory_space<hbm>>) target(%arg4 : memref<10000xi32, #tpu.memory_space<vmem>>) target_semaphore(%run_scoped3A : memref<!tpu.dma_semaphore, #tpu.memory_space<semaphore_mem>>)
      %dma_wait3A = arith.constant 0 : i32
      %dma_wait3A_20 = tpu.memref_slice %arg2[%add3A, %dma_wait3A] : memref<32x10000xi32, #tpu.memory_space<hbm>> -> memref<1x10000xi32, #tpu.memory_space<hbm>>
      %dma_wait3A_21 = tpu.memref_squeeze %dma_wait3A_20 : memref<1x10000xi32, #tpu.memory_space<hbm>> -> memref<10000xi32, #tpu.memory_space<hbm>>
      %dma_wait3A_22 = arith.constant 0 : i32
      %dma_wait3A_23 = tpu.memref_slice %arg2[%add3A, %dma_wait3A_22] : memref<32x10000xi32, #tpu.memory_space<hbm>> -> memref<1x10000xi32, #tpu.memory_space<hbm>>
      %dma_wait3A_24 = tpu.memref_squeeze %dma_wait3A_23 : memref<1x10000xi32, #tpu.memory_space<hbm>> -> memref<10000xi32, #tpu.memory_space<hbm>>
      tpu.wait_dma2 semaphore(%run_scoped3A : memref<!tpu.dma_semaphore, #tpu.memory_space<semaphore_mem>>) src(%dma_wait3A_24 : memref<10000xi32, #tpu.memory_space<hbm>>) dst(%arg4 : memref<10000xi32, #tpu.memory_space<vmem>>)
      tpu.yield
    }) : () -> ()
    %broadcast_in_dim3A = arith.constant 1.000000e+00 : f32
    %broadcast_in_dim3A_7 = vector.broadcast %broadcast_in_dim3A : f32 to vector<16xf32>
    %scan3A_8 = arith.constant 0 : i32
    %scan3A_9 = arith.constant 0 : i32
    %scan3A_10 = arith.constant 625 : i32
    %scan3A_11 = arith.addi %scan3A_9, %scan3A_10 : i32
    %scan3A_12 = arith.constant 1 : i32
    %scan3A_13 = scf.for %scan3A_15 = %scan3A_9 to %scan3A_11 step %scan3A_12 iter_args(%scan3A_16 = %scan3A_8) -> (i32)  : i32 {
      %mul3A_17 = arith.constant 16 : i32
      %mul3A_18 = arith.muli %scan3A_15, %mul3A_17 : i32
      %get3A = arith.index_cast %mul3A_18 : i32 to index
      %get3A_19 = tpu.vector_load %arg4[%get3A] {strides = array<i32>} : memref<10000xi32, #tpu.memory_space<vmem>>, vector<16xi32>,
      tpu.vector_store_idx %arg5[%get3A_19], %broadcast_in_dim3A_7 {add = true} : memref<10000xf32, #tpu.memory_space<vmem>>[vector<16xi32>], vector<16xf32>,
      %scan3A_20 = arith.constant 0 : i32
      scf.yield %scan3A_20 : i32
    }
    %scan3A_14 = arith.constant 625 : i32
    "tpu.region"() ({
      %run_scoped3A = tpu.sem_alloc : memref<!tpu.dma_semaphore, #tpu.memory_space<semaphore_mem>>
      %dma_start3A = arith.constant 0 : i32
      %dma_start3A_15 = tpu.memref_slice %arg3[%add3A, %dma_start3A] : memref<32x10000xf32, #tpu.memory_space<hbm>> -> memref<1x10000xf32, #tpu.memory_space<hbm>>
      %dma_start3A_16 = tpu.memref_squeeze %dma_start3A_15 : memref<1x10000xf32, #tpu.memory_space<hbm>> -> memref<10000xf32, #tpu.memory_space<hbm>>
      %dma_start3A_17 = arith.constant 0 : i32
      %dma_start3A_18 = tpu.memref_slice %arg3[%add3A, %dma_start3A_17] : memref<32x10000xf32, #tpu.memory_space<hbm>> -> memref<1x10000xf32, #tpu.memory_space<hbm>>
      %dma_start3A_19 = tpu.memref_squeeze %dma_start3A_18 : memref<1x10000xf32, #tpu.memory_space<hbm>> -> memref<10000xf32, #tpu.memory_space<hbm>>
      tpu.enqueue_dma source(%arg5 : memref<10000xf32, #tpu.memory_space<vmem>>) target(%dma_start3A_19 : memref<10000xf32, #tpu.memory_space<hbm>>) target_semaphore(%run_scoped3A : memref<!tpu.dma_semaphore, #tpu.memory_space<semaphore_mem>>)
      %dma_wait3A = arith.constant 0 : i32
      %dma_wait3A_20 = tpu.memref_slice %arg3[%add3A, %dma_wait3A] : memref<32x10000xf32, #tpu.memory_space<hbm>> -> memref<1x10000xf32, #tpu.memory_space<hbm>>
      %dma_wait3A_21 = tpu.memref_squeeze %dma_wait3A_20 : memref<1x10000xf32, #tpu.memory_space<hbm>> -> memref<10000xf32, #tpu.memory_space<hbm>>
      %dma_wait3A_22 = arith.constant 0 : i32
      %dma_wait3A_23 = tpu.memref_slice %arg3[%add3A, %dma_wait3A_22] : memref<32x10000xf32, #tpu.memory_space<hbm>> -> memref<1x10000xf32, #tpu.memory_space<hbm>>
      %dma_wait3A_24 = tpu.memref_squeeze %dma_wait3A_23 : memref<1x10000xf32, #tpu.memory_space<hbm>> -> memref<10000xf32, #tpu.memory_space<hbm>>
      tpu.wait_dma2 semaphore(%run_scoped3A : memref<!tpu.dma_semaphore, #tpu.memory_space<semaphore_mem>>) src(%arg5 : memref<10000xf32, #tpu.memory_space<vmem>>) dst(%dma_wait3A_24 : memref<10000xf32, #tpu.memory_space<hbm>>)
      tpu.yield
    }) : () -> ()
    return
  }
}

module attributes {stable_mosaic.version = 14 : i64} {
  func.func @_tc_prepare1_body(%arg0: memref<32x10000xf32, #tpu.memory_space<vmem>>, %arg1: memref<10000x128xf32, #tpu.memory_space<vmem>>, %arg2: memref<128x32xf32, #tpu.memory_space<vmem>>, %arg3: memref<10000x32xf32, #tpu.memory_space<vmem>>, %arg4: memref<10000x1xf32, #tpu.memory_space<vmem>>) attributes {dimension_semantics = [], scalar_prefetch = 0 : i64, scratch_operands = 0 : i64, tpu.core_type = #tpu.core_type<tc>} {
    %get3A = arith.constant 0 : index
    %get3A_0 = arith.constant 0 : index
    %get3A_1 = vector.load %arg0[%get3A, %get3A_0] : memref<32x10000xf32, #tpu.memory_space<vmem>>, vector<32x10000xf32>
    %reduce_sum3A = arith.constant dense<0.000000e+00> : vector<10000xf32>
    %reduce_sum3A_2 = vector.multi_reduction <add>, %get3A_1, %reduce_sum3A [0] : vector<32x10000xf32> to vector<10000xf32>
    %add3A = arith.constant 1.000000e+00 : f32
    %add3A_3 = vector.broadcast %add3A : f32 to vector<10000xf32>
    %add3A_4 = arith.addf %add3A_3, %reduce_sum3A_2 : vector<10000xf32>
    %rsqrt3A = math.rsqrt %add3A_4 : vector<10000xf32>
    %get3A_5 = arith.constant 0 : index
    %get3A_6 = arith.constant 0 : index
    %get3A_7 = vector.load %arg1[%get3A_5, %get3A_6] : memref<10000x128xf32, #tpu.memory_space<vmem>>, vector<10000x128xf32>
    %get3A_8 = arith.constant 0 : index
    %get3A_9 = arith.constant 0 : index
    %get3A_10 = vector.load %arg2[%get3A_8, %get3A_9] : memref<128x32xf32, #tpu.memory_space<vmem>>, vector<128x32xf32>
    %dot_general3A = arith.constant dense<0.000000e+00> : vector<10000x32xf32>
    %dot_general3A_11 = tpu.matmul %get3A_7, %get3A_10, %dot_general3A {dimension_numbers = #tpu.dot_dimension_numbers<[1], [0], [0], [1], [0, 0, 1, 1], [], []>, transpose_lhs_hint = false} : vector<10000x128xf32>, vector<128x32xf32>, vector<10000x32xf32> -> vector<10000x32xf32>
    %broadcast_in_dim3A = vector.shape_cast %rsqrt3A : vector<10000xf32> to vector<10000x1xf32>
    %mul3A = vector.broadcast %broadcast_in_dim3A : vector<10000x1xf32> to vector<10000x32xf32>
    %mul3A_12 = arith.mulf %dot_general3A_11, %mul3A : vector<10000x32xf32>
    %swap3A = arith.constant 0 : index
    %swap3A_13 = arith.constant 0 : index
    %swap3A_14 = vector.load %arg3[%swap3A, %swap3A_13] : memref<10000x32xf32, #tpu.memory_space<vmem>>, vector<10000x32xf32>
    tpu.vector_store %arg3[%swap3A, %swap3A_13], %mul3A_12 {strides = array<i32>} : memref<10000x32xf32, #tpu.memory_space<vmem>>, vector<10000x32xf32>,
    %broadcast_in_dim3A_15 = vector.shape_cast %rsqrt3A : vector<10000xf32> to vector<10000x1xf32>
    %swap3A_16 = arith.constant 0 : index
    %swap3A_17 = arith.constant 0 : index
    %swap3A_18 = vector.load %arg4[%swap3A_16, %swap3A_17] : memref<10000x1xf32, #tpu.memory_space<vmem>>, vector<10000x1xf32>
    tpu.vector_store %arg4[%swap3A_16, %swap3A_17], %broadcast_in_dim3A_15 {strides = array<i32>} : memref<10000x1xf32, #tpu.memory_space<vmem>>, vector<10000x1xf32>,
    return
  }
}

module attributes {stable_mosaic.version = 14 : i64} {
  func.func @_tc_prepare2_body(%arg0: memref<2x10000x32xf32, #tpu.memory_space<vmem>>, %arg1: memref<10000x32xf32, #tpu.memory_space<vmem>>, %arg2: memref<10000x1xf32, #tpu.memory_space<vmem>>, %arg3: memref<32xf32, #tpu.memory_space<vmem>>, %arg4: memref<32x32xf32, #tpu.memory_space<vmem>>, %arg5: memref<10000x32xf32, #tpu.memory_space<vmem>>) attributes {dimension_semantics = [], scalar_prefetch = 0 : i64, scratch_operands = 0 : i64, tpu.core_type = #tpu.core_type<tc>} {
    %get3A = arith.constant 0 : index
    %get3A_0 = arith.constant 0 : index
    %get3A_1 = vector.load %arg2[%get3A, %get3A_0] : memref<10000x1xf32, #tpu.memory_space<vmem>>, vector<10000x1xf32>
    %get3A_2 = arith.constant 0 : index
    %get3A_3 = arith.constant 0 : index
    %get3A_4 = arith.constant 0 : index
    %get3A_5 = vector.load %arg0[%get3A_2, %get3A_3, %get3A_4] : memref<2x10000x32xf32, #tpu.memory_space<vmem>>, vector<1x10000x32xf32>
    %get3A_6 = vector.shape_cast %get3A_5 : vector<1x10000x32xf32> to vector<10000x32xf32>
    %get3A_7 = arith.constant 1 : index
    %get3A_8 = arith.constant 0 : index
    %get3A_9 = arith.constant 0 : index
    %get3A_10 = vector.load %arg0[%get3A_7, %get3A_8, %get3A_9] : memref<2x10000x32xf32, #tpu.memory_space<vmem>>, vector<1x10000x32xf32>
    %get3A_11 = vector.shape_cast %get3A_10 : vector<1x10000x32xf32> to vector<10000x32xf32>
    %add3A = arith.addf %get3A_6, %get3A_11 : vector<10000x32xf32>
    %get3A_12 = arith.constant 0 : index
    %get3A_13 = arith.constant 0 : index
    %get3A_14 = vector.load %arg1[%get3A_12, %get3A_13] : memref<10000x32xf32, #tpu.memory_space<vmem>>, vector<10000x32xf32>
    %add3A_15 = arith.addf %add3A, %get3A_14 : vector<10000x32xf32>
    %mul3A = vector.broadcast %get3A_1 : vector<10000x1xf32> to vector<10000x32xf32>
    %mul3A_16 = arith.mulf %add3A_15, %mul3A : vector<10000x32xf32>
    %get3A_17 = arith.constant 0 : index
    %get3A_18 = vector.load %arg3[%get3A_17] : memref<32xf32, #tpu.memory_space<vmem>>, vector<32xf32>
    %broadcast_in_dim3A = vector.shape_cast %get3A_18 : vector<32xf32> to vector<1x32xf32>
    %add3A_19 = vector.broadcast %broadcast_in_dim3A : vector<1x32xf32> to vector<10000x32xf32>
    %add3A_20 = arith.addf %mul3A_16, %add3A_19 : vector<10000x32xf32>
    %max3A = arith.constant 0.000000e+00 : f32
    %max3A_21 = vector.broadcast %max3A : f32 to vector<10000x32xf32>
    %max3A_22 = arith.maximumf %add3A_20, %max3A_21 : vector<10000x32xf32>
    %get3A_23 = arith.constant 0 : index
    %get3A_24 = arith.constant 0 : index
    %get3A_25 = vector.load %arg4[%get3A_23, %get3A_24] : memref<32x32xf32, #tpu.memory_space<vmem>>, vector<32x32xf32>
    %dot_general3A = arith.constant dense<0.000000e+00> : vector<10000x32xf32>
    %dot_general3A_26 = tpu.matmul %max3A_22, %get3A_25, %dot_general3A {dimension_numbers = #tpu.dot_dimension_numbers<[1], [0], [0], [1], [0, 0, 1, 1], [], []>, transpose_lhs_hint = false} : vector<10000x32xf32>, vector<32x32xf32>, vector<10000x32xf32> -> vector<10000x32xf32>
    %mul3A_27 = vector.broadcast %get3A_1 : vector<10000x1xf32> to vector<10000x32xf32>
    %mul3A_28 = arith.mulf %dot_general3A_26, %mul3A_27 : vector<10000x32xf32>
    %swap3A = arith.constant 0 : index
    %swap3A_29 = arith.constant 0 : index
    %swap3A_30 = vector.load %arg5[%swap3A, %swap3A_29] : memref<10000x32xf32, #tpu.memory_space<vmem>>, vector<10000x32xf32>
    tpu.vector_store %arg5[%swap3A, %swap3A_29], %mul3A_28 {strides = array<i32>} : memref<10000x32xf32, #tpu.memory_space<vmem>>, vector<10000x32xf32>,
    return
  }
}

module attributes {stable_mosaic.version = 14 : i64} {
  func.func @_tc_final_body(%arg0: memref<2x10000x32xf32, #tpu.memory_space<vmem>>, %arg1: memref<10000x32xf32, #tpu.memory_space<vmem>>, %arg2: memref<10000x1xf32, #tpu.memory_space<vmem>>, %arg3: memref<32xf32, #tpu.memory_space<vmem>>, %arg4: memref<10000x16xf32, #tpu.memory_space<vmem>>, %arg5: memref<10000x16xf32, #tpu.memory_space<vmem>>) attributes {dimension_semantics = [], scalar_prefetch = 0 : i64, scratch_operands = 0 : i64, tpu.core_type = #tpu.core_type<tc>} {
    %get3A = arith.constant 0 : index
    %get3A_0 = arith.constant 0 : index
    %get3A_1 = arith.constant 0 : index
    %get3A_2 = vector.load %arg0[%get3A, %get3A_0, %get3A_1] : memref<2x10000x32xf32, #tpu.memory_space<vmem>>, vector<1x10000x32xf32>
    %get3A_3 = vector.shape_cast %get3A_2 : vector<1x10000x32xf32> to vector<10000x32xf32>
    %get3A_4 = arith.constant 1 : index
    %get3A_5 = arith.constant 0 : index
    %get3A_6 = arith.constant 0 : index
    %get3A_7 = vector.load %arg0[%get3A_4, %get3A_5, %get3A_6] : memref<2x10000x32xf32, #tpu.memory_space<vmem>>, vector<1x10000x32xf32>
    %get3A_8 = vector.shape_cast %get3A_7 : vector<1x10000x32xf32> to vector<10000x32xf32>
    %add3A = arith.addf %get3A_3, %get3A_8 : vector<10000x32xf32>
    %get3A_9 = arith.constant 0 : index
    %get3A_10 = arith.constant 0 : index
    %get3A_11 = vector.load %arg1[%get3A_9, %get3A_10] : memref<10000x32xf32, #tpu.memory_space<vmem>>, vector<10000x32xf32>
    %add3A_12 = arith.addf %add3A, %get3A_11 : vector<10000x32xf32>
    %get3A_13 = arith.constant 0 : index
    %get3A_14 = arith.constant 0 : index
    %get3A_15 = vector.load %arg2[%get3A_13, %get3A_14] : memref<10000x1xf32, #tpu.memory_space<vmem>>, vector<10000x1xf32>
    %mul3A = vector.broadcast %get3A_15 : vector<10000x1xf32> to vector<10000x32xf32>
    %mul3A_16 = arith.mulf %add3A_12, %mul3A : vector<10000x32xf32>
    %get3A_17 = arith.constant 0 : index
    %get3A_18 = vector.load %arg3[%get3A_17] : memref<32xf32, #tpu.memory_space<vmem>>, vector<32xf32>
    %broadcast_in_dim3A = vector.shape_cast %get3A_18 : vector<32xf32> to vector<1x32xf32>
    %add3A_19 = vector.broadcast %broadcast_in_dim3A : vector<1x32xf32> to vector<10000x32xf32>
    %add3A_20 = arith.addf %mul3A_16, %add3A_19 : vector<10000x32xf32>
    %slice3A = vector.extract_strided_slice %add3A_20 {offsets = [0, 0], sizes = [10000, 16], strides = [1, 1]} : vector<10000x32xf32> to vector<10000x16xf32>
    %swap3A = arith.constant 0 : index
    %swap3A_21 = arith.constant 0 : index
    %swap3A_22 = vector.load %arg4[%swap3A, %swap3A_21] : memref<10000x16xf32, #tpu.memory_space<vmem>>, vector<10000x16xf32>
    tpu.vector_store %arg4[%swap3A, %swap3A_21], %slice3A {strides = array<i32>} : memref<10000x16xf32, #tpu.memory_space<vmem>>, vector<10000x16xf32>,
    %slice3A_23 = vector.extract_strided_slice %add3A_20 {offsets = [0, 16], sizes = [10000, 16], strides = [1, 1]} : vector<10000x32xf32> to vector<10000x16xf32>
    %swap3A_24 = arith.constant 0 : index
    %swap3A_25 = arith.constant 0 : index
    %swap3A_26 = vector.load %arg5[%swap3A_24, %swap3A_25] : memref<10000x16xf32, #tpu.memory_space<vmem>>, vector<10000x16xf32>
    tpu.vector_store %arg5[%swap3A_24, %swap3A_25], %slice3A_23 {strides = array<i32>} : memref<10000x16xf32, #tpu.memory_space<vmem>>, vector<10000x16xf32>,
    return
  }
}

</mosaic_0001>

<sc_bundles>
// kernel: kernel.11.cloned.1.call-start
scs
__scs_entry_jumppad:
0x0: {  	(pc) =	sbr.rel $0x88, $3  }
0x1: {  	(tag) =	ssettag $0x0;
	lr =	simm.s32 $0x1  }
0x2: {  	[smem:$0x3F99] =	sst lr;
	_ =	strace $0xD0000000  }
0x3: {  	_ = 	snop  }
0x4: {  	_ = 	snop  }
0x5: {  	_ = 	snop  }
0x6: {  	_ = 	snop  }
0x7: {  	_ = 	snop  }
__scs_overlays_trampoline_lowered:
0x8: {  	[smem:$0x3FA8] =	sst s0  }
0x9: {  	[smem:$0x3FA9] =	sst s1  }
0xa: {  	[smem:$0x3FAA] =	sst s2  }
0xb: {  	[smem:$0x3FAB] =	sst s3  }
0xc: {  	[smem:$0x3FAC] =	sst s4  }
0xd: {  	[smem:$0x3FAD] =	sst s5  }
0xe: {  	[smem:$0x3FAE] =	sst s6  }
0xf: {  	[smem:$0x3FAF] =	sst s7  }
0x10: {  	[smem:$0x3FB0] =	sst s8  }
0x11: {  	[smem:$0x3FB1] =	sst s9;
	s0 =	simm.s32 @!p0 $0x0  }
0x12: {  	s1 =	sld [smem:$0x3F97];
	s0 =	simm.s32 @p0 $0x1  }
0x13: {  	[smem:$0x3FB2] =	sst s0;
	s0 =	simm.s32 @!p1 $0x0  }
0x14: {  	s2 =	sld [smem:$0x3F96];
	s0 =	simm.s32 @p1 $0x1  }
0x15: {  	[smem:$0x3FB3] =	sst s0;
	s0 =	simm.s32 @!p2 $0x0  }
0x16: {  	s3 =	sld [smem:$0x3FDB];
	s0 =	simm.s32 @p2 $0x1  }
0x17: {  	s4 =	simm.s32 $0x1BF5;
	[smem:$0x3FB5] =	sst s0  }
0x18: {  	s0 =	sld [smem:$0x3F98];
	_ =	swait.ge [sflag:s4], $0x0  }
0x19: {  	s7 =	sld [smem:$0x3F99]  }
0x1a: {  	s8 =	sadd.s32 $0xFFFFE003, lr  }
0x1b: {  	s9 =	sadd.s32 $0xFFFFFEF7, lr;
	s5 =	simm.s32 $0xFFFFFFFF;
	p2 =	slt.u32 s8, $0xFFFFF086  }
0x1c: {  	p1 =	slt.u32 s9, $0xF7A;
	s5 =	simm.s32 @!p2 $0x0  }
0x1d: {  	s5 =	simm.s32 @p1 $0x1;
	p0 =	seq.s32 s7, s2  }
0x1e: {  	s7 =	smul.u32 @!p0 $0xF7A, s2;
	p2 =	seq.s32 @!p0 s5, $0x0  }
0x1f: {  	s9 =	smul.u32 $0xF7A, s1;
	s8 =	simm.s32 @!p0 $0x1BF5;
	p2 =	por !p2, p0  }
0x20: {  	[sflag:s8] =	ssyncset.s32 @!p0 $0xFFFFF086;
	s6 =	sadd.s32 @!p0 s3, s7;
	s7 =	simm.s32 @!p0 $0x108  }
0x21: {  	s3 =	sadd.s32 s3, s9;
	s6 =	sadd.s32 @!p0 $0x88, s6;
	s7 =	simm.s32 @p2 $0x1082  }
0x22: {  	[simem:s7], [sflag:s8] =	dma.local @!p0 [hbm:s6], $0xF7A  }
0x23: {  	s9 =	sor.u32 $0xD0000000, s2;
	s6 =	simm.s32 $0x108;
	_ =	swait.ge @!p0 [sflag:s8], $0x0  }
0x24: {  	s3 =	sadd.s32 $0x88, s3;
	s6 =	simm.s32 @!p1 $0x1082;
	[sflag:s4] =	ssyncset.s32 $0xFFFFF086  }
0x25: {  	[simem:s6], [sflag:s4] =	dma.local [hbm:s3], $0xF7A  }
0x26: {  	[smem:$0x3F99] =	sst s1;
	(tag) =	ssettag s2;
	_ =	strace s9  }
0x27: {  	s1 =	sld [smem:$0x3FA9]  }
0x28: {  	s2 =	sld [smem:$0x3FAA]  }
0x29: {  	s4 =	sld [smem:$0x3FAC]  }
0x2a: {  	p0 =	seq.s32 s5, $0x0;
	s5 =	sld [smem:$0x3FAD]  }
0x2b: {  	s6 =	sld [smem:$0x3FAE]  }
0x2c: {  	s7 =	sld [smem:$0x3FAF]  }
0x2d: {  	s3 =	simm.s32 $0x108;
	s8 =	sld [smem:$0x3FB0]  }
0x2e: {  	s3 =	simm.s32 @!p0 $0x1082;
	s9 =	sld [smem:$0x3FB1]  }
0x2f: {  	lr =	sadd.s32 s0, s3;
	s0 =	sld [smem:$0x3FA8]  }
0x30: {  	s3 =	sld [smem:$0x3FAB]  }
0x31: {  	[smem:$0x3FB4] =	sst s10  }
0x32: {  	s10 =	sld [smem:$0x3FB2];
	_ =	sdelay $0x3  }
0x33: {  	p0 =	seq.s32 s10, $0x1;
	s10 =	sld [smem:$0x3FB4];
	_ =	sdelay $0x3  }
0x34: {  	[smem:$0x3FB4] =	sst s10  }
0x35: {  	s10 =	sld [smem:$0x3FB3];
	_ =	sdelay $0x3  }
0x36: {  	p1 =	seq.s32 s10, $0x1;
	s10 =	sld [smem:$0x3FB4];
	_ =	sdelay $0x3  }
0x37: {  	[smem:$0x3FB4] =	sst s10  }
0x38: {  	s10 =	sld [smem:$0x3FB5]  }
0x39: {  	_ = 	snop;
	(pc) =	sbr.ind lr, $3  }
0x3a: {  	_ = 	snop  }
0x3b: {  	_ = 	snop  }
0x3c: {  	p2 =	seq.s32 s10, $0x1;
	s10 =	sld [smem:$0x3FB4]  }
0x3d: {  	_ =	shalt  }
0x3e: {  	_ =	shalt  }
0x3f: {  	_ =	shalt  }
0x40: {  	_ =	shalt  }
0x41: {  	_ =	shalt  }
0x42: {  	_ =	shalt  }
0x43: {  	_ =	shalt  }
0x44: {  	_ =	shalt  }
0x45: {  	_ =	shalt  }
0x46: {  	_ =	shalt  }
0x47: {  	_ =	shalt  }
0x48: {  	_ =	shalt  }
0x49: {  	_ =	shalt  }
0x4a: {  	_ =	shalt  }
0x4b: {  	_ =	shalt  }
0x4c: {  	_ =	shalt  }
0x4d: {  	_ =	shalt  }
0x4e: {  	_ =	shalt  }
0x4f: {  	_ =	shalt  }
0x50: {  	_ =	shalt  }
0x51: {  	_ =	shalt  }
0x52: {  	_ =	shalt  }
0x53: {  	_ =	shalt  }
0x54: {  	_ =	shalt  }
0x55: {  	_ =	shalt  }
0x56: {  	_ =	shalt  }
0x57: {  	_ =	shalt  }
0x58: {  	_ =	shalt  }
0x59: {  	_ =	shalt  }
0x5a: {  	_ =	shalt  }
0x5b: {  	_ =	shalt  }
0x5c: {  	_ =	shalt  }
0x5d: {  	_ =	shalt  }
0x5e: {  	_ =	shalt  }
0x5f: {  	_ =	shalt  }
0x60: {  	_ =	shalt  }
0x61: {  	_ =	shalt  }
0x62: {  	_ =	shalt  }
0x63: {  	_ =	shalt  }
0x64: {  	_ =	shalt  }
0x65: {  	_ =	shalt  }
0x66: {  	_ =	shalt  }
0x67: {  	_ =	shalt  }
0x68: {  	_ =	shalt  }
0x69: {  	_ =	shalt  }
0x6a: {  	_ =	shalt  }
0x6b: {  	_ =	shalt  }
0x6c: {  	_ =	shalt  }
0x6d: {  	_ =	shalt  }
0x6e: {  	_ =	shalt  }
0x6f: {  	_ =	shalt  }
0x70: {  	_ =	shalt  }
0x71: {  	_ =	shalt  }
0x72: {  	_ =	shalt  }
0x73: {  	_ =	shalt  }
0x74: {  	_ =	shalt  }
0x75: {  	_ =	shalt  }
0x76: {  	_ =	shalt  }
0x77: {  	_ =	shalt  }
0x78: {  	_ =	shalt  }
0x79: {  	_ =	shalt  }
0x7a: {  	_ =	shalt  }
0x7b: {  	_ =	shalt  }
0x7c: {  	_ =	shalt  }
0x7d: {  	_ =	shalt  }
0x7e: {  	_ =	shalt  }
0x7f: {  	_ =	shalt  }
0x80: {  	_ =	shalt  }
0x81: {  	_ =	shalt  }
0x82: {  	_ =	shalt  }
0x83: {  	_ =	shalt  }
0x84: {  	_ =	shalt  }
0x85: {  	_ =	shalt  }
0x86: {  	_ =	shalt  }
0x87: {  	_ =	shalt  }
.Lfunc_end0:
.L_simem_size_0:
called_computation.1_lowered:
.L_overlay_start_0:
0x88: {  	s2 =	sld [smem:$0x3FD9]  }
0x89: {  	s3 =	sld [smem:$0x3FFE];
	_ =	sdelay $0x1  }
0x8a: {  	s1 =	srdreg.scid  }
0x8b: {  	s0 =	sand.u32 $0x1, s1  }
0x8c: {  	s16 =	sshll.u32 s0, $0xA;
	s2 =	sadd.s32 s3, s2  }
0x8d: {  	s2 =	sadd.s32 s2, s16  }
0x8e: {  	[smem:$0x3FC0] =	sst s2  }
0x8f: {  	_ = 	snop  }
0x90: {  	(tm) =	ssettm $0x1  }
0x91: {  	s17 =	sld [smem:$0x3FFB];
	_ =	sdelay $0x3  }
0x92: {  	_ =	strace s17  }
0x93: {  	s2 =	sld [smem:$0x3FFC];
	_ =	sdelay $0x3  }
0x94: {  	_ =	strace s2  }
0x95: {  	s2 =	sld [smem:$0x3FFD];
	_ =	sdelay $0x3  }
0x96: {  	_ =	strace s2  }
0x97: {  	_ =	strace $0x8FFFFFFF  }
0x98: {  	s18 =	sld [smem:$0x3FDB];
	_ =	sdelay $0x1  }
0x99: {  	s19 =	simm.s32 $_scs_section_size  }
0x9a: {  	s4 =	simm.s32 $_size__tile_overlayer_lowered;
	s5 =	simm.s32 $_tile_overlayer_lowered  }
0x9b: {  	s22 =	simm.s32 $0x1BFF;
	s21 =	sshll.u32 s5, $0x1;
	s2 =	sadd.s32 s19, s18  }
0x9c: {  	s6 =	simm.s32 $0x0;
	s20 =	sshll.u32 s4, $0x1;
	s4 =	sadd.s32 s21, s2  }
0x9d: {  	[timem:s6], [sflag:s22] =	dma.local [hbm:s4], s20  }
0x9e: {  	_ =	swait.ge [sflag:s22], s20  }
0x9f: {  	s3 =	ssub.s32 $0x0, s20;
	[sflag:s22] =	ssyncset.done $0x0  }
0xa0: {  	[sflag:s22] =	ssyncadd.s32 s3;
	_ =	sdelay $0x1  }
0xa1: {  	s23 =	simm.s32 $0x1B8B  }
0xa2: {  	_ =	swait.ge [sflag:s23], $0x1  }
0xa3: {  	[sflag:s23] =	ssyncset.done $0x0  }
0xa4: {  	s25 =	simm.s32 $0x1B8E;
	s24 =	sld [smem:$0x3FFE];
	[sflag:s23] =	ssyncadd.s32 $0xFFFFFFFF  }
0xa5: {  	s26 =	simm.s32 $execute0_lowered;
	[smem:$0x3FD2] =	sst s25  }
0xa6: {  	s4 =	sshll.u32 s26, $0x1;
	_ =	strace $0x80000049;
	[dreg:$0x1] =	wrdreg $0xFFFFFFFF  }
0xa7: {  	s28 =	simm.s32 $_size_execute0_lowered;
	s2 =	sadd.s32 s2, s4;
	[dreg:$0x0] =	wrdreg $0x0  }
0xa8: {  	s4 =	sshll.u32 s28, $0x1;
	[dreg:$0x2] =	wrdreg s2  }
0xa9: {  	[dreg:$0x3] =	wrdreg s4  }
0xaa: {  	[dreg:$0x4] =	wrdreg $0xC0  }
0xab: {  	_ =	task [dreg:s6], $0x5FFFF  }
0xac: {  	[dreg:$0x1] =	wrdreg $0xFFFFFFFF  }
0xad: {  	[dreg:$0x0] =	wrdreg $0x60  }
0xae: {  	[dreg:$0x2] =	wrdreg s24  }
0xaf: {  	[dreg:$0x3] =	wrdreg $0x148200  }
0xb0: {  	[dreg:$0x4] =	wrdreg $0x196400  }
0xb1: {  	[dreg:$0x5] =	wrdreg $0x9  }
0xb2: {  	_ =	task.clear_ibuf [dreg:s6], $0x6FFFF;
	_ =	strace $0x90000049  }
0xb3: {  	s29 =	simm.s32 $0x9;
	_ =	strace $0x8000004B  }
0xb4: {  	_ =	swait.ge [sflag:s29], $0x1  }
0xb5: {  	[sflag:s29] =	ssyncadd.s32 $0xFFFFFFFF  }
0xb6: {  	_ =	strace $0x9000004B  }
0xb7: {  	_ =	sfence  }
0xb8: {  	s30 =	sld [smem:$0x0];
	_ =	sdelay $0x2  }
0xb9: {  	s31 =	sshll.u32 s1, $0xD;
	s1 =	sshrl.u32 s1, $0x2  }
0xba: {  	s3 =	sand.u32 $0x4000, s31;
	s1 =	sadd.s32 s1, s30  }
0xbb: {  	s0 =	sor.u32 s3, s0;
	s1 =	sshll.u32 s1, $0x11  }
0xbc: {  	s0 =	sor.u32 s1, s0  }
0xbd: {  	s0 =	sadd.s32 $0x8F2B, s0  }
0xbe: {  	[sflag:s0] =	ssyncadd.remote.s32 $0x1  }
0xbf: {  	_ =	sfence.sel $0xFFFF  }
0xc0: {  	[dreg:$0x0] =	wrdreg $0xFFFFFFFF;
	(pc) =	sbr.abs _section_cstart, $3  }
0xc1: {  	[dreg:$0x1] =	wrdreg $0xFFFFFFFF  }
0xc2: {  	_ =	task.clear_ibuf [dreg:s6], $0x2FFFF;
	_ =	strace $0x9FFFFFFF  }
0xc3: {  	(tm) =	ssettm $0x7FFFFFFF  }
tec
execute0_lowered:
.L_overlay_start_1:
0x0: {  	(tag) =	ssettag $0x1  }
0x1: {  	s0 =	srdreg.scid;
	s1 =	rddreg [dreg:$0x0]  }
0x2: {  	s11 =	stileid.u32;
	s2 =	rddreg [dreg:$0x1]  }
0x3: {  	s5 =	simm.s32 $0x0;
	s17 =	simm.s32 $0xC8;
	s12 =	simm.s32 $0xC  }
0x4: {  	s15 =	simm.s32 $0xD;
	s13 =	simm.s32 $0xF;
	s14 =	simm.s32 $0x11  }
0x5: {  	s18 =	simm.s32 $0x12;
	s19 =	simm.s32 $0x13;
	s21 =	simm.s32 $0x14  }
0x6: {  	s0 =	sand.u32 $0x1, s0;
	s6 =	smul.u32 $0x4E20, s11;
	[smem:$0x7FF] =	sst s5  }
0x7: {  	s5 =	sadd.s32 $0x3D400, s1;
	s26 =	sshll.u32 s11, $0x6;
	s3 =	sshll.u32 s0, $0x4  }
0x8: {  	s7 =	smul.u32 $0x4E200, s0;
	s0 =	ssub.s32 $0x2, s0;
	s16 =	sor.u32 $0x1C15, s26  }
0x9: {  	s4 =	sor.u32 s11, s3;
	s3 =	rddreg [dreg:$0x2];
	_ =	strace $0x8000004A  }
0xa: {  	s8 =	sshrl.u32 s6, $0x3;
	s10 =	sshrl.u32 s0, $0x1;
	s28 =	sadd.s32 s6, s2  }
0xb: {  	s11 =	simm.s32 $0xB;
	[dreg:$0x5] =	wrdreg s16;
	s4 =	smul.u32 $0x4E2, s4  }
0xc: {  	s7 =	sadd.s32 s6, s7;
	s9 =	sadd.s32 s8, s1;
	s0 =	ssub.s32 s0, s10  }
0xd: {  	s6 =	sadd.s32 s6, s3;
	s29 =	sadd.s32 s5, s8;
	s8 =	simm.s32 $0x8  }
0xe: {  	s10 =	simm.s32 $0xA;
	s9 =	sadd.s32 $0x47200, s9;
	[dreg:$0x6] =	wrdreg s29  }
0xf: {  	s7 =	sshrl.u32 s7, $0x3;
	s0 =	smax.u32 s0, $0x1;
	[dreg:$0x4] =	wrdreg s9  }
0x10: {  	s31 =	sshrl.u32 s6, $0x3;
	s4 =	sadd.s32 s4, s1;
	[dreg:$0xa] =	wrdreg s0  }
0x11: {  	s6 =	simm.s32 $0x7;
	[dreg:$0xc] =	wrdreg s31;
	s30 =	sadd.s32 $0x2600, s4  }
0x12: {  	s1 =	sadd.s32 s7, s1;
	s4 =	sadd.s32 $0xC400, s4;
	[dreg:$0x7] =	wrdreg s30  }
0x13: {  	s9 =	simm.s32 $0x9;
	s1 =	sadd.s32 $0x51000, s1;
	[dreg:$0x8] =	wrdreg s4  }
0x14: {  	s7 =	simm.s32 $0x10;
	[dreg:$0x9] =	wrdreg s1;
	s1 =	sshrl.u32 s28, $0x3  }
0x15: {  	s0 =	simm.s32 $0x0;
	s4 =	simm.s32 $0xE;
	[dreg:$0xb] =	wrdreg s1  }
.LBB2_1:
0x16: {  	[dreg:$0xd] =	wrdreg s0  }
0x17: {  	s28 =	simm.s32 $0x15;
	s23 =	rddreg [dreg:$0x4]  }
0x18: {  	[spmem:s1], [sflag:s16] =	dma.local [hbm:s23], $0x9C4  }
0x19: {  	_ =	swait.ge [sflag:s28], $0x9C4  }
0x1a: {  	[sflag:s28] =	ssyncset.done $0x0;
	s1 =	rddreg [dreg:$0x6]  }
0x1b: {  	s25 =	rddreg [dreg:$0xc];
	[sflag:s28] =	ssyncadd.s32 $0xFFFFF63C  }
0x1c: {  	[spmem:s25], [sflag:s16] =	dma.local [hbm:s1], $0x9C4  }
0x1d: {  	_ =	swait.ge [sflag:s28], $0x9C4  }
0x1e: {  	[sflag:s28] =	ssyncset.done $0x0  }
0x1f: {  	s20 =	simm.s32 $0x0;
	s22 =	rddreg [dreg:$0x7];
	[sflag:s28] =	ssyncadd.s32 $0xFFFFF63C  }
0x20: {  	[tilespmem:s20], [sflag:$0x15] =	stream.linear.gather [hbm4b:s22+s20], $0x2710, $0x38;
	[tilespmem:$0x1E460] =	vst v63  }
0x21: {  	_ =	swait.ge [sflag:s28], $0x2710  }
0x22: {  	[sflag:s28] =	ssyncset.done $0x0  }
0x23: {  	s24 =	simm.s32 $0x2710;
	s23 =	rddreg [dreg:$0x8];
	[sflag:s28] =	ssyncadd.s32 $0xFFFFD8F0  }
0x24: {  	[tilespmem:s24], [sflag:$0x15] =	stream.linear.gather [hbm4b:s23+s20], $0x2710, $0x38;
	[tilespmem:$0x1E460] =	vst v63  }
0x25: {  	_ =	swait.ge [sflag:s28], $0x2710  }
0x26: {  	[sflag:s28] =	ssyncset.done $0x0  }
0x27: {  	[sflag:s28] =	ssyncadd.s32 $0xFFFFD8F0  }
0x28: {  	s1 =	simm.s32 $0x4E20;
	[bflag:$0x0] =	sbarrier.arrive $0xFFFF  }
0x29: {  	[tilespmem:s1], [sflag:$0x1] =	stream.indirect.gather [hbm4b:s5+s17], $0x20, s20, s17, $0xb8;
	[tilespmem:$0x1E460] =	vst v63  }
0x2a: {  	s16 =	simm.s32 $0x6720  }
0x2b: {  	[tilespmem:s16], [sflag:$0x2] =	stream.indirect.gather [hbm4b:s5+s17], $0x20, s17, s17, $0xb8;
	[tilespmem:$0x1E460] =	vst v63  }
0x2c: {  	s26 =	simm.s32 $0x190;
	s22 =	simm.s32 $0x8020  }
0x2d: {  	[tilespmem:s22], [sflag:$0x3] =	stream.indirect.gather [spmem:s3], $0x20, s26, s17, $0xb8;
	[tilespmem:$0x1E460] =	vst v63  }
0x2e: {  	s24 =	simm.s32 $0x9920;
	s28 =	simm.s32 $0x258  }
0x2f: {  	[tilespmem:s24], [sflag:$0x4] =	stream.indirect.gather [spmem:s3], $0x20, s28, s17, $0xb8;
	[tilespmem:$0x1E460] =	vst v63  }
0x30: {  	s29 =	simm.s32 $0x320;
	s25 =	simm.s32 $0xB220  }
0x31: {  	[tilespmem:s25], [sflag:$0x5] =	stream.indirect.gather [spmem:s3], $0x20, s29, s17, $0xb8;
	[tilespmem:$0x1E460] =	vst v63  }
0x32: {  	s30 =	simm.s32 $0x3E8;
	s26 =	simm.s32 $0xCB20  }
0x33: {  	[tilespmem:s26], [sflag:$0x6] =	stream.indirect.gather [spmem:s3], $0x20, s30, s17, $0xb8;
	[tilespmem:$0x1E460] =	vst v63  }
0x34: {  	s31 =	simm.s32 $0x4B0;
	s28 =	simm.s32 $0xE420  }
0x35: {  	[tilespmem:s28], [sflag:$0x7] =	stream.indirect.gather [spmem:s3], $0x20, s31, s17, $0xb8;
	[tilespmem:$0x1E460] =	vst v63  }
0x36: {  	s0 =	simm.s32 $0x578;
	s29 =	simm.s32 $0xFD20  }
0x37: {  	[tilespmem:s29], [sflag:$0x8] =	stream.indirect.gather [spmem:s3], $0x20, s0, s17, $0xb8;
	[tilespmem:$0x1E460] =	vst v63  }
0x38: {  	s20 =	simm.s32 $0x640;
	s30 =	simm.s32 $0x11620  }
0x39: {  	[tilespmem:s30], [sflag:$0x9] =	stream.indirect.gather [spmem:s3], $0x20, s20, s17, $0xb8;
	[tilespmem:$0x1E460] =	vst v63  }
0x3a: {  	s23 =	simm.s32 $0x708;
	s31 =	simm.s32 $0x1;
	s20 =	simm.s32 $0x12F20  }
0x3b: {  	[tilespmem:s20], [sflag:$0xA] =	stream.indirect.gather [spmem:s3], $0x20, s23, s17, $0xb8;
	[tilespmem:$0x1E460] =	vst v63  }
0x3c: {  	_ =	swait.ge [sflag:s31], $0x1900  }
0x3d: {  	[sflag:s31] =	ssyncset.done $0x0  }
0x3e: {  	s0 =	simm.s32 $0x2710;
	[sflag:s31] =	ssyncadd.s32 $0xFFFFE700;
	s31 =	simm.s32 $0x2  }
0x3f: {  	[spmem:s2] =	stream.indirect.scatter.add.f32 [tilespmem:s1], [sflag:$0xB], $0x20, s0, s17, $0xb8;
	[tilespmem:$0x1E460] =	vst v63  }
0x40: {  	_ =	swait.ge [sflag:s31], $0x1900  }
0x41: {  	[sflag:s31] =	ssyncset.done $0x0  }
0x42: {  	s0 =	simm.s32 $0x27D8;
	[sflag:s31] =	ssyncadd.s32 $0xFFFFE700;
	s31 =	simm.s32 $0x3  }
0x43: {  	[spmem:s2] =	stream.indirect.scatter.add.f32 [tilespmem:s16], [sflag:$0xC], $0x20, s0, s17, $0xb8;
	[tilespmem:$0x1E460] =	vst v63  }
0x44: {  	_ =	swait.ge [sflag:s31], $0x1900  }
0x45: {  	[sflag:s31] =	ssyncset.done $0x0  }
0x46: {  	s0 =	simm.s32 $0x28A0;
	[sflag:s31] =	ssyncadd.s32 $0xFFFFE700;
	s31 =	simm.s32 $0x4  }
0x47: {  	[spmem:s2] =	stream.indirect.scatter.add.f32 [tilespmem:s22], [sflag:$0xD], $0x20, s0, s17, $0xb8;
	[tilespmem:$0x1E460] =	vst v63  }
0x48: {  	_ =	swait.ge [sflag:s31], $0x1900  }
0x49: {  	[sflag:s31] =	ssyncset.done $0x0  }
0x4a: {  	s0 =	simm.s32 $0x2968;
	[sflag:s31] =	ssyncadd.s32 $0xFFFFE700;
	s31 =	simm.s32 $0x5  }
0x4b: {  	[spmem:s2] =	stream.indirect.scatter.add.f32 [tilespmem:s24], [sflag:$0xE], $0x20, s0, s17, $0xb8;
	[tilespmem:$0x1E460] =	vst v63  }
0x4c: {  	_ =	swait.ge [sflag:s31], $0x1900  }
0x4d: {  	[sflag:s31] =	ssyncset.done $0x0  }
0x4e: {  	s23 =	simm.s32 $0x6;
	s0 =	simm.s32 $0x2A30;
	[sflag:s31] =	ssyncadd.s32 $0xFFFFE700  }
0x4f: {  	[spmem:s2] =	stream.indirect.scatter.add.f32 [tilespmem:s25], [sflag:$0xF], $0x20, s0, s17, $0xb8;
	[tilespmem:$0x1E460] =	vst v63  }
0x50: {  	_ =	swait.ge [sflag:s23], $0x1900  }
0x51: {  	[sflag:s23] =	ssyncset.done $0x0  }
0x52: {  	s31 =	simm.s32 $0x2AF8;
	[sflag:s23] =	ssyncadd.s32 $0xFFFFE700  }
0x53: {  	[spmem:s2] =	stream.indirect.scatter.add.f32 [tilespmem:s26], [sflag:$0x10], $0x20, s31, s17, $0xb8;
	[tilespmem:$0x1E460] =	vst v63  }
0x54: {  	_ =	swait.ge [sflag:s6], $0x1900  }
0x55: {  	[sflag:s6] =	ssyncset.done $0x0  }
0x56: {  	s0 =	simm.s32 $0x2BC0;
	[sflag:s6] =	ssyncadd.s32 $0xFFFFE700  }
0x57: {  	[spmem:s2] =	stream.indirect.scatter.add.f32 [tilespmem:s28], [sflag:$0x11], $0x20, s0, s17, $0xb8;
	[tilespmem:$0x1E460] =	vst v63  }
0x58: {  	_ =	swait.ge [sflag:s8], $0x1900  }
0x59: {  	[sflag:s8] =	ssyncset.done $0x0  }
0x5a: {  	s31 =	simm.s32 $0x2C88;
	[sflag:s8] =	ssyncadd.s32 $0xFFFFE700  }
0x5b: {  	[spmem:s2] =	stream.indirect.scatter.add.f32 [tilespmem:s29], [sflag:$0x12], $0x20, s31, s17, $0xb8;
	[tilespmem:$0x1E460] =	vst v63  }
0x5c: {  	_ =	swait.ge [sflag:s9], $0x1900  }
0x5d: {  	[sflag:s9] =	ssyncset.done $0x0  }
0x5e: {  	s0 =	simm.s32 $0x2D50;
	[sflag:s9] =	ssyncadd.s32 $0xFFFFE700  }
0x5f: {  	[spmem:s2] =	stream.indirect.scatter.add.f32 [tilespmem:s30], [sflag:$0x13], $0x20, s0, s17, $0xb8;
	[tilespmem:$0x1E460] =	vst v63  }
0x60: {  	_ =	swait.ge [sflag:s10], $0x1900  }
0x61: {  	[sflag:s10] =	ssyncset.done $0x0  }
0x62: {  	s31 =	simm.s32 $0x2E18;
	[sflag:s10] =	ssyncadd.s32 $0xFFFFE700  }
0x63: {  	[spmem:s2] =	stream.indirect.scatter.add.f32 [tilespmem:s20], [sflag:$0x14], $0x20, s31, s17, $0xb8;
	[tilespmem:$0x1E460] =	vst v63  }
0x64: {  	_ =	swait.ge [sflag:s11], $0x1900  }
0x65: {  	[sflag:s11] =	ssyncset.done $0x0  }
0x66: {  	s0 =	simm.s32 $0x7D0;
	[sflag:s11] =	ssyncadd.s32 $0xFFFFE700  }
0x67: {  	[tilespmem:s1], [sflag:$0x1] =	stream.indirect.gather [hbm4b:s5+s17], $0x20, s0, s17, $0xb8;
	[tilespmem:$0x1E460] =	vst v63  }
0x68: {  	_ =	swait.ge [sflag:s12], $0x1900  }
0x69: {  	[sflag:s12] =	ssyncset.done $0x0  }
0x6a: {  	s1 =	simm.s32 $0x898;
	[sflag:s12] =	ssyncadd.s32 $0xFFFFE700  }
0x6b: {  	[tilespmem:s16], [sflag:$0x2] =	stream.indirect.gather [hbm4b:s5+s17], $0x20, s1, s17, $0xb8;
	[tilespmem:$0x1E460] =	vst v63  }
0x6c: {  	_ =	swait.ge [sflag:s15], $0x1900  }
0x6d: {  	[sflag:s15] =	ssyncset.done $0x0  }
0x6e: {  	s20 =	simm.s32 $0x960;
	[sflag:s15] =	ssyncadd.s32 $0xFFFFE700  }
0x6f: {  	[tilespmem:s22], [sflag:$0x3] =	stream.indirect.gather [spmem:s3], $0x20, s20, s17, $0xb8;
	[tilespmem:$0x1E460] =	vst v63  }
0x70: {  	_ =	swait.ge [sflag:s4], $0x1900  }
0x71: {  	[sflag:s4] =	ssyncset.done $0x0  }
0x72: {  	s22 =	simm.s32 $0xA28;
	[sflag:s4] =	ssyncadd.s32 $0xFFFFE700  }
0x73: {  	[tilespmem:s24], [sflag:$0x4] =	stream.indirect.gather [spmem:s3], $0x20, s22, s17, $0xb8;
	[tilespmem:$0x1E460] =	vst v63  }
0x74: {  	_ =	swait.ge [sflag:s13], $0x1900  }
0x75: {  	[sflag:s13] =	ssyncset.done $0x0  }
0x76: {  	s24 =	simm.s32 $0xAF0;
	[sflag:s13] =	ssyncadd.s32 $0xFFFFE700  }
0x77: {  	[tilespmem:s25], [sflag:$0x5] =	stream.indirect.gather [spmem:s3], $0x20, s24, s17, $0xb8;
	[tilespmem:$0x1E460] =	vst v63  }
0x78: {  	_ =	swait.ge [sflag:s7], $0x1900  }
0x79: {  	[sflag:s7] =	ssyncset.done $0x0  }
0x7a: {  	s25 =	simm.s32 $0xBB8;
	[sflag:s7] =	ssyncadd.s32 $0xFFFFE700  }
0x7b: {  	[tilespmem:s26], [sflag:$0x6] =	stream.indirect.gather [spmem:s3], $0x20, s25, s17, $0xb8;
	[tilespmem:$0x1E460] =	vst v63  }
0x7c: {  	_ =	swait.ge [sflag:s14], $0x1900  }
0x7d: {  	[sflag:s14] =	ssyncset.done $0x0  }
0x7e: {  	s26 =	simm.s32 $0xC80;
	[sflag:s14] =	ssyncadd.s32 $0xFFFFE700  }
0x7f: {  	[tilespmem:s28], [sflag:$0x7] =	stream.indirect.gather [spmem:s3], $0x20, s26, s17, $0xb8;
	[tilespmem:$0x1E460] =	vst v63  }
0x80: {  	_ =	swait.ge [sflag:s18], $0x1900  }
0x81: {  	[sflag:s18] =	ssyncset.done $0x0  }
0x82: {  	s28 =	simm.s32 $0xD48;
	[sflag:s18] =	ssyncadd.s32 $0xFFFFE700  }
0x83: {  	[tilespmem:s29], [sflag:$0x8] =	stream.indirect.gather [spmem:s3], $0x20, s28, s17, $0xb8;
	[tilespmem:$0x1E460] =	vst v63  }
0x84: {  	_ =	swait.ge [sflag:s19], $0x1900  }
0x85: {  	[sflag:s19] =	ssyncset.done $0x0  }
0x86: {  	s31 =	simm.s32 $0xE10;
	[sflag:s19] =	ssyncadd.s32 $0xFFFFE700  }
0x87: {  	[tilespmem:s30], [sflag:$0x9] =	stream.indirect.gather [spmem:s3], $0x20, s31, s17, $0xb8;
	[tilespmem:$0x1E460] =	vst v63  }
0x88: {  	_ =	swait.ge [sflag:s21], $0x1900  }
0x89: {  	[sflag:s21] =	ssyncset.done $0x0  }
0x8a: {  	s23 =	simm.s32 $0x1F40;
	s25 =	simm.s32 $0xED8;
	[sflag:s21] =	ssyncadd.s32 $0xFFFFE700  }
.LBB2_2:
0x8b: {  	s1 =	simm.s32 $0x12F20  }
0x8c: {  	[tilespmem:s1], [sflag:$0xA] =	stream.indirect.gather [spmem:s3], $0x20, s25, s17, $0xb8;
	[tilespmem:$0x1E460] =	vst v63  }
0x8d: {  	s0 =	simm.s32 $0x1;
	s25 =	smov.u32 s23  }
0x8e: {  	p0 =	sne.s32 s23, $0x5DC0;
	s23 =	sadd.s32 $0x1F40, s23;
	_ =	swait.ge [sflag:s0], $0x1900  }
0x8f: {  	s30 =	simm.s32 $0x4E20;
	s25 =	sshra.s32 s25, $0x2;
	[sflag:s0] =	ssyncset.done $0x0  }
0x90: {  	s28 =	sadd.s32 $0x2710, s25;
	[sflag:s0] =	ssyncadd.s32 $0xFFFFE700;
	s0 =	simm.s32 $0x2  }
0x91: {  	[spmem:s2] =	stream.indirect.scatter.add.f32 [tilespmem:s30], [sflag:$0xB], $0x20, s28, s17, $0xb8;
	[tilespmem:$0x1E460] =	vst v63  }
0x92: {  	_ =	swait.ge [sflag:s0], $0x1900  }
0x93: {  	s16 =	simm.s32 $0x6720;
	[sflag:s0] =	ssyncset.done $0x0  }
0x94: {  	s28 =	sadd.s32 $0x27D8, s25;
	[sflag:s0] =	ssyncadd.s32 $0xFFFFE700;
	s0 =	simm.s32 $0x3  }
0x95: {  	[spmem:s2] =	stream.indirect.scatter.add.f32 [tilespmem:s16], [sflag:$0xC], $0x20, s28, s17, $0xb8;
	[tilespmem:$0x1E460] =	vst v63  }
0x96: {  	_ =	swait.ge [sflag:s0], $0x1900  }
0x97: {  	s22 =	simm.s32 $0x8020;
	[sflag:s0] =	ssyncset.done $0x0  }
0x98: {  	s28 =	sadd.s32 $0x28A0, s25;
	[sflag:s0] =	ssyncadd.s32 $0xFFFFE700;
	s0 =	simm.s32 $0x4  }
0x99: {  	[spmem:s2] =	stream.indirect.scatter.add.f32 [tilespmem:s22], [sflag:$0xD], $0x20, s28, s17, $0xb8;
	[tilespmem:$0x1E460] =	vst v63  }
0x9a: {  	_ =	swait.ge [sflag:s0], $0x1900  }
0x9b: {  	s24 =	simm.s32 $0x9920;
	[sflag:s0] =	ssyncset.done $0x0  }
0x9c: {  	s28 =	sadd.s32 $0x2968, s25;
	[sflag:s0] =	ssyncadd.s32 $0xFFFFE700;
	s0 =	simm.s32 $0x5  }
0x9d: {  	[spmem:s2] =	stream.indirect.scatter.add.f32 [tilespmem:s24], [sflag:$0xE], $0x20, s28, s17, $0xb8;
	[tilespmem:$0x1E460] =	vst v63  }
0x9e: {  	_ =	swait.ge [sflag:s0], $0x1900  }
0x9f: {  	s26 =	simm.s32 $0xB220;
	[sflag:s0] =	ssyncset.done $0x0  }
0xa0: {  	s28 =	sadd.s32 $0x2A30, s25;
	[sflag:s0] =	ssyncadd.s32 $0xFFFFE700;
	s0 =	simm.s32 $0x6  }
0xa1: {  	[spmem:s2] =	stream.indirect.scatter.add.f32 [tilespmem:s26], [sflag:$0xF], $0x20, s28, s17, $0xb8;
	[tilespmem:$0x1E460] =	vst v63  }
0xa2: {  	_ =	swait.ge [sflag:s0], $0x1900  }
0xa3: {  	[sflag:s0] =	ssyncset.done $0x0  }
0xa4: {  	s29 =	simm.s32 $0xCB20;
	s28 =	sadd.s32 $0x2AF8, s25;
	[sflag:s0] =	ssyncadd.s32 $0xFFFFE700  }
0xa5: {  	[spmem:s2] =	stream.indirect.scatter.add.f32 [tilespmem:s29], [sflag:$0x10], $0x20, s28, s17, $0xb8;
	[tilespmem:$0x1E460] =	vst v63  }
0xa6: {  	_ =	swait.ge [sflag:s6], $0x1900  }
0xa7: {  	[sflag:s6] =	ssyncset.done $0x0  }
0xa8: {  	s31 =	simm.s32 $0xE420;
	s28 =	sadd.s32 $0x2BC0, s25;
	[sflag:s6] =	ssyncadd.s32 $0xFFFFE700  }
0xa9: {  	[spmem:s2] =	stream.indirect.scatter.add.f32 [tilespmem:s31], [sflag:$0x11], $0x20, s28, s17, $0xb8;
	[tilespmem:$0x1E460] =	vst v63  }
0xaa: {  	_ =	swait.ge [sflag:s8], $0x1900  }
0xab: {  	[sflag:s8] =	ssyncset.done $0x0  }
0xac: {  	s0 =	simm.s32 $0xFD20;
	s28 =	sadd.s32 $0x2C88, s25;
	[sflag:s8] =	ssyncadd.s32 $0xFFFFE700  }
0xad: {  	[spmem:s2] =	stream.indirect.scatter.add.f32 [tilespmem:s0], [sflag:$0x12], $0x20, s28, s17, $0xb8;
	[tilespmem:$0x1E460] =	vst v63  }
0xae: {  	_ =	swait.ge [sflag:s9], $0x1900  }
0xaf: {  	[sflag:s9] =	ssyncset.done $0x0  }
0xb0: {  	s20 =	simm.s32 $0x11620;
	s28 =	sadd.s32 $0x2D50, s25;
	[sflag:s9] =	ssyncadd.s32 $0xFFFFE700  }
0xb1: {  	[spmem:s2] =	stream.indirect.scatter.add.f32 [tilespmem:s20], [sflag:$0x13], $0x20, s28, s17, $0xb8;
	[tilespmem:$0x1E460] =	vst v63  }
0xb2: {  	_ =	swait.ge [sflag:s10], $0x1900  }
0xb3: {  	[sflag:s10] =	ssyncset.done $0x0  }
0xb4: {  	s28 =	sadd.s32 $0x2E18, s25;
	[sflag:s10] =	ssyncadd.s32 $0xFFFFE700  }
0xb5: {  	[spmem:s2] =	stream.indirect.scatter.add.f32 [tilespmem:s1], [sflag:$0x14], $0x20, s28, s17, $0xb8;
	[tilespmem:$0x1E460] =	vst v63  }
0xb6: {  	_ =	swait.ge [sflag:s11], $0x1900  }
0xb7: {  	[sflag:s11] =	ssyncset.done $0x0  }
0xb8: {  	s28 =	sadd.s32 $0x7D0, s25;
	s1 =	simm.s32 $0x4E20;
	[sflag:s11] =	ssyncadd.s32 $0xFFFFE700  }
0xb9: {  	[tilespmem:s30], [sflag:$0x1] =	stream.indirect.gather [hbm4b:s5+s17], $0x20, s28, s17, $0xb8;
	[tilespmem:$0x1E460] =	vst v63  }
0xba: {  	_ =	swait.ge [sflag:s12], $0x1900  }
0xbb: {  	[sflag:s12] =	ssyncset.done $0x0  }
0xbc: {  	s28 =	sadd.s32 $0x898, s25;
	s30 =	simm.s32 $0x6720;
	[sflag:s12] =	ssyncadd.s32 $0xFFFFE700  }
0xbd: {  	[tilespmem:s16], [sflag:$0x2] =	stream.indirect.gather [hbm4b:s5+s17], $0x20, s28, s17, $0xb8;
	[tilespmem:$0x1E460] =	vst v63  }
0xbe: {  	_ =	swait.ge [sflag:s15], $0x1900  }
0xbf: {  	[sflag:s15] =	ssyncset.done $0x0  }
0xc0: {  	s28 =	sadd.s32 $0x960, s25;
	s16 =	simm.s32 $0x8020;
	[sflag:s15] =	ssyncadd.s32 $0xFFFFE700  }
0xc1: {  	[tilespmem:s22], [sflag:$0x3] =	stream.indirect.gather [spmem:s3], $0x20, s28, s17, $0xb8;
	[tilespmem:$0x1E460] =	vst v63  }
0xc2: {  	_ =	swait.ge [sflag:s4], $0x1900  }
0xc3: {  	[sflag:s4] =	ssyncset.done $0x0  }
0xc4: {  	s28 =	sadd.s32 $0xA28, s25;
	s22 =	simm.s32 $0x9920;
	[sflag:s4] =	ssyncadd.s32 $0xFFFFE700  }
0xc5: {  	[tilespmem:s24], [sflag:$0x4] =	stream.indirect.gather [spmem:s3], $0x20, s28, s17, $0xb8;
	[tilespmem:$0x1E460] =	vst v63  }
0xc6: {  	_ =	swait.ge [sflag:s13], $0x1900  }
0xc7: {  	[sflag:s13] =	ssyncset.done $0x0  }
0xc8: {  	s28 =	sadd.s32 $0xAF0, s25;
	s24 =	simm.s32 $0xB220;
	[sflag:s13] =	ssyncadd.s32 $0xFFFFE700  }
0xc9: {  	[tilespmem:s26], [sflag:$0x5] =	stream.indirect.gather [spmem:s3], $0x20, s28, s17, $0xb8;
	[tilespmem:$0x1E460] =	vst v63  }
0xca: {  	_ =	swait.ge [sflag:s7], $0x1900  }
0xcb: {  	[sflag:s7] =	ssyncset.done $0x0  }
0xcc: {  	s28 =	sadd.s32 $0xBB8, s25;
	s26 =	simm.s32 $0xCB20;
	[sflag:s7] =	ssyncadd.s32 $0xFFFFE700  }
0xcd: {  	[tilespmem:s29], [sflag:$0x6] =	stream.indirect.gather [spmem:s3], $0x20, s28, s17, $0xb8;
	[tilespmem:$0x1E460] =	vst v63  }
0xce: {  	_ =	swait.ge [sflag:s14], $0x1900  }
0xcf: {  	[sflag:s14] =	ssyncset.done $0x0  }
0xd0: {  	s28 =	sadd.s32 $0xC80, s25;
	s29 =	simm.s32 $0xE420;
	[sflag:s14] =	ssyncadd.s32 $0xFFFFE700  }
0xd1: {  	[tilespmem:s31], [sflag:$0x7] =	stream.indirect.gather [spmem:s3], $0x20, s28, s17, $0xb8;
	[tilespmem:$0x1E460] =	vst v63  }
0xd2: {  	_ =	swait.ge [sflag:s18], $0x1900  }
0xd3: {  	[sflag:s18] =	ssyncset.done $0x0  }
0xd4: {  	s28 =	sadd.s32 $0xD48, s25;
	s31 =	simm.s32 $0xFD20;
	[sflag:s18] =	ssyncadd.s32 $0xFFFFE700  }
0xd5: {  	[tilespmem:s0], [sflag:$0x8] =	stream.indirect.gather [spmem:s3], $0x20, s28, s17, $0xb8;
	[tilespmem:$0x1E460] =	vst v63  }
0xd6: {  	_ =	swait.ge [sflag:s19], $0x1900  }
0xd7: {  	s28 =	sadd.s32 $0xE10, s25;
	[sflag:s19] =	ssyncset.done $0x0  }
.Ltmp0:
0xd8: {  	s0 =	simm.s32 $0x11620;
	[sflag:s19] =	ssyncadd.s32 $0xFFFFE700;
	(pc) =	sbr.rel @p0 .LBB2_2-.Ltmp0, $4  }
0xd9: {  	[tilespmem:s20], [sflag:$0x9] =	stream.indirect.gather [spmem:s3], $0x20, s28, s17, $0xb8;
	[tilespmem:$0x1E460] =	vst v63  }
0xda: {  	_ =	swait.ge [sflag:s21], $0x1900  }
0xdb: {  	[sflag:s21] =	ssyncset.done $0x0  }
0xdc: {  	s25 =	sadd.s32 $0xED8, s25;
	[sflag:s21] =	ssyncadd.s32 $0xFFFFE700  }
0xdd: {  	s20 =	simm.s32 $0x12F20;
	s23 =	simm.s32 $0x1  }
0xde: {  	[tilespmem:s20], [sflag:$0xA] =	stream.indirect.gather [spmem:s3], $0x20, s25, s17, $0xb8;
	[tilespmem:$0x1E460] =	vst v63  }
0xdf: {  	_ =	swait.ge [sflag:s23], $0x1900  }
0xe0: {  	[sflag:s23] =	ssyncset.done $0x0  }
0xe1: {  	s28 =	simm.s32 $0x4650;
	[sflag:s23] =	ssyncadd.s32 $0xFFFFE700;
	s23 =	simm.s32 $0x2  }
0xe2: {  	[spmem:s2] =	stream.indirect.scatter.add.f32 [tilespmem:s1], [sflag:$0xB], $0x20, s28, s17, $0xb8;
	[tilespmem:$0x1E460] =	vst v63  }
0xe3: {  	_ =	swait.ge [sflag:s23], $0x1900  }
0xe4: {  	[sflag:s23] =	ssyncset.done $0x0  }
0xe5: {  	s25 =	simm.s32 $0x4718;
	s28 =	simm.s32 $0x3;
	[sflag:s23] =	ssyncadd.s32 $0xFFFFE700  }
0xe6: {  	[spmem:s2] =	stream.indirect.scatter.add.f32 [tilespmem:s30], [sflag:$0xC], $0x20, s25, s17, $0xb8;
	[tilespmem:$0x1E460] =	vst v63  }
0xe7: {  	_ =	swait.ge [sflag:s28], $0x1900  }
0xe8: {  	[sflag:s28] =	ssyncset.done $0x0  }
0xe9: {  	s30 =	simm.s32 $0x47E0;
	[sflag:s28] =	ssyncadd.s32 $0xFFFFE700  }
0xea: {  	[spmem:s2] =	stream.indirect.scatter.add.f32 [tilespmem:s16], [sflag:$0xD], $0x20, s30, s17, $0xb8;
	[tilespmem:$0x1E460] =	vst v63  }
0xeb: {  	s16 =	simm.s32 $0x4  }
0xec: {  	_ =	swait.ge [sflag:s16], $0x1900  }
0xed: {  	[sflag:s16] =	ssyncset.done $0x0  }
0xee: {  	s23 =	simm.s32 $0x48A8;
	s25 =	simm.s32 $0x5;
	[sflag:s16] =	ssyncadd.s32 $0xFFFFE700  }
0xef: {  	[spmem:s2] =	stream.indirect.scatter.add.f32 [tilespmem:s22], [sflag:$0xE], $0x20, s23, s17, $0xb8;
	[tilespmem:$0x1E460] =	vst v63  }
0xf0: {  	_ =	swait.ge [sflag:s25], $0x1900  }
0xf1: {  	[sflag:s25] =	ssyncset.done $0x0  }
0xf2: {  	s28 =	simm.s32 $0x4970;
	s30 =	simm.s32 $0x6;
	[sflag:s25] =	ssyncadd.s32 $0xFFFFE700  }
0xf3: {  	[spmem:s2] =	stream.indirect.scatter.add.f32 [tilespmem:s24], [sflag:$0xF], $0x20, s28, s17, $0xb8;
	[tilespmem:$0x1E460] =	vst v63  }
0xf4: {  	_ =	swait.ge [sflag:s30], $0x1900  }
0xf5: {  	[sflag:s30] =	ssyncset.done $0x0  }
0xf6: {  	s16 =	simm.s32 $0x4A38;
	[sflag:s30] =	ssyncadd.s32 $0xFFFFE700  }
0xf7: {  	[spmem:s2] =	stream.indirect.scatter.add.f32 [tilespmem:s26], [sflag:$0x10], $0x20, s16, s17, $0xb8;
	[tilespmem:$0x1E460] =	vst v63  }
0xf8: {  	_ =	swait.ge [sflag:s6], $0x1900  }
0xf9: {  	[sflag:s6] =	ssyncset.done $0x0  }
0xfa: {  	s22 =	simm.s32 $0x4B00;
	[sflag:s6] =	ssyncadd.s32 $0xFFFFE700  }
0xfb: {  	[spmem:s2] =	stream.indirect.scatter.add.f32 [tilespmem:s29], [sflag:$0x11], $0x20, s22, s17, $0xb8;
	[tilespmem:$0x1E460] =	vst v63  }
0xfc: {  	_ =	swait.ge [sflag:s8], $0x1900  }
0xfd: {  	[sflag:s8] =	ssyncset.done $0x0  }
0xfe: {  	s23 =	simm.s32 $0x4BC8;
	[sflag:s8] =	ssyncadd.s32 $0xFFFFE700  }
0xff: {  	[spmem:s2] =	stream.indirect.scatter.add.f32 [tilespmem:s31], [sflag:$0x12], $0x20, s23, s17, $0xb8;
	[tilespmem:$0x1E460] =	vst v63  }
0x100: {  	_ =	swait.ge [sflag:s9], $0x1900  }
0x101: {  	[sflag:s9] =	ssyncset.done $0x0  }
0x102: {  	s24 =	simm.s32 $0x4C90;
	[sflag:s9] =	ssyncadd.s32 $0xFFFFE700  }
0x103: {  	[spmem:s2] =	stream.indirect.scatter.add.f32 [tilespmem:s0], [sflag:$0x13], $0x20, s24, s17, $0xb8;
	[tilespmem:$0x1E460] =	vst v63  }
0x104: {  	_ =	swait.ge [sflag:s10], $0x1900  }
0x105: {  	[sflag:s10] =	ssyncset.done $0x0  }
0x106: {  	s25 =	simm.s32 $0x4D58;
	[sflag:s10] =	ssyncadd.s32 $0xFFFFE700  }
0x107: {  	[spmem:s2] =	stream.indirect.scatter.add.f32 [tilespmem:s20], [sflag:$0x14], $0x20, s25, s17, $0xb8;
	[tilespmem:$0x1E460] =	vst v63  }
0x108: {  	_ =	swait.ge [sflag:s11], $0x1900  }
0x109: {  	[sflag:s11] =	ssyncset.done $0x0  }
0x10a: {  	[sflag:s11] =	ssyncadd.s32 $0xFFFFE700  }
0x10b: {  	_ =	swait.ge [sflag:s12], $0x1900  }
0x10c: {  	[sflag:s12] =	ssyncset.done $0x0  }
0x10d: {  	[sflag:s12] =	ssyncadd.s32 $0xFFFFE700  }
0x10e: {  	_ =	swait.ge [sflag:s15], $0x1900  }
0x10f: {  	[sflag:s15] =	ssyncset.done $0x0  }
0x110: {  	[sflag:s15] =	ssyncadd.s32 $0xFFFFE700  }
0x111: {  	_ =	swait.ge [sflag:s4], $0x1900  }
0x112: {  	[sflag:s4] =	ssyncset.done $0x0  }
0x113: {  	[sflag:s4] =	ssyncadd.s32 $0xFFFFE700  }
0x114: {  	_ =	swait.ge [sflag:s13], $0x1900  }
0x115: {  	[sflag:s13] =	ssyncset.done $0x0  }
0x116: {  	[sflag:s13] =	ssyncadd.s32 $0xFFFFE700  }
0x117: {  	_ =	swait.ge [sflag:s7], $0x1900  }
0x118: {  	[sflag:s7] =	ssyncset.done $0x0  }
0x119: {  	[sflag:s7] =	ssyncadd.s32 $0xFFFFE700  }
0x11a: {  	_ =	swait.ge [sflag:s14], $0x1900  }
0x11b: {  	[sflag:s14] =	ssyncset.done $0x0  }
0x11c: {  	[sflag:s14] =	ssyncadd.s32 $0xFFFFE700  }
0x11d: {  	_ =	swait.ge [sflag:s18], $0x1900  }
0x11e: {  	[sflag:s18] =	ssyncset.done $0x0  }
0x11f: {  	[sflag:s18] =	ssyncadd.s32 $0xFFFFE700  }
0x120: {  	_ =	swait.ge [sflag:s19], $0x1900  }
0x121: {  	[sflag:s19] =	ssyncset.done $0x0  }
0x122: {  	[sflag:s19] =	ssyncadd.s32 $0xFFFFE700  }
0x123: {  	_ =	swait.ge [sflag:s21], $0x1900  }
0x124: {  	[sflag:s21] =	ssyncset.done $0x0  }
0x125: {  	[sflag:s21] =	ssyncadd.s32 $0xFFFFE700  }
0x126: {  	[bflag:$0x0] =	sbarrier.arrive $0xFFFF  }
0x127: {  	s16 =	rddreg [dreg:$0x5]  }
0x128: {  	s26 =	rddreg [dreg:$0x9]  }
0x129: {  	s28 =	simm.s32 $0x15;
	s1 =	rddreg [dreg:$0xb]  }
0x12a: {  	[hbm:s26], [sflag:s16] =	dma.local [spmem:s1], $0x9C4  }
0x12b: {  	_ =	swait.ge [sflag:s28], $0x9C4  }
0x12c: {  	s29 =	rddreg [dreg:$0xd]  }
0x12d: {  	s30 =	rddreg [dreg:$0xa];
	s0 =	sadd.s32 $0x1, s29  }
0x12e: {  	p0 =	sne.s32 s0, s30  }
.Ltmp1:
0x12f: {  	_ = 	snop;
	(pc) =	sbr.rel @p0 .LBB2_1-.Ltmp1, $3  }
0x130: {  	_ =	sdelay $0x1  }
0x131: {  	s31 =	simm.s32 $0x15;
	[sflag:s28] =	ssyncset.done $0x0  }
0x132: {  	[sflag:s31] =	ssyncadd.s32 $0xFFFFF63C  }
0x133: {  	_ =	sfence.sel $0x180000  }
0x134: {  	[bflag:$0x0] =	sbarrier.arrive $0xFFFF  }
0x135: {  	_ =	strace $0x9000004A  }
0x136: {  	s0 =	stileid.u32;
	[bflag:$0x2] =	sbarrier.arrive $0xFFFF  }
0x137: {  	p0 =	sne.s32 s0, $0x0;
	s0 =	rddreg [dreg:$0x3]  }
0x138: {  	s0 =	sadd.s32 @!p0 $0x100000, s0  }
0x139: {  	[sflag:s0] =	ssyncadd.tile.s32 @!p0 $0x1;
	_ =	shalt  }
.Lfunc_end2:
_tile_overlayer_lowered:
.L_overlay_start_2:
0x13a: {  	(tag) =	ssettag $0x2  }
0x13b: {  	s0 =	rddreg [dreg:$0x0];
	s2 =	stileid.u32  }
0x13c: {  	s1 =	rddreg [dreg:$0x1];
	p0 =	sne.s32 s2, $0x0  }
0x13d: {  	s3 =	rddreg [dreg:$0x2];
	[bflag:$0x3] =	sbarrier.arrive $0xFFFF;
	s2 =	simm.s32 @!p0 $0x1C15  }
0x13e: {  	[timem:s3], [sflag:s2] =	dma.local @!p0 [hbm:s0], s1  }
0x13f: {  	s0 =	simm.s32 @!p0 $0x15  }
0x140: {  	_ =	swait.ge @!p0 [sflag:s0], s1  }
0x141: {  	s1 =	ssub.s32 @!p0 $0x0, s1;
	[sflag:s0] =	ssyncset.done @!p0 $0x0  }
0x142: {  	[sflag:s0] =	ssyncadd.s32 @!p0 s1  }
0x143: {  	[bflag:$0x3] =	sbarrier.arrive $0xFFFF  }
0x144: {  	_ =	shalt  }

// kernel: kernel.14.cloned.1.call-start
scs
__scs_entry_jumppad:
0x0: {  	(pc) =	sbr.rel $0x88, $3  }
0x1: {  	(tag) =	ssettag $0x0;
	lr =	simm.s32 $0x1  }
0x2: {  	[smem:$0x3F99] =	sst lr;
	_ =	strace $0xD0000000  }
0x3: {  	_ = 	snop  }
0x4: {  	_ = 	snop  }
0x5: {  	_ = 	snop  }
0x6: {  	_ = 	snop  }
0x7: {  	_ = 	snop  }
__scs_overlays_trampoline_lowered:
0x8: {  	[smem:$0x3FA8] =	sst s0  }
0x9: {  	[smem:$0x3FA9] =	sst s1  }
0xa: {  	[smem:$0x3FAA] =	sst s2  }
0xb: {  	[smem:$0x3FAB] =	sst s3  }
0xc: {  	[smem:$0x3FAC] =	sst s4  }
0xd: {  	[smem:$0x3FAD] =	sst s5  }
0xe: {  	[smem:$0x3FAE] =	sst s6  }
0xf: {  	[smem:$0x3FAF] =	sst s7  }
0x10: {  	[smem:$0x3FB0] =	sst s8  }
0x11: {  	[smem:$0x3FB1] =	sst s9;
	s0 =	simm.s32 @!p0 $0x0  }
0x12: {  	s1 =	sld [smem:$0x3F97];
	s0 =	simm.s32 @p0 $0x1  }
0x13: {  	[smem:$0x3FB2] =	sst s0;
	s0 =	simm.s32 @!p1 $0x0  }
0x14: {  	s2 =	sld [smem:$0x3F96];
	s0 =	simm.s32 @p1 $0x1  }
0x15: {  	[smem:$0x3FB3] =	sst s0;
	s0 =	simm.s32 @!p2 $0x0  }
0x16: {  	s3 =	sld [smem:$0x3FDB];
	s0 =	simm.s32 @p2 $0x1  }
0x17: {  	s4 =	simm.s32 $0x1BF5;
	[smem:$0x3FB5] =	sst s0  }
0x18: {  	s0 =	sld [smem:$0x3F98];
	_ =	swait.ge [sflag:s4], $0x0  }
0x19: {  	s7 =	sld [smem:$0x3F99]  }
0x1a: {  	s8 =	sadd.s32 $0xFFFFE003, lr  }
0x1b: {  	s9 =	sadd.s32 $0xFFFFFEF7, lr;
	s5 =	simm.s32 $0xFFFFFFFF;
	p2 =	slt.u32 s8, $0xFFFFF086  }
0x1c: {  	p1 =	slt.u32 s9, $0xF7A;
	s5 =	simm.s32 @!p2 $0x0  }
0x1d: {  	s5 =	simm.s32 @p1 $0x1;
	p0 =	seq.s32 s7, s2  }
0x1e: {  	s7 =	smul.u32 @!p0 $0xF7A, s2;
	p2 =	seq.s32 @!p0 s5, $0x0  }
0x1f: {  	s9 =	smul.u32 $0xF7A, s1;
	s8 =	simm.s32 @!p0 $0x1BF5;
	p2 =	por !p2, p0  }
0x20: {  	[sflag:s8] =	ssyncset.s32 @!p0 $0xFFFFF086;
	s6 =	sadd.s32 @!p0 s3, s7;
	s7 =	simm.s32 @!p0 $0x108  }
0x21: {  	s3 =	sadd.s32 s3, s9;
	s6 =	sadd.s32 @!p0 $0x88, s6;
	s7 =	simm.s32 @p2 $0x1082  }
0x22: {  	[simem:s7], [sflag:s8] =	dma.local @!p0 [hbm:s6], $0xF7A  }
0x23: {  	s9 =	sor.u32 $0xD0000000, s2;
	s6 =	simm.s32 $0x108;
	_ =	swait.ge @!p0 [sflag:s8], $0x0  }
0x24: {  	s3 =	sadd.s32 $0x88, s3;
	s6 =	simm.s32 @!p1 $0x1082;
	[sflag:s4] =	ssyncset.s32 $0xFFFFF086  }
0x25: {  	[simem:s6], [sflag:s4] =	dma.local [hbm:s3], $0xF7A  }
0x26: {  	[smem:$0x3F99] =	sst s1;
	(tag) =	ssettag s2;
	_ =	strace s9  }
0x27: {  	s1 =	sld [smem:$0x3FA9]  }
0x28: {  	s2 =	sld [smem:$0x3FAA]  }
0x29: {  	s4 =	sld [smem:$0x3FAC]  }
0x2a: {  	p0 =	seq.s32 s5, $0x0;
	s5 =	sld [smem:$0x3FAD]  }
0x2b: {  	s6 =	sld [smem:$0x3FAE]  }
0x2c: {  	s7 =	sld [smem:$0x3FAF]  }
0x2d: {  	s3 =	simm.s32 $0x108;
	s8 =	sld [smem:$0x3FB0]  }
0x2e: {  	s3 =	simm.s32 @!p0 $0x1082;
	s9 =	sld [smem:$0x3FB1]  }
0x2f: {  	lr =	sadd.s32 s0, s3;
	s0 =	sld [smem:$0x3FA8]  }
0x30: {  	s3 =	sld [smem:$0x3FAB]  }
0x31: {  	[smem:$0x3FB4] =	sst s10  }
0x32: {  	s10 =	sld [smem:$0x3FB2];
	_ =	sdelay $0x3  }
0x33: {  	p0 =	seq.s32 s10, $0x1;
	s10 =	sld [smem:$0x3FB4];
	_ =	sdelay $0x3  }
0x34: {  	[smem:$0x3FB4] =	sst s10  }
0x35: {  	s10 =	sld [smem:$0x3FB3];
	_ =	sdelay $0x3  }
0x36: {  	p1 =	seq.s32 s10, $0x1;
	s10 =	sld [smem:$0x3FB4];
	_ =	sdelay $0x3  }
0x37: {  	[smem:$0x3FB4] =	sst s10  }
0x38: {  	s10 =	sld [smem:$0x3FB5]  }
0x39: {  	_ = 	snop;
	(pc) =	sbr.ind lr, $3  }
0x3a: {  	_ = 	snop  }
0x3b: {  	_ = 	snop  }
0x3c: {  	p2 =	seq.s32 s10, $0x1;
	s10 =	sld [smem:$0x3FB4]  }
0x3d: {  	_ =	shalt  }
0x3e: {  	_ =	shalt  }
0x3f: {  	_ =	shalt  }
0x40: {  	_ =	shalt  }
0x41: {  	_ =	shalt  }
0x42: {  	_ =	shalt  }
0x43: {  	_ =	shalt  }
0x44: {  	_ =	shalt  }
0x45: {  	_ =	shalt  }
0x46: {  	_ =	shalt  }
0x47: {  	_ =	shalt  }
0x48: {  	_ =	shalt  }
0x49: {  	_ =	shalt  }
0x4a: {  	_ =	shalt  }
0x4b: {  	_ =	shalt  }
0x4c: {  	_ =	shalt  }
0x4d: {  	_ =	shalt  }
0x4e: {  	_ =	shalt  }
0x4f: {  	_ =	shalt  }
0x50: {  	_ =	shalt  }
0x51: {  	_ =	shalt  }
0x52: {  	_ =	shalt  }
0x53: {  	_ =	shalt  }
0x54: {  	_ =	shalt  }
0x55: {  	_ =	shalt  }
0x56: {  	_ =	shalt  }
0x57: {  	_ =	shalt  }
0x58: {  	_ =	shalt  }
0x59: {  	_ =	shalt  }
0x5a: {  	_ =	shalt  }
0x5b: {  	_ =	shalt  }
0x5c: {  	_ =	shalt  }
0x5d: {  	_ =	shalt  }
0x5e: {  	_ =	shalt  }
0x5f: {  	_ =	shalt  }
0x60: {  	_ =	shalt  }
0x61: {  	_ =	shalt  }
0x62: {  	_ =	shalt  }
0x63: {  	_ =	shalt  }
0x64: {  	_ =	shalt  }
0x65: {  	_ =	shalt  }
0x66: {  	_ =	shalt  }
0x67: {  	_ =	shalt  }
0x68: {  	_ =	shalt  }
0x69: {  	_ =	shalt  }
0x6a: {  	_ =	shalt  }
0x6b: {  	_ =	shalt  }
0x6c: {  	_ =	shalt  }
0x6d: {  	_ =	shalt  }
0x6e: {  	_ =	shalt  }
0x6f: {  	_ =	shalt  }
0x70: {  	_ =	shalt  }
0x71: {  	_ =	shalt  }
0x72: {  	_ =	shalt  }
0x73: {  	_ =	shalt  }
0x74: {  	_ =	shalt  }
0x75: {  	_ =	shalt  }
0x76: {  	_ =	shalt  }
0x77: {  	_ =	shalt  }
0x78: {  	_ =	shalt  }
0x79: {  	_ =	shalt  }
0x7a: {  	_ =	shalt  }
0x7b: {  	_ =	shalt  }
0x7c: {  	_ =	shalt  }
0x7d: {  	_ =	shalt  }
0x7e: {  	_ =	shalt  }
0x7f: {  	_ =	shalt  }
0x80: {  	_ =	shalt  }
0x81: {  	_ =	shalt  }
0x82: {  	_ =	shalt  }
0x83: {  	_ =	shalt  }
0x84: {  	_ =	shalt  }
0x85: {  	_ =	shalt  }
0x86: {  	_ =	shalt  }
0x87: {  	_ =	shalt  }
.Lfunc_end0:
.L_simem_size_0:
called_computation.2_lowered:
.L_overlay_start_0:
0x88: {  	s2 =	sld [smem:$0x3FD9]  }
0x89: {  	s3 =	sld [smem:$0x3FFE];
	_ =	sdelay $0x1  }
0x8a: {  	s1 =	srdreg.scid  }
0x8b: {  	s0 =	sand.u32 $0x1, s1  }
0x8c: {  	s16 =	sshll.u32 s0, $0xA;
	s2 =	sadd.s32 s3, s2  }
0x8d: {  	s2 =	sadd.s32 s2, s16  }
0x8e: {  	[smem:$0x3FC0] =	sst s2  }
0x8f: {  	_ = 	snop  }
0x90: {  	(tm) =	ssettm $0x1  }
0x91: {  	s17 =	sld [smem:$0x3FFB];
	_ =	sdelay $0x3  }
0x92: {  	_ =	strace s17  }
0x93: {  	s2 =	sld [smem:$0x3FFC];
	_ =	sdelay $0x3  }
0x94: {  	_ =	strace s2  }
0x95: {  	s2 =	sld [smem:$0x3FFD];
	_ =	sdelay $0x3  }
0x96: {  	_ =	strace s2  }
0x97: {  	_ =	strace $0x8FFFFFFF  }
0x98: {  	s18 =	sld [smem:$0x3FDB];
	_ =	sdelay $0x1  }
0x99: {  	s19 =	simm.s32 $_scs_section_size  }
0x9a: {  	s4 =	simm.s32 $_size__tile_overlayer_lowered;
	s5 =	simm.s32 $_tile_overlayer_lowered  }
0x9b: {  	s22 =	simm.s32 $0x1BFF;
	s21 =	sshll.u32 s5, $0x1;
	s2 =	sadd.s32 s19, s18  }
0x9c: {  	s6 =	simm.s32 $0x0;
	s20 =	sshll.u32 s4, $0x1;
	s4 =	sadd.s32 s21, s2  }
0x9d: {  	[timem:s6], [sflag:s22] =	dma.local [hbm:s4], s20  }
0x9e: {  	_ =	swait.ge [sflag:s22], s20  }
0x9f: {  	s3 =	ssub.s32 $0x0, s20;
	[sflag:s22] =	ssyncset.done $0x0  }
0xa0: {  	[sflag:s22] =	ssyncadd.s32 s3;
	_ =	sdelay $0x1  }
0xa1: {  	s23 =	simm.s32 $0x1B8B  }
0xa2: {  	_ =	swait.ge [sflag:s23], $0x1  }
0xa3: {  	[sflag:s23] =	ssyncset.done $0x0  }
0xa4: {  	s25 =	simm.s32 $0x1B8E;
	s24 =	sld [smem:$0x3FFE];
	[sflag:s23] =	ssyncadd.s32 $0xFFFFFFFF  }
0xa5: {  	s26 =	simm.s32 $execute0_lowered;
	[smem:$0x3FD2] =	sst s25  }
0xa6: {  	s4 =	sshll.u32 s26, $0x1;
	_ =	strace $0x8000004C;
	[dreg:$0x1] =	wrdreg $0xFFFFFFFF  }
0xa7: {  	s28 =	simm.s32 $_size_execute0_lowered;
	s2 =	sadd.s32 s2, s4;
	[dreg:$0x0] =	wrdreg $0x0  }
0xa8: {  	s4 =	sshll.u32 s28, $0x1;
	[dreg:$0x2] =	wrdreg s2  }
0xa9: {  	[dreg:$0x3] =	wrdreg s4  }
0xaa: {  	[dreg:$0x4] =	wrdreg $0xC0  }
0xab: {  	_ =	task [dreg:s6], $0x5FFFF  }
0xac: {  	[dreg:$0x1] =	wrdreg $0xFFFFFFFF  }
0xad: {  	[dreg:$0x0] =	wrdreg $0x60  }
0xae: {  	[dreg:$0x2] =	wrdreg s24  }
0xaf: {  	[dreg:$0x3] =	wrdreg $0x148200  }
0xb0: {  	[dreg:$0x4] =	wrdreg $0x196400  }
0xb1: {  	[dreg:$0x5] =	wrdreg $0x9  }
0xb2: {  	_ =	task.clear_ibuf [dreg:s6], $0x6FFFF;
	_ =	strace $0x9000004C  }
0xb3: {  	s29 =	simm.s32 $0x9;
	_ =	strace $0x8000004E  }
0xb4: {  	_ =	swait.ge [sflag:s29], $0x1  }
0xb5: {  	[sflag:s29] =	ssyncadd.s32 $0xFFFFFFFF  }
0xb6: {  	_ =	strace $0x9000004E  }
0xb7: {  	_ =	sfence  }
0xb8: {  	s30 =	sld [smem:$0x0];
	_ =	sdelay $0x2  }
0xb9: {  	s31 =	sshll.u32 s1, $0xD;
	s1 =	sshrl.u32 s1, $0x2  }
0xba: {  	s3 =	sand.u32 $0x4000, s31;
	s1 =	sadd.s32 s1, s30  }
0xbb: {  	s0 =	sor.u32 s3, s0;
	s1 =	sshll.u32 s1, $0x11  }
0xbc: {  	s0 =	sor.u32 s1, s0  }
0xbd: {  	s0 =	sadd.s32 $0x8F2B, s0  }
0xbe: {  	[sflag:s0] =	ssyncadd.remote.s32 $0x1  }
0xbf: {  	_ =	sfence.sel $0xFFFF  }
0xc0: {  	[dreg:$0x0] =	wrdreg $0xFFFFFFFF;
	(pc) =	sbr.abs _section_cstart, $3  }
0xc1: {  	[dreg:$0x1] =	wrdreg $0xFFFFFFFF  }
0xc2: {  	_ =	task.clear_ibuf [dreg:s6], $0x2FFFF;
	_ =	strace $0x9FFFFFFF  }
0xc3: {  	(tm) =	ssettm $0x7FFFFFFF  }
tec
execute0_lowered:
.L_overlay_start_1:
0x0: {  	(tag) =	ssettag $0x1  }
0x1: {  	s0 =	srdreg.scid;
	s1 =	rddreg [dreg:$0x0]  }
0x2: {  	s11 =	stileid.u32;
	s2 =	rddreg [dreg:$0x1]  }
0x3: {  	s5 =	simm.s32 $0x0;
	s17 =	simm.s32 $0xC8;
	s12 =	simm.s32 $0xC  }
0x4: {  	s15 =	simm.s32 $0xD;
	s13 =	simm.s32 $0xF;
	s14 =	simm.s32 $0x11  }
0x5: {  	s18 =	simm.s32 $0x12;
	s19 =	simm.s32 $0x13;
	s21 =	simm.s32 $0x14  }
0x6: {  	s0 =	sand.u32 $0x1, s0;
	s6 =	smul.u32 $0x4E20, s11;
	[smem:$0x7FF] =	sst s5  }
0x7: {  	s5 =	sadd.s32 $0x3D400, s1;
	s26 =	sshll.u32 s11, $0x6;
	s3 =	sshll.u32 s0, $0x4  }
0x8: {  	s7 =	smul.u32 $0x4E200, s0;
	s0 =	ssub.s32 $0x2, s0;
	s16 =	sor.u32 $0x1C15, s26  }
0x9: {  	s4 =	sor.u32 s11, s3;
	s3 =	rddreg [dreg:$0x2];
	_ =	strace $0x8000004D  }
0xa: {  	s8 =	sshrl.u32 s6, $0x3;
	s10 =	sshrl.u32 s0, $0x1;
	s28 =	sadd.s32 s6, s2  }
0xb: {  	s11 =	simm.s32 $0xB;
	[dreg:$0x5] =	wrdreg s16;
	s4 =	smul.u32 $0x4E2, s4  }
0xc: {  	s7 =	sadd.s32 s6, s7;
	s9 =	sadd.s32 s8, s1;
	s0 =	ssub.s32 s0, s10  }
0xd: {  	s6 =	sadd.s32 s6, s3;
	s29 =	sadd.s32 s5, s8;
	s8 =	simm.s32 $0x8  }
0xe: {  	s10 =	simm.s32 $0xA;
	s9 =	sadd.s32 $0x47200, s9;
	[dreg:$0x6] =	wrdreg s29  }
0xf: {  	s7 =	sshrl.u32 s7, $0x3;
	s0 =	smax.u32 s0, $0x1;
	[dreg:$0x4] =	wrdreg s9  }
0x10: {  	s31 =	sshrl.u32 s6, $0x3;
	s4 =	sadd.s32 s4, s1;
	[dreg:$0xa] =	wrdreg s0  }
0x11: {  	s6 =	simm.s32 $0x7;
	[dreg:$0xc] =	wrdreg s31;
	s30 =	sadd.s32 $0x2600, s4  }
0x12: {  	s1 =	sadd.s32 s7, s1;
	s4 =	sadd.s32 $0xC400, s4;
	[dreg:$0x7] =	wrdreg s30  }
0x13: {  	s9 =	simm.s32 $0x9;
	s1 =	sadd.s32 $0x51000, s1;
	[dreg:$0x8] =	wrdreg s4  }
0x14: {  	s7 =	simm.s32 $0x10;
	[dreg:$0x9] =	wrdreg s1;
	s1 =	sshrl.u32 s28, $0x3  }
0x15: {  	s0 =	simm.s32 $0x0;
	s4 =	simm.s32 $0xE;
	[dreg:$0xb] =	wrdreg s1  }
.LBB2_1:
0x16: {  	[dreg:$0xd] =	wrdreg s0  }
0x17: {  	s28 =	simm.s32 $0x15;
	s23 =	rddreg [dreg:$0x4]  }
0x18: {  	[spmem:s1], [sflag:s16] =	dma.local [hbm:s23], $0x9C4  }
0x19: {  	_ =	swait.ge [sflag:s28], $0x9C4  }
0x1a: {  	[sflag:s28] =	ssyncset.done $0x0;
	s1 =	rddreg [dreg:$0x6]  }
0x1b: {  	s25 =	rddreg [dreg:$0xc];
	[sflag:s28] =	ssyncadd.s32 $0xFFFFF63C  }
0x1c: {  	[spmem:s25], [sflag:s16] =	dma.local [hbm:s1], $0x9C4  }
0x1d: {  	_ =	swait.ge [sflag:s28], $0x9C4  }
0x1e: {  	[sflag:s28] =	ssyncset.done $0x0  }
0x1f: {  	s20 =	simm.s32 $0x0;
	s22 =	rddreg [dreg:$0x7];
	[sflag:s28] =	ssyncadd.s32 $0xFFFFF63C  }
0x20: {  	[tilespmem:s20], [sflag:$0x15] =	stream.linear.gather [hbm4b:s22+s20], $0x2710, $0x38;
	[tilespmem:$0x1E460] =	vst v63  }
0x21: {  	_ =	swait.ge [sflag:s28], $0x2710  }
0x22: {  	[sflag:s28] =	ssyncset.done $0x0  }
0x23: {  	s24 =	simm.s32 $0x2710;
	s23 =	rddreg [dreg:$0x8];
	[sflag:s28] =	ssyncadd.s32 $0xFFFFD8F0  }
0x24: {  	[tilespmem:s24], [sflag:$0x15] =	stream.linear.gather [hbm4b:s23+s20], $0x2710, $0x38;
	[tilespmem:$0x1E460] =	vst v63  }
0x25: {  	_ =	swait.ge [sflag:s28], $0x2710  }
0x26: {  	[sflag:s28] =	ssyncset.done $0x0  }
0x27: {  	[sflag:s28] =	ssyncadd.s32 $0xFFFFD8F0  }
0x28: {  	s1 =	simm.s32 $0x4E20;
	[bflag:$0x0] =	sbarrier.arrive $0xFFFF  }
0x29: {  	[tilespmem:s1], [sflag:$0x1] =	stream.indirect.gather [hbm4b:s5+s17], $0x20, s20, s17, $0xb8;
	[tilespmem:$0x1E460] =	vst v63  }
0x2a: {  	s16 =	simm.s32 $0x6720  }
0x2b: {  	[tilespmem:s16], [sflag:$0x2] =	stream.indirect.gather [hbm4b:s5+s17], $0x20, s17, s17, $0xb8;
	[tilespmem:$0x1E460] =	vst v63  }
0x2c: {  	s26 =	simm.s32 $0x190;
	s22 =	simm.s32 $0x8020  }
0x2d: {  	[tilespmem:s22], [sflag:$0x3] =	stream.indirect.gather [spmem:s3], $0x20, s26, s17, $0xb8;
	[tilespmem:$0x1E460] =	vst v63  }
0x2e: {  	s24 =	simm.s32 $0x9920;
	s28 =	simm.s32 $0x258  }
0x2f: {  	[tilespmem:s24], [sflag:$0x4] =	stream.indirect.gather [spmem:s3], $0x20, s28, s17, $0xb8;
	[tilespmem:$0x1E460] =	vst v63  }
0x30: {  	s29 =	simm.s32 $0x320;
	s25 =	simm.s32 $0xB220  }
0x31: {  	[tilespmem:s25], [sflag:$0x5] =	stream.indirect.gather [spmem:s3], $0x20, s29, s17, $0xb8;
	[tilespmem:$0x1E460] =	vst v63  }
0x32: {  	s30 =	simm.s32 $0x3E8;
	s26 =	simm.s32 $0xCB20  }
0x33: {  	[tilespmem:s26], [sflag:$0x6] =	stream.indirect.gather [spmem:s3], $0x20, s30, s17, $0xb8;
	[tilespmem:$0x1E460] =	vst v63  }
0x34: {  	s31 =	simm.s32 $0x4B0;
	s28 =	simm.s32 $0xE420  }
0x35: {  	[tilespmem:s28], [sflag:$0x7] =	stream.indirect.gather [spmem:s3], $0x20, s31, s17, $0xb8;
	[tilespmem:$0x1E460] =	vst v63  }
0x36: {  	s0 =	simm.s32 $0x578;
	s29 =	simm.s32 $0xFD20  }
0x37: {  	[tilespmem:s29], [sflag:$0x8] =	stream.indirect.gather [spmem:s3], $0x20, s0, s17, $0xb8;
	[tilespmem:$0x1E460] =	vst v63  }
0x38: {  	s20 =	simm.s32 $0x640;
	s30 =	simm.s32 $0x11620  }
0x39: {  	[tilespmem:s30], [sflag:$0x9] =	stream.indirect.gather [spmem:s3], $0x20, s20, s17, $0xb8;
	[tilespmem:$0x1E460] =	vst v63  }
0x3a: {  	s23 =	simm.s32 $0x708;
	s31 =	simm.s32 $0x1;
	s20 =	simm.s32 $0x12F20  }
0x3b: {  	[tilespmem:s20], [sflag:$0xA] =	stream.indirect.gather [spmem:s3], $0x20, s23, s17, $0xb8;
	[tilespmem:$0x1E460] =	vst v63  }
0x3c: {  	_ =	swait.ge [sflag:s31], $0x1900  }
0x3d: {  	[sflag:s31] =	ssyncset.done $0x0  }
0x3e: {  	s0 =	simm.s32 $0x2710;
	[sflag:s31] =	ssyncadd.s32 $0xFFFFE700;
	s31 =	simm.s32 $0x2  }
0x3f: {  	[spmem:s2] =	stream.indirect.scatter.add.f32 [tilespmem:s1], [sflag:$0xB], $0x20, s0, s17, $0xb8;
	[tilespmem:$0x1E460] =	vst v63  }
0x40: {  	_ =	swait.ge [sflag:s31], $0x1900  }
0x41: {  	[sflag:s31] =	ssyncset.done $0x0  }
0x42: {  	s0 =	simm.s32 $0x27D8;
	[sflag:s31] =	ssyncadd.s32 $0xFFFFE700;
	s31 =	simm.s32 $0x3  }
0x43: {  	[spmem:s2] =	stream.indirect.scatter.add.f32 [tilespmem:s16], [sflag:$0xC], $0x20, s0, s17, $0xb8;
	[tilespmem:$0x1E460] =	vst v63  }
0x44: {  	_ =	swait.ge [sflag:s31], $0x1900  }
0x45: {  	[sflag:s31] =	ssyncset.done $0x0  }
0x46: {  	s0 =	simm.s32 $0x28A0;
	[sflag:s31] =	ssyncadd.s32 $0xFFFFE700;
	s31 =	simm.s32 $0x4  }
0x47: {  	[spmem:s2] =	stream.indirect.scatter.add.f32 [tilespmem:s22], [sflag:$0xD], $0x20, s0, s17, $0xb8;
	[tilespmem:$0x1E460] =	vst v63  }
0x48: {  	_ =	swait.ge [sflag:s31], $0x1900  }
0x49: {  	[sflag:s31] =	ssyncset.done $0x0  }
0x4a: {  	s0 =	simm.s32 $0x2968;
	[sflag:s31] =	ssyncadd.s32 $0xFFFFE700;
	s31 =	simm.s32 $0x5  }
0x4b: {  	[spmem:s2] =	stream.indirect.scatter.add.f32 [tilespmem:s24], [sflag:$0xE], $0x20, s0, s17, $0xb8;
	[tilespmem:$0x1E460] =	vst v63  }
0x4c: {  	_ =	swait.ge [sflag:s31], $0x1900  }
0x4d: {  	[sflag:s31] =	ssyncset.done $0x0  }
0x4e: {  	s23 =	simm.s32 $0x6;
	s0 =	simm.s32 $0x2A30;
	[sflag:s31] =	ssyncadd.s32 $0xFFFFE700  }
0x4f: {  	[spmem:s2] =	stream.indirect.scatter.add.f32 [tilespmem:s25], [sflag:$0xF], $0x20, s0, s17, $0xb8;
	[tilespmem:$0x1E460] =	vst v63  }
0x50: {  	_ =	swait.ge [sflag:s23], $0x1900  }
0x51: {  	[sflag:s23] =	ssyncset.done $0x0  }
0x52: {  	s31 =	simm.s32 $0x2AF8;
	[sflag:s23] =	ssyncadd.s32 $0xFFFFE700  }
0x53: {  	[spmem:s2] =	stream.indirect.scatter.add.f32 [tilespmem:s26], [sflag:$0x10], $0x20, s31, s17, $0xb8;
	[tilespmem:$0x1E460] =	vst v63  }
0x54: {  	_ =	swait.ge [sflag:s6], $0x1900  }
0x55: {  	[sflag:s6] =	ssyncset.done $0x0  }
0x56: {  	s0 =	simm.s32 $0x2BC0;
	[sflag:s6] =	ssyncadd.s32 $0xFFFFE700  }
0x57: {  	[spmem:s2] =	stream.indirect.scatter.add.f32 [tilespmem:s28], [sflag:$0x11], $0x20, s0, s17, $0xb8;
	[tilespmem:$0x1E460] =	vst v63  }
0x58: {  	_ =	swait.ge [sflag:s8], $0x1900  }
0x59: {  	[sflag:s8] =	ssyncset.done $0x0  }
0x5a: {  	s31 =	simm.s32 $0x2C88;
	[sflag:s8] =	ssyncadd.s32 $0xFFFFE700  }
0x5b: {  	[spmem:s2] =	stream.indirect.scatter.add.f32 [tilespmem:s29], [sflag:$0x12], $0x20, s31, s17, $0xb8;
	[tilespmem:$0x1E460] =	vst v63  }
0x5c: {  	_ =	swait.ge [sflag:s9], $0x1900  }
0x5d: {  	[sflag:s9] =	ssyncset.done $0x0  }
0x5e: {  	s0 =	simm.s32 $0x2D50;
	[sflag:s9] =	ssyncadd.s32 $0xFFFFE700  }
0x5f: {  	[spmem:s2] =	stream.indirect.scatter.add.f32 [tilespmem:s30], [sflag:$0x13], $0x20, s0, s17, $0xb8;
	[tilespmem:$0x1E460] =	vst v63  }
0x60: {  	_ =	swait.ge [sflag:s10], $0x1900  }
0x61: {  	[sflag:s10] =	ssyncset.done $0x0  }
0x62: {  	s31 =	simm.s32 $0x2E18;
	[sflag:s10] =	ssyncadd.s32 $0xFFFFE700  }
0x63: {  	[spmem:s2] =	stream.indirect.scatter.add.f32 [tilespmem:s20], [sflag:$0x14], $0x20, s31, s17, $0xb8;
	[tilespmem:$0x1E460] =	vst v63  }
0x64: {  	_ =	swait.ge [sflag:s11], $0x1900  }
0x65: {  	[sflag:s11] =	ssyncset.done $0x0  }
0x66: {  	s0 =	simm.s32 $0x7D0;
	[sflag:s11] =	ssyncadd.s32 $0xFFFFE700  }
0x67: {  	[tilespmem:s1], [sflag:$0x1] =	stream.indirect.gather [hbm4b:s5+s17], $0x20, s0, s17, $0xb8;
	[tilespmem:$0x1E460] =	vst v63  }
0x68: {  	_ =	swait.ge [sflag:s12], $0x1900  }
0x69: {  	[sflag:s12] =	ssyncset.done $0x0  }
0x6a: {  	s1 =	simm.s32 $0x898;
	[sflag:s12] =	ssyncadd.s32 $0xFFFFE700  }
0x6b: {  	[tilespmem:s16], [sflag:$0x2] =	stream.indirect.gather [hbm4b:s5+s17], $0x20, s1, s17, $0xb8;
	[tilespmem:$0x1E460] =	vst v63  }
0x6c: {  	_ =	swait.ge [sflag:s15], $0x1900  }
0x6d: {  	[sflag:s15] =	ssyncset.done $0x0  }
0x6e: {  	s20 =	simm.s32 $0x960;
	[sflag:s15] =	ssyncadd.s32 $0xFFFFE700  }
0x6f: {  	[tilespmem:s22], [sflag:$0x3] =	stream.indirect.gather [spmem:s3], $0x20, s20, s17, $0xb8;
	[tilespmem:$0x1E460] =	vst v63  }
0x70: {  	_ =	swait.ge [sflag:s4], $0x1900  }
0x71: {  	[sflag:s4] =	ssyncset.done $0x0  }
0x72: {  	s22 =	simm.s32 $0xA28;
	[sflag:s4] =	ssyncadd.s32 $0xFFFFE700  }
0x73: {  	[tilespmem:s24], [sflag:$0x4] =	stream.indirect.gather [spmem:s3], $0x20, s22, s17, $0xb8;
	[tilespmem:$0x1E460] =	vst v63  }
0x74: {  	_ =	swait.ge [sflag:s13], $0x1900  }
0x75: {  	[sflag:s13] =	ssyncset.done $0x0  }
0x76: {  	s24 =	simm.s32 $0xAF0;
	[sflag:s13] =	ssyncadd.s32 $0xFFFFE700  }
0x77: {  	[tilespmem:s25], [sflag:$0x5] =	stream.indirect.gather [spmem:s3], $0x20, s24, s17, $0xb8;
	[tilespmem:$0x1E460] =	vst v63  }
0x78: {  	_ =	swait.ge [sflag:s7], $0x1900  }
0x79: {  	[sflag:s7] =	ssyncset.done $0x0  }
0x7a: {  	s25 =	simm.s32 $0xBB8;
	[sflag:s7] =	ssyncadd.s32 $0xFFFFE700  }
0x7b: {  	[tilespmem:s26], [sflag:$0x6] =	stream.indirect.gather [spmem:s3], $0x20, s25, s17, $0xb8;
	[tilespmem:$0x1E460] =	vst v63  }
0x7c: {  	_ =	swait.ge [sflag:s14], $0x1900  }
0x7d: {  	[sflag:s14] =	ssyncset.done $0x0  }
0x7e: {  	s26 =	simm.s32 $0xC80;
	[sflag:s14] =	ssyncadd.s32 $0xFFFFE700  }
0x7f: {  	[tilespmem:s28], [sflag:$0x7] =	stream.indirect.gather [spmem:s3], $0x20, s26, s17, $0xb8;
	[tilespmem:$0x1E460] =	vst v63  }
0x80: {  	_ =	swait.ge [sflag:s18], $0x1900  }
0x81: {  	[sflag:s18] =	ssyncset.done $0x0  }
0x82: {  	s28 =	simm.s32 $0xD48;
	[sflag:s18] =	ssyncadd.s32 $0xFFFFE700  }
0x83: {  	[tilespmem:s29], [sflag:$0x8] =	stream.indirect.gather [spmem:s3], $0x20, s28, s17, $0xb8;
	[tilespmem:$0x1E460] =	vst v63  }
0x84: {  	_ =	swait.ge [sflag:s19], $0x1900  }
0x85: {  	[sflag:s19] =	ssyncset.done $0x0  }
0x86: {  	s31 =	simm.s32 $0xE10;
	[sflag:s19] =	ssyncadd.s32 $0xFFFFE700  }
0x87: {  	[tilespmem:s30], [sflag:$0x9] =	stream.indirect.gather [spmem:s3], $0x20, s31, s17, $0xb8;
	[tilespmem:$0x1E460] =	vst v63  }
0x88: {  	_ =	swait.ge [sflag:s21], $0x1900  }
0x89: {  	[sflag:s21] =	ssyncset.done $0x0  }
0x8a: {  	s23 =	simm.s32 $0x1F40;
	s25 =	simm.s32 $0xED8;
	[sflag:s21] =	ssyncadd.s32 $0xFFFFE700  }
.LBB2_2:
0x8b: {  	s1 =	simm.s32 $0x12F20  }
0x8c: {  	[tilespmem:s1], [sflag:$0xA] =	stream.indirect.gather [spmem:s3], $0x20, s25, s17, $0xb8;
	[tilespmem:$0x1E460] =	vst v63  }
0x8d: {  	s0 =	simm.s32 $0x1;
	s25 =	smov.u32 s23  }
0x8e: {  	p0 =	sne.s32 s23, $0x5DC0;
	s23 =	sadd.s32 $0x1F40, s23;
	_ =	swait.ge [sflag:s0], $0x1900  }
0x8f: {  	s30 =	simm.s32 $0x4E20;
	s25 =	sshra.s32 s25, $0x2;
	[sflag:s0] =	ssyncset.done $0x0  }
0x90: {  	s28 =	sadd.s32 $0x2710, s25;
	[sflag:s0] =	ssyncadd.s32 $0xFFFFE700;
	s0 =	simm.s32 $0x2  }
0x91: {  	[spmem:s2] =	stream.indirect.scatter.add.f32 [tilespmem:s30], [sflag:$0xB], $0x20, s28, s17, $0xb8;
	[tilespmem:$0x1E460] =	vst v63  }
0x92: {  	_ =	swait.ge [sflag:s0], $0x1900  }
0x93: {  	s16 =	simm.s32 $0x6720;
	[sflag:s0] =	ssyncset.done $0x0  }
0x94: {  	s28 =	sadd.s32 $0x27D8, s25;
	[sflag:s0] =	ssyncadd.s32 $0xFFFFE700;
	s0 =	simm.s32 $0x3  }
0x95: {  	[spmem:s2] =	stream.indirect.scatter.add.f32 [tilespmem:s16], [sflag:$0xC], $0x20, s28, s17, $0xb8;
	[tilespmem:$0x1E460] =	vst v63  }
0x96: {  	_ =	swait.ge [sflag:s0], $0x1900  }
0x97: {  	s22 =	simm.s32 $0x8020;
	[sflag:s0] =	ssyncset.done $0x0  }
0x98: {  	s28 =	sadd.s32 $0x28A0, s25;
	[sflag:s0] =	ssyncadd.s32 $0xFFFFE700;
	s0 =	simm.s32 $0x4  }
0x99: {  	[spmem:s2] =	stream.indirect.scatter.add.f32 [tilespmem:s22], [sflag:$0xD], $0x20, s28, s17, $0xb8;
	[tilespmem:$0x1E460] =	vst v63  }
0x9a: {  	_ =	swait.ge [sflag:s0], $0x1900  }
0x9b: {  	s24 =	simm.s32 $0x9920;
	[sflag:s0] =	ssyncset.done $0x0  }
0x9c: {  	s28 =	sadd.s32 $0x2968, s25;
	[sflag:s0] =	ssyncadd.s32 $0xFFFFE700;
	s0 =	simm.s32 $0x5  }
0x9d: {  	[spmem:s2] =	stream.indirect.scatter.add.f32 [tilespmem:s24], [sflag:$0xE], $0x20, s28, s17, $0xb8;
	[tilespmem:$0x1E460] =	vst v63  }
0x9e: {  	_ =	swait.ge [sflag:s0], $0x1900  }
0x9f: {  	s26 =	simm.s32 $0xB220;
	[sflag:s0] =	ssyncset.done $0x0  }
0xa0: {  	s28 =	sadd.s32 $0x2A30, s25;
	[sflag:s0] =	ssyncadd.s32 $0xFFFFE700;
	s0 =	simm.s32 $0x6  }
0xa1: {  	[spmem:s2] =	stream.indirect.scatter.add.f32 [tilespmem:s26], [sflag:$0xF], $0x20, s28, s17, $0xb8;
	[tilespmem:$0x1E460] =	vst v63  }
0xa2: {  	_ =	swait.ge [sflag:s0], $0x1900  }
0xa3: {  	[sflag:s0] =	ssyncset.done $0x0  }
0xa4: {  	s29 =	simm.s32 $0xCB20;
	s28 =	sadd.s32 $0x2AF8, s25;
	[sflag:s0] =	ssyncadd.s32 $0xFFFFE700  }
0xa5: {  	[spmem:s2] =	stream.indirect.scatter.add.f32 [tilespmem:s29], [sflag:$0x10], $0x20, s28, s17, $0xb8;
	[tilespmem:$0x1E460] =	vst v63  }
0xa6: {  	_ =	swait.ge [sflag:s6], $0x1900  }
0xa7: {  	[sflag:s6] =	ssyncset.done $0x0  }
0xa8: {  	s31 =	simm.s32 $0xE420;
	s28 =	sadd.s32 $0x2BC0, s25;
	[sflag:s6] =	ssyncadd.s32 $0xFFFFE700  }
0xa9: {  	[spmem:s2] =	stream.indirect.scatter.add.f32 [tilespmem:s31], [sflag:$0x11], $0x20, s28, s17, $0xb8;
	[tilespmem:$0x1E460] =	vst v63  }
0xaa: {  	_ =	swait.ge [sflag:s8], $0x1900  }
0xab: {  	[sflag:s8] =	ssyncset.done $0x0  }
0xac: {  	s0 =	simm.s32 $0xFD20;
	s28 =	sadd.s32 $0x2C88, s25;
	[sflag:s8] =	ssyncadd.s32 $0xFFFFE700  }
0xad: {  	[spmem:s2] =	stream.indirect.scatter.add.f32 [tilespmem:s0], [sflag:$0x12], $0x20, s28, s17, $0xb8;
	[tilespmem:$0x1E460] =	vst v63  }
0xae: {  	_ =	swait.ge [sflag:s9], $0x1900  }
0xaf: {  	[sflag:s9] =	ssyncset.done $0x0  }
0xb0: {  	s20 =	simm.s32 $0x11620;
	s28 =	sadd.s32 $0x2D50, s25;
	[sflag:s9] =	ssyncadd.s32 $0xFFFFE700  }
0xb1: {  	[spmem:s2] =	stream.indirect.scatter.add.f32 [tilespmem:s20], [sflag:$0x13], $0x20, s28, s17, $0xb8;
	[tilespmem:$0x1E460] =	vst v63  }
0xb2: {  	_ =	swait.ge [sflag:s10], $0x1900  }
0xb3: {  	[sflag:s10] =	ssyncset.done $0x0  }
0xb4: {  	s28 =	sadd.s32 $0x2E18, s25;
	[sflag:s10] =	ssyncadd.s32 $0xFFFFE700  }
0xb5: {  	[spmem:s2] =	stream.indirect.scatter.add.f32 [tilespmem:s1], [sflag:$0x14], $0x20, s28, s17, $0xb8;
	[tilespmem:$0x1E460] =	vst v63  }
0xb6: {  	_ =	swait.ge [sflag:s11], $0x1900  }
0xb7: {  	[sflag:s11] =	ssyncset.done $0x0  }
0xb8: {  	s28 =	sadd.s32 $0x7D0, s25;
	s1 =	simm.s32 $0x4E20;
	[sflag:s11] =	ssyncadd.s32 $0xFFFFE700  }
0xb9: {  	[tilespmem:s30], [sflag:$0x1] =	stream.indirect.gather [hbm4b:s5+s17], $0x20, s28, s17, $0xb8;
	[tilespmem:$0x1E460] =	vst v63  }
0xba: {  	_ =	swait.ge [sflag:s12], $0x1900  }
0xbb: {  	[sflag:s12] =	ssyncset.done $0x0  }
0xbc: {  	s28 =	sadd.s32 $0x898, s25;
	s30 =	simm.s32 $0x6720;
	[sflag:s12] =	ssyncadd.s32 $0xFFFFE700  }
0xbd: {  	[tilespmem:s16], [sflag:$0x2] =	stream.indirect.gather [hbm4b:s5+s17], $0x20, s28, s17, $0xb8;
	[tilespmem:$0x1E460] =	vst v63  }
0xbe: {  	_ =	swait.ge [sflag:s15], $0x1900  }
0xbf: {  	[sflag:s15] =	ssyncset.done $0x0  }
0xc0: {  	s28 =	sadd.s32 $0x960, s25;
	s16 =	simm.s32 $0x8020;
	[sflag:s15] =	ssyncadd.s32 $0xFFFFE700  }
0xc1: {  	[tilespmem:s22], [sflag:$0x3] =	stream.indirect.gather [spmem:s3], $0x20, s28, s17, $0xb8;
	[tilespmem:$0x1E460] =	vst v63  }
0xc2: {  	_ =	swait.ge [sflag:s4], $0x1900  }
0xc3: {  	[sflag:s4] =	ssyncset.done $0x0  }
0xc4: {  	s28 =	sadd.s32 $0xA28, s25;
	s22 =	simm.s32 $0x9920;
	[sflag:s4] =	ssyncadd.s32 $0xFFFFE700  }
0xc5: {  	[tilespmem:s24], [sflag:$0x4] =	stream.indirect.gather [spmem:s3], $0x20, s28, s17, $0xb8;
	[tilespmem:$0x1E460] =	vst v63  }
0xc6: {  	_ =	swait.ge [sflag:s13], $0x1900  }
0xc7: {  	[sflag:s13] =	ssyncset.done $0x0  }
0xc8: {  	s28 =	sadd.s32 $0xAF0, s25;
	s24 =	simm.s32 $0xB220;
	[sflag:s13] =	ssyncadd.s32 $0xFFFFE700  }
0xc9: {  	[tilespmem:s26], [sflag:$0x5] =	stream.indirect.gather [spmem:s3], $0x20, s28, s17, $0xb8;
	[tilespmem:$0x1E460] =	vst v63  }
0xca: {  	_ =	swait.ge [sflag:s7], $0x1900  }
0xcb: {  	[sflag:s7] =	ssyncset.done $0x0  }
0xcc: {  	s28 =	sadd.s32 $0xBB8, s25;
	s26 =	simm.s32 $0xCB20;
	[sflag:s7] =	ssyncadd.s32 $0xFFFFE700  }
0xcd: {  	[tilespmem:s29], [sflag:$0x6] =	stream.indirect.gather [spmem:s3], $0x20, s28, s17, $0xb8;
	[tilespmem:$0x1E460] =	vst v63  }
0xce: {  	_ =	swait.ge [sflag:s14], $0x1900  }
0xcf: {  	[sflag:s14] =	ssyncset.done $0x0  }
0xd0: {  	s28 =	sadd.s32 $0xC80, s25;
	s29 =	simm.s32 $0xE420;
	[sflag:s14] =	ssyncadd.s32 $0xFFFFE700  }
0xd1: {  	[tilespmem:s31], [sflag:$0x7] =	stream.indirect.gather [spmem:s3], $0x20, s28, s17, $0xb8;
	[tilespmem:$0x1E460] =	vst v63  }
0xd2: {  	_ =	swait.ge [sflag:s18], $0x1900  }
0xd3: {  	[sflag:s18] =	ssyncset.done $0x0  }
0xd4: {  	s28 =	sadd.s32 $0xD48, s25;
	s31 =	simm.s32 $0xFD20;
	[sflag:s18] =	ssyncadd.s32 $0xFFFFE700  }
0xd5: {  	[tilespmem:s0], [sflag:$0x8] =	stream.indirect.gather [spmem:s3], $0x20, s28, s17, $0xb8;
	[tilespmem:$0x1E460] =	vst v63  }
0xd6: {  	_ =	swait.ge [sflag:s19], $0x1900  }
0xd7: {  	s28 =	sadd.s32 $0xE10, s25;
	[sflag:s19] =	ssyncset.done $0x0  }
.Ltmp0:
0xd8: {  	s0 =	simm.s32 $0x11620;
	[sflag:s19] =	ssyncadd.s32 $0xFFFFE700;
	(pc) =	sbr.rel @p0 .LBB2_2-.Ltmp0, $4  }
0xd9: {  	[tilespmem:s20], [sflag:$0x9] =	stream.indirect.gather [spmem:s3], $0x20, s28, s17, $0xb8;
	[tilespmem:$0x1E460] =	vst v63  }
0xda: {  	_ =	swait.ge [sflag:s21], $0x1900  }
0xdb: {  	[sflag:s21] =	ssyncset.done $0x0  }
0xdc: {  	s25 =	sadd.s32 $0xED8, s25;
	[sflag:s21] =	ssyncadd.s32 $0xFFFFE700  }
0xdd: {  	s20 =	simm.s32 $0x12F20;
	s23 =	simm.s32 $0x1  }
0xde: {  	[tilespmem:s20], [sflag:$0xA] =	stream.indirect.gather [spmem:s3], $0x20, s25, s17, $0xb8;
	[tilespmem:$0x1E460] =	vst v63  }
0xdf: {  	_ =	swait.ge [sflag:s23], $0x1900  }
0xe0: {  	[sflag:s23] =	ssyncset.done $0x0  }
0xe1: {  	s28 =	simm.s32 $0x4650;
	[sflag:s23] =	ssyncadd.s32 $0xFFFFE700;
	s23 =	simm.s32 $0x2  }
0xe2: {  	[spmem:s2] =	stream.indirect.scatter.add.f32 [tilespmem:s1], [sflag:$0xB], $0x20, s28, s17, $0xb8;
	[tilespmem:$0x1E460] =	vst v63  }
0xe3: {  	_ =	swait.ge [sflag:s23], $0x1900  }
0xe4: {  	[sflag:s23] =	ssyncset.done $0x0  }
0xe5: {  	s25 =	simm.s32 $0x4718;
	s28 =	simm.s32 $0x3;
	[sflag:s23] =	ssyncadd.s32 $0xFFFFE700  }
0xe6: {  	[spmem:s2] =	stream.indirect.scatter.add.f32 [tilespmem:s30], [sflag:$0xC], $0x20, s25, s17, $0xb8;
	[tilespmem:$0x1E460] =	vst v63  }
0xe7: {  	_ =	swait.ge [sflag:s28], $0x1900  }
0xe8: {  	[sflag:s28] =	ssyncset.done $0x0  }
0xe9: {  	s30 =	simm.s32 $0x47E0;
	[sflag:s28] =	ssyncadd.s32 $0xFFFFE700  }
0xea: {  	[spmem:s2] =	stream.indirect.scatter.add.f32 [tilespmem:s16], [sflag:$0xD], $0x20, s30, s17, $0xb8;
	[tilespmem:$0x1E460] =	vst v63  }
0xeb: {  	s16 =	simm.s32 $0x4  }
0xec: {  	_ =	swait.ge [sflag:s16], $0x1900  }
0xed: {  	[sflag:s16] =	ssyncset.done $0x0  }
0xee: {  	s23 =	simm.s32 $0x48A8;
	s25 =	simm.s32 $0x5;
	[sflag:s16] =	ssyncadd.s32 $0xFFFFE700  }
0xef: {  	[spmem:s2] =	stream.indirect.scatter.add.f32 [tilespmem:s22], [sflag:$0xE], $0x20, s23, s17, $0xb8;
	[tilespmem:$0x1E460] =	vst v63  }
0xf0: {  	_ =	swait.ge [sflag:s25], $0x1900  }
0xf1: {  	[sflag:s25] =	ssyncset.done $0x0  }
0xf2: {  	s28 =	simm.s32 $0x4970;
	s30 =	simm.s32 $0x6;
	[sflag:s25] =	ssyncadd.s32 $0xFFFFE700  }
0xf3: {  	[spmem:s2] =	stream.indirect.scatter.add.f32 [tilespmem:s24], [sflag:$0xF], $0x20, s28, s17, $0xb8;
	[tilespmem:$0x1E460] =	vst v63  }
0xf4: {  	_ =	swait.ge [sflag:s30], $0x1900  }
0xf5: {  	[sflag:s30] =	ssyncset.done $0x0  }
0xf6: {  	s16 =	simm.s32 $0x4A38;
	[sflag:s30] =	ssyncadd.s32 $0xFFFFE700  }
0xf7: {  	[spmem:s2] =	stream.indirect.scatter.add.f32 [tilespmem:s26], [sflag:$0x10], $0x20, s16, s17, $0xb8;
	[tilespmem:$0x1E460] =	vst v63  }
0xf8: {  	_ =	swait.ge [sflag:s6], $0x1900  }
0xf9: {  	[sflag:s6] =	ssyncset.done $0x0  }
0xfa: {  	s22 =	simm.s32 $0x4B00;
	[sflag:s6] =	ssyncadd.s32 $0xFFFFE700  }
0xfb: {  	[spmem:s2] =	stream.indirect.scatter.add.f32 [tilespmem:s29], [sflag:$0x11], $0x20, s22, s17, $0xb8;
	[tilespmem:$0x1E460] =	vst v63  }
0xfc: {  	_ =	swait.ge [sflag:s8], $0x1900  }
0xfd: {  	[sflag:s8] =	ssyncset.done $0x0  }
0xfe: {  	s23 =	simm.s32 $0x4BC8;
	[sflag:s8] =	ssyncadd.s32 $0xFFFFE700  }
0xff: {  	[spmem:s2] =	stream.indirect.scatter.add.f32 [tilespmem:s31], [sflag:$0x12], $0x20, s23, s17, $0xb8;
	[tilespmem:$0x1E460] =	vst v63  }
0x100: {  	_ =	swait.ge [sflag:s9], $0x1900  }
0x101: {  	[sflag:s9] =	ssyncset.done $0x0  }
0x102: {  	s24 =	simm.s32 $0x4C90;
	[sflag:s9] =	ssyncadd.s32 $0xFFFFE700  }
0x103: {  	[spmem:s2] =	stream.indirect.scatter.add.f32 [tilespmem:s0], [sflag:$0x13], $0x20, s24, s17, $0xb8;
	[tilespmem:$0x1E460] =	vst v63  }
0x104: {  	_ =	swait.ge [sflag:s10], $0x1900  }
0x105: {  	[sflag:s10] =	ssyncset.done $0x0  }
0x106: {  	s25 =	simm.s32 $0x4D58;
	[sflag:s10] =	ssyncadd.s32 $0xFFFFE700  }
0x107: {  	[spmem:s2] =	stream.indirect.scatter.add.f32 [tilespmem:s20], [sflag:$0x14], $0x20, s25, s17, $0xb8;
	[tilespmem:$0x1E460] =	vst v63  }
0x108: {  	_ =	swait.ge [sflag:s11], $0x1900  }
0x109: {  	[sflag:s11] =	ssyncset.done $0x0  }
0x10a: {  	[sflag:s11] =	ssyncadd.s32 $0xFFFFE700  }
0x10b: {  	_ =	swait.ge [sflag:s12], $0x1900  }
0x10c: {  	[sflag:s12] =	ssyncset.done $0x0  }
0x10d: {  	[sflag:s12] =	ssyncadd.s32 $0xFFFFE700  }
0x10e: {  	_ =	swait.ge [sflag:s15], $0x1900  }
0x10f: {  	[sflag:s15] =	ssyncset.done $0x0  }
0x110: {  	[sflag:s15] =	ssyncadd.s32 $0xFFFFE700  }
0x111: {  	_ =	swait.ge [sflag:s4], $0x1900  }
0x112: {  	[sflag:s4] =	ssyncset.done $0x0  }
0x113: {  	[sflag:s4] =	ssyncadd.s32 $0xFFFFE700  }
0x114: {  	_ =	swait.ge [sflag:s13], $0x1900  }
0x115: {  	[sflag:s13] =	ssyncset.done $0x0  }
0x116: {  	[sflag:s13] =	ssyncadd.s32 $0xFFFFE700  }
0x117: {  	_ =	swait.ge [sflag:s7], $0x1900  }
0x118: {  	[sflag:s7] =	ssyncset.done $0x0  }
0x119: {  	[sflag:s7] =	ssyncadd.s32 $0xFFFFE700  }
0x11a: {  	_ =	swait.ge [sflag:s14], $0x1900  }
0x11b: {  	[sflag:s14] =	ssyncset.done $0x0  }
0x11c: {  	[sflag:s14] =	ssyncadd.s32 $0xFFFFE700  }
0x11d: {  	_ =	swait.ge [sflag:s18], $0x1900  }
0x11e: {  	[sflag:s18] =	ssyncset.done $0x0  }
0x11f: {  	[sflag:s18] =	ssyncadd.s32 $0xFFFFE700  }
0x120: {  	_ =	swait.ge [sflag:s19], $0x1900  }
0x121: {  	[sflag:s19] =	ssyncset.done $0x0  }
0x122: {  	[sflag:s19] =	ssyncadd.s32 $0xFFFFE700  }
0x123: {  	_ =	swait.ge [sflag:s21], $0x1900  }
0x124: {  	[sflag:s21] =	ssyncset.done $0x0  }
0x125: {  	[sflag:s21] =	ssyncadd.s32 $0xFFFFE700  }
0x126: {  	[bflag:$0x0] =	sbarrier.arrive $0xFFFF  }
0x127: {  	s16 =	rddreg [dreg:$0x5]  }
0x128: {  	s26 =	rddreg [dreg:$0x9]  }
0x129: {  	s28 =	simm.s32 $0x15;
	s1 =	rddreg [dreg:$0xb]  }
0x12a: {  	[hbm:s26], [sflag:s16] =	dma.local [spmem:s1], $0x9C4  }
0x12b: {  	_ =	swait.ge [sflag:s28], $0x9C4  }
0x12c: {  	s29 =	rddreg [dreg:$0xd]  }
0x12d: {  	s30 =	rddreg [dreg:$0xa];
	s0 =	sadd.s32 $0x1, s29  }
0x12e: {  	p0 =	sne.s32 s0, s30  }
.Ltmp1:
0x12f: {  	_ = 	snop;
	(pc) =	sbr.rel @p0 .LBB2_1-.Ltmp1, $3  }
0x130: {  	_ =	sdelay $0x1  }
0x131: {  	s31 =	simm.s32 $0x15;
	[sflag:s28] =	ssyncset.done $0x0  }
0x132: {  	[sflag:s31] =	ssyncadd.s32 $0xFFFFF63C  }
0x133: {  	_ =	sfence.sel $0x180000  }
0x134: {  	[bflag:$0x0] =	sbarrier.arrive $0xFFFF  }
0x135: {  	_ =	strace $0x9000004D  }
0x136: {  	s0 =	stileid.u32;
	[bflag:$0x2] =	sbarrier.arrive $0xFFFF  }
0x137: {  	p0 =	sne.s32 s0, $0x0;
	s0 =	rddreg [dreg:$0x3]  }
0x138: {  	s0 =	sadd.s32 @!p0 $0x100000, s0  }
0x139: {  	[sflag:s0] =	ssyncadd.tile.s32 @!p0 $0x1;
	_ =	shalt  }
.Lfunc_end2:
_tile_overlayer_lowered:
.L_overlay_start_2:
0x13a: {  	(tag) =	ssettag $0x2  }
0x13b: {  	s0 =	rddreg [dreg:$0x0];
	s2 =	stileid.u32  }
0x13c: {  	s1 =	rddreg [dreg:$0x1];
	p0 =	sne.s32 s2, $0x0  }
0x13d: {  	s3 =	rddreg [dreg:$0x2];
	[bflag:$0x3] =	sbarrier.arrive $0xFFFF;
	s2 =	simm.s32 @!p0 $0x1C15  }
0x13e: {  	[timem:s3], [sflag:s2] =	dma.local @!p0 [hbm:s0], s1  }
0x13f: {  	s0 =	simm.s32 @!p0 $0x15  }
0x140: {  	_ =	swait.ge @!p0 [sflag:s0], s1  }
0x141: {  	s1 =	ssub.s32 @!p0 $0x0, s1;
	[sflag:s0] =	ssyncset.done @!p0 $0x0  }
0x142: {  	[sflag:s0] =	ssyncadd.s32 @!p0 s1  }
0x143: {  	[bflag:$0x3] =	sbarrier.arrive $0xFFFF  }
0x144: {  	_ =	shalt  }

// kernel: kernel.8.cloned.1.call-start
scs
__scs_entry_jumppad:
0x0: {  	(pc) =	sbr.rel $0x88, $3  }
0x1: {  	(tag) =	ssettag $0x0;
	lr =	simm.s32 $0x1  }
0x2: {  	[smem:$0x3F99] =	sst lr;
	_ =	strace $0xD0000000  }
0x3: {  	_ = 	snop  }
0x4: {  	_ = 	snop  }
0x5: {  	_ = 	snop  }
0x6: {  	_ = 	snop  }
0x7: {  	_ = 	snop  }
__scs_overlays_trampoline_lowered:
0x8: {  	[smem:$0x3FA8] =	sst s0  }
0x9: {  	[smem:$0x3FA9] =	sst s1  }
0xa: {  	[smem:$0x3FAA] =	sst s2  }
0xb: {  	[smem:$0x3FAB] =	sst s3  }
0xc: {  	[smem:$0x3FAC] =	sst s4  }
0xd: {  	[smem:$0x3FAD] =	sst s5  }
0xe: {  	[smem:$0x3FAE] =	sst s6  }
0xf: {  	[smem:$0x3FAF] =	sst s7  }
0x10: {  	[smem:$0x3FB0] =	sst s8  }
0x11: {  	[smem:$0x3FB1] =	sst s9;
	s0 =	simm.s32 @!p0 $0x0  }
0x12: {  	s1 =	sld [smem:$0x3F97];
	s0 =	simm.s32 @p0 $0x1  }
0x13: {  	[smem:$0x3FB2] =	sst s0;
	s0 =	simm.s32 @!p1 $0x0  }
0x14: {  	s2 =	sld [smem:$0x3F96];
	s0 =	simm.s32 @p1 $0x1  }
0x15: {  	[smem:$0x3FB3] =	sst s0;
	s0 =	simm.s32 @!p2 $0x0  }
0x16: {  	s3 =	sld [smem:$0x3FDB];
	s0 =	simm.s32 @p2 $0x1  }
0x17: {  	s4 =	simm.s32 $0x1BF5;
	[smem:$0x3FB5] =	sst s0  }
0x18: {  	s0 =	sld [smem:$0x3F98];
	_ =	swait.ge [sflag:s4], $0x0  }
0x19: {  	s7 =	sld [smem:$0x3F99]  }
0x1a: {  	s8 =	sadd.s32 $0xFFFFE003, lr  }
0x1b: {  	s9 =	sadd.s32 $0xFFFFFEF7, lr;
	s5 =	simm.s32 $0xFFFFFFFF;
	p2 =	slt.u32 s8, $0xFFFFF086  }
0x1c: {  	p1 =	slt.u32 s9, $0xF7A;
	s5 =	simm.s32 @!p2 $0x0  }
0x1d: {  	s5 =	simm.s32 @p1 $0x1;
	p0 =	seq.s32 s7, s2  }
0x1e: {  	s7 =	smul.u32 @!p0 $0xF7A, s2;
	p2 =	seq.s32 @!p0 s5, $0x0  }
0x1f: {  	s9 =	smul.u32 $0xF7A, s1;
	s8 =	simm.s32 @!p0 $0x1BF5;
	p2 =	por !p2, p0  }
0x20: {  	[sflag:s8] =	ssyncset.s32 @!p0 $0xFFFFF086;
	s6 =	sadd.s32 @!p0 s3, s7;
	s7 =	simm.s32 @!p0 $0x108  }
0x21: {  	s3 =	sadd.s32 s3, s9;
	s6 =	sadd.s32 @!p0 $0x88, s6;
	s7 =	simm.s32 @p2 $0x1082  }
0x22: {  	[simem:s7], [sflag:s8] =	dma.local @!p0 [hbm:s6], $0xF7A  }
0x23: {  	s9 =	sor.u32 $0xD0000000, s2;
	s6 =	simm.s32 $0x108;
	_ =	swait.ge @!p0 [sflag:s8], $0x0  }
0x24: {  	s3 =	sadd.s32 $0x88, s3;
	s6 =	simm.s32 @!p1 $0x1082;
	[sflag:s4] =	ssyncset.s32 $0xFFFFF086  }
0x25: {  	[simem:s6], [sflag:s4] =	dma.local [hbm:s3], $0xF7A  }
0x26: {  	[smem:$0x3F99] =	sst s1;
	(tag) =	ssettag s2;
	_ =	strace s9  }
0x27: {  	s1 =	sld [smem:$0x3FA9]  }
0x28: {  	s2 =	sld [smem:$0x3FAA]  }
0x29: {  	s4 =	sld [smem:$0x3FAC]  }
0x2a: {  	p0 =	seq.s32 s5, $0x0;
	s5 =	sld [smem:$0x3FAD]  }
0x2b: {  	s6 =	sld [smem:$0x3FAE]  }
0x2c: {  	s7 =	sld [smem:$0x3FAF]  }
0x2d: {  	s3 =	simm.s32 $0x108;
	s8 =	sld [smem:$0x3FB0]  }
0x2e: {  	s3 =	simm.s32 @!p0 $0x1082;
	s9 =	sld [smem:$0x3FB1]  }
0x2f: {  	lr =	sadd.s32 s0, s3;
	s0 =	sld [smem:$0x3FA8]  }
0x30: {  	s3 =	sld [smem:$0x3FAB]  }
0x31: {  	[smem:$0x3FB4] =	sst s10  }
0x32: {  	s10 =	sld [smem:$0x3FB2];
	_ =	sdelay $0x3  }
0x33: {  	p0 =	seq.s32 s10, $0x1;
	s10 =	sld [smem:$0x3FB4];
	_ =	sdelay $0x3  }
0x34: {  	[smem:$0x3FB4] =	sst s10  }
0x35: {  	s10 =	sld [smem:$0x3FB3];
	_ =	sdelay $0x3  }
0x36: {  	p1 =	seq.s32 s10, $0x1;
	s10 =	sld [smem:$0x3FB4];
	_ =	sdelay $0x3  }
0x37: {  	[smem:$0x3FB4] =	sst s10  }
0x38: {  	s10 =	sld [smem:$0x3FB5]  }
0x39: {  	_ = 	snop;
	(pc) =	sbr.ind lr, $3  }
0x3a: {  	_ = 	snop  }
0x3b: {  	_ = 	snop  }
0x3c: {  	p2 =	seq.s32 s10, $0x1;
	s10 =	sld [smem:$0x3FB4]  }
0x3d: {  	_ =	shalt  }
0x3e: {  	_ =	shalt  }
0x3f: {  	_ =	shalt  }
0x40: {  	_ =	shalt  }
0x41: {  	_ =	shalt  }
0x42: {  	_ =	shalt  }
0x43: {  	_ =	shalt  }
0x44: {  	_ =	shalt  }
0x45: {  	_ =	shalt  }
0x46: {  	_ =	shalt  }
0x47: {  	_ =	shalt  }
0x48: {  	_ =	shalt  }
0x49: {  	_ =	shalt  }
0x4a: {  	_ =	shalt  }
0x4b: {  	_ =	shalt  }
0x4c: {  	_ =	shalt  }
0x4d: {  	_ =	shalt  }
0x4e: {  	_ =	shalt  }
0x4f: {  	_ =	shalt  }
0x50: {  	_ =	shalt  }
0x51: {  	_ =	shalt  }
0x52: {  	_ =	shalt  }
0x53: {  	_ =	shalt  }
0x54: {  	_ =	shalt  }
0x55: {  	_ =	shalt  }
0x56: {  	_ =	shalt  }
0x57: {  	_ =	shalt  }
0x58: {  	_ =	shalt  }
0x59: {  	_ =	shalt  }
0x5a: {  	_ =	shalt  }
0x5b: {  	_ =	shalt  }
0x5c: {  	_ =	shalt  }
0x5d: {  	_ =	shalt  }
0x5e: {  	_ =	shalt  }
0x5f: {  	_ =	shalt  }
0x60: {  	_ =	shalt  }
0x61: {  	_ =	shalt  }
0x62: {  	_ =	shalt  }
0x63: {  	_ =	shalt  }
0x64: {  	_ =	shalt  }
0x65: {  	_ =	shalt  }
0x66: {  	_ =	shalt  }
0x67: {  	_ =	shalt  }
0x68: {  	_ =	shalt  }
0x69: {  	_ =	shalt  }
0x6a: {  	_ =	shalt  }
0x6b: {  	_ =	shalt  }
0x6c: {  	_ =	shalt  }
0x6d: {  	_ =	shalt  }
0x6e: {  	_ =	shalt  }
0x6f: {  	_ =	shalt  }
0x70: {  	_ =	shalt  }
0x71: {  	_ =	shalt  }
0x72: {  	_ =	shalt  }
0x73: {  	_ =	shalt  }
0x74: {  	_ =	shalt  }
0x75: {  	_ =	shalt  }
0x76: {  	_ =	shalt  }
0x77: {  	_ =	shalt  }
0x78: {  	_ =	shalt  }
0x79: {  	_ =	shalt  }
0x7a: {  	_ =	shalt  }
0x7b: {  	_ =	shalt  }
0x7c: {  	_ =	shalt  }
0x7d: {  	_ =	shalt  }
0x7e: {  	_ =	shalt  }
0x7f: {  	_ =	shalt  }
0x80: {  	_ =	shalt  }
0x81: {  	_ =	shalt  }
0x82: {  	_ =	shalt  }
0x83: {  	_ =	shalt  }
0x84: {  	_ =	shalt  }
0x85: {  	_ =	shalt  }
0x86: {  	_ =	shalt  }
0x87: {  	_ =	shalt  }
.Lfunc_end0:
.L_simem_size_0:
called_computation_lowered:
.L_overlay_start_0:
0x88: {  	s2 =	sld [smem:$0x3FD9]  }
0x89: {  	s3 =	sld [smem:$0x3FFE];
	_ =	sdelay $0x1  }
0x8a: {  	s1 =	srdreg.scid  }
0x8b: {  	s0 =	sand.u32 $0x1, s1  }
0x8c: {  	s16 =	sshll.u32 s0, $0xA;
	s2 =	sadd.s32 s3, s2  }
0x8d: {  	s2 =	sadd.s32 s2, s16  }
0x8e: {  	[smem:$0x3FC0] =	sst s2  }
0x8f: {  	_ = 	snop  }
0x90: {  	(tm) =	ssettm $0x1  }
0x91: {  	s17 =	sld [smem:$0x3FFB];
	_ =	sdelay $0x3  }
0x92: {  	_ =	strace s17  }
0x93: {  	s2 =	sld [smem:$0x3FFC];
	_ =	sdelay $0x3  }
0x94: {  	_ =	strace s2  }
0x95: {  	s2 =	sld [smem:$0x3FFD];
	_ =	sdelay $0x3  }
0x96: {  	_ =	strace s2  }
0x97: {  	_ =	strace $0x8FFFFFFF  }
0x98: {  	s18 =	sld [smem:$0x3FDB];
	_ =	sdelay $0x1  }
0x99: {  	s19 =	simm.s32 $_scs_section_size  }
0x9a: {  	s4 =	simm.s32 $_size__tile_overlayer_lowered;
	s5 =	simm.s32 $_tile_overlayer_lowered  }
0x9b: {  	s22 =	simm.s32 $0x1BFF;
	s21 =	sshll.u32 s5, $0x1;
	s2 =	sadd.s32 s19, s18  }
0x9c: {  	s6 =	simm.s32 $0x0;
	s20 =	sshll.u32 s4, $0x1;
	s4 =	sadd.s32 s21, s2  }
0x9d: {  	[timem:s6], [sflag:s22] =	dma.local [hbm:s4], s20  }
0x9e: {  	_ =	swait.ge [sflag:s22], s20  }
0x9f: {  	s3 =	ssub.s32 $0x0, s20;
	[sflag:s22] =	ssyncset.done $0x0  }
0xa0: {  	[sflag:s22] =	ssyncadd.s32 s3;
	_ =	sdelay $0x1  }
0xa1: {  	s23 =	simm.s32 $0x1B8B  }
0xa2: {  	_ =	swait.ge [sflag:s23], $0x1  }
0xa3: {  	[sflag:s23] =	ssyncset.done $0x0  }
0xa4: {  	s25 =	simm.s32 $0x1B8E;
	s24 =	sld [smem:$0x3FFE];
	[sflag:s23] =	ssyncadd.s32 $0xFFFFFFFF  }
0xa5: {  	s26 =	simm.s32 $execute0_lowered;
	[smem:$0x3FD2] =	sst s25  }
0xa6: {  	s4 =	sshll.u32 s26, $0x1;
	_ =	strace $0x80000046;
	[dreg:$0x1] =	wrdreg $0xFFFFFFFF  }
0xa7: {  	s28 =	simm.s32 $_size_execute0_lowered;
	s2 =	sadd.s32 s2, s4;
	[dreg:$0x0] =	wrdreg $0x0  }
0xa8: {  	s4 =	sshll.u32 s28, $0x1;
	[dreg:$0x2] =	wrdreg s2  }
0xa9: {  	[dreg:$0x3] =	wrdreg s4  }
0xaa: {  	[dreg:$0x4] =	wrdreg $0xC0  }
0xab: {  	_ =	task [dreg:s6], $0x5FFFF  }
0xac: {  	[dreg:$0x1] =	wrdreg $0xFFFFFFFF  }
0xad: {  	[dreg:$0x0] =	wrdreg $0x60  }
0xae: {  	[dreg:$0x2] =	wrdreg s24  }
0xaf: {  	[dreg:$0x3] =	wrdreg $0x9  }
0xb0: {  	_ =	task.clear_ibuf [dreg:s6], $0x4FFFF;
	_ =	strace $0x90000046  }
0xb1: {  	s29 =	simm.s32 $0x9;
	_ =	strace $0x80000048  }
0xb2: {  	_ =	swait.ge [sflag:s29], $0x1  }
0xb3: {  	[sflag:s29] =	ssyncadd.s32 $0xFFFFFFFF  }
0xb4: {  	_ =	strace $0x90000048  }
0xb5: {  	_ =	sfence  }
0xb6: {  	s30 =	sld [smem:$0x0];
	_ =	sdelay $0x2  }
0xb7: {  	s31 =	sshll.u32 s1, $0xD;
	s1 =	sshrl.u32 s1, $0x2  }
0xb8: {  	s3 =	sand.u32 $0x4000, s31;
	s1 =	sadd.s32 s1, s30  }
0xb9: {  	s0 =	sor.u32 s3, s0;
	s1 =	sshll.u32 s1, $0x11  }
0xba: {  	s0 =	sor.u32 s1, s0  }
0xbb: {  	s0 =	sadd.s32 $0x8F2B, s0  }
0xbc: {  	[sflag:s0] =	ssyncadd.remote.s32 $0x1  }
0xbd: {  	_ =	sfence.sel $0xFFFF  }
0xbe: {  	[dreg:$0x0] =	wrdreg $0xFFFFFFFF;
	(pc) =	sbr.abs _section_cstart, $3  }
0xbf: {  	[dreg:$0x1] =	wrdreg $0xFFFFFFFF  }
0xc0: {  	_ =	task.clear_ibuf [dreg:s6], $0x2FFFF;
	_ =	strace $0x9FFFFFFF  }
0xc1: {  	(tm) =	ssettm $0x7FFFFFFF  }
tec
execute0_lowered:
.L_overlay_start_1:
0x0: {  	(tag) =	ssettag $0x1  }
0x1: {  	s0 =	srdreg.scid  }
0x2: {  	s4 =	rddreg [dreg:$0x0];
	s3 =	sand.u32 $0x1, s0  }
0x3: {  	s1 =	stileid.u32;
	s7 =	simm.s32 $0x2710;
	s2 =	sshll.u32 s3, $0x4  }
0x4: {  	s0 =	rddreg [dreg:$0x1];
	s3 =	ssub.s32 $0x2, s3;
	s5 =	sor.u32 s1, s2  }
0x5: {  	s2 =	simm.s32 $0x0;
	s6 =	sshrl.u32 s3, $0x1;
	s5 =	smul.u32 $0x4E2, s5  }
0x6: {  	s8 =	simm.s32 $0x0;
	[smem:$0x7FF] =	sst s2;
	s31 =	ssub.s32 s3, s6  }
0x7: {  	s6 =	simm.s32 $0x1;
	_ =	strace $0x80000047;
	s4 =	sadd.s32 s5, s4  }
0x8: {  	v0 =	vimm.f32 $0.0e+00;
	v1 =	vimm.f32 $1.000000000e+00;
	s5 =	smax.u32 s31, $0x1;
	s3 =	sadd.s32 $0xC400, s4;
	s4 =	sadd.s32 $0x16200, s4  }
.LBB2_1:
0x9: {  	s9 =	simm.s32 $0x40;
	s10 =	simm.s32 $0x0  }
.LBB2_2:
0xa: {  	p0 =	sne.s32 s9, $0x9C00;
	[tilespmem:s10+$0x2710] =	vst v0;
	s10 =	smov.u32 s9;
	s9 =	sadd.s32 $0x40, s9  }
.Ltmp0:
0xb: {  	(pc) =	sbr.rel @p0 .LBB2_2-.Ltmp0, $2  }
0xc: {  	_ =	sdelay $0x2  }
0xd: {  	s10 =	sshra.s32 s10, $0x2  }
0xe: {  	[tilespmem:s10+$0x2710] =	vst v0;
	s9 =	simm.s32 $0x0  }
0xf: {  	[tilespmem:s9], [sflag:$0x1] =	stream.linear.gather [hbm4b:s3+s9], $0x2710, $0x38;
	[tilespmem:$0x4E20] =	vst v63  }
0x10: {  	_ =	swait.ge [sflag:s6], $0x2710  }
0x11: {  	[sflag:s6] =	ssyncset.done $0x0  }
0x12: {  	s10 =	simm.s32 $0x0;
	s9 =	simm.s32 $0x40;
	[sflag:s6] =	ssyncadd.s32 $0xFFFFD8F0  }
.LBB2_4:
0x13: {  	p0 =	sne.s32 s9, $0x9C00;
	v2 =	vld [tilespmem:s10+$0x0];
	_ =	sdelay $0x3  }
.Ltmp1:
0x14: {  	(pc) =	sbr.rel @p0 .LBB2_4-.Ltmp1, $2  }
0x15: {  	_ =	sdelay $0x2  }
0x16: {  	s10 =	sshra.s32 s9, $0x2;
	s9 =	sadd.s32 $0x40, s9;
	[tilespmem:v2+s7+$0x0] =	vst.idx.add.f32.msk $0xffff, v1  }
0x17: {  	v2 =	vld [tilespmem:s10+$0x0];
	_ =	sdelay $0x5  }
0x18: {  	s8 =	sadd.s32 $0x1, s8  }
0x19: {  	p0 =	sne.s32 s8, s5  }
.Ltmp2:
0x1a: {  	[tilespmem:v2+s7+$0x0] =	vst.idx.add.f32.msk $0xffff, v1;
	(pc) =	sbr.rel @p0 .LBB2_1-.Ltmp2, $4  }
0x1b: {  	[hbm4b:s4+s2] =	stream.linear.scatter [tilespmem:s7], [sflag:$0x1], $0x2710, $0x38;
	[tilespmem:$0x4E20] =	vst v63  }
0x1c: {  	_ =	swait.ge [sflag:s6], $0x2710  }
0x1d: {  	[sflag:s6] =	ssyncset.done $0x0  }
0x1e: {  	[sflag:s6] =	ssyncadd.s32 $0xFFFFD8F0  }
0x1f: {  	_ =	sfence.sel $0x180000  }
0x20: {  	[bflag:$0x0] =	sbarrier.arrive $0xFFFF  }
0x21: {  	p0 =	sne.s32 s1, $0x0;
	_ =	strace $0x90000047  }
0x22: {  	s0 =	sadd.s32 @!p0 $0x100000, s0;
	[bflag:$0x2] =	sbarrier.arrive $0xFFFF  }
0x23: {  	[sflag:s0] =	ssyncadd.tile.s32 @!p0 $0x1;
	_ =	shalt  }
.Lfunc_end2:
_tile_overlayer_lowered:
.L_overlay_start_2:
0x24: {  	(tag) =	ssettag $0x2  }
0x25: {  	s0 =	rddreg [dreg:$0x0];
	s2 =	stileid.u32  }
0x26: {  	s1 =	rddreg [dreg:$0x1];
	p0 =	sne.s32 s2, $0x0  }
0x27: {  	s3 =	rddreg [dreg:$0x2];
	[bflag:$0x3] =	sbarrier.arrive $0xFFFF;
	s2 =	simm.s32 @!p0 $0x1C01  }
0x28: {  	[timem:s3], [sflag:s2] =	dma.local @!p0 [hbm:s0], s1  }
0x29: {  	s0 =	simm.s32 @!p0 $0x1  }
0x2a: {  	_ =	swait.ge @!p0 [sflag:s0], s1  }
0x2b: {  	s1 =	ssub.s32 @!p0 $0x0, s1;
	[sflag:s0] =	ssyncset.done @!p0 $0x0  }
0x2c: {  	[sflag:s0] =	ssyncadd.s32 @!p0 s1  }
0x2d: {  	[bflag:$0x3] =	sbarrier.arrive $0xFFFF  }
0x2e: {  	_ =	shalt  }

</sc_bundles>
